<compile_context>
chip_gen: v7x
topology: tpu7x:2x2x1
jax: 0.10.2.dev20260603
libtpu: 0.0.44.dev20260713+nightly
codegen_flags: <defaults>
</compile_context>

<pallas_src>
import functools

import jax
import jax.numpy as jnp
from jax import lax
from jax.experimental import pallas as pl
from jax.experimental.pallas import tpu as pltpu
from jax.experimental.pallas import tpu_sc as plsc

_HCHUNK = 80
_CHUNK = 40
_NTILES = 16
_NCORES = 2


def _hist_kernel(n_hchunks, n):
    cpt = n_hchunks // _NTILES
    win = 16
    mesh = plsc.VectorSubcoreMesh(core_axis_name="c", subcore_axis_name="s")

    @functools.partial(
        pl.kernel,
        out_type=jax.ShapeDtypeStruct((_NCORES * n,), jnp.float32),
        mesh=mesh,
        scratch_types=[
            pltpu.VMEM((cpt, _HCHUNK), jnp.int32),
            pltpu.VMEM((_HCHUNK,), jnp.float32),
            pltpu.VMEM((n,), jnp.float32),
            pltpu.VMEM_SHARED((n,), jnp.float32),
            pltpu.SemaphoreType.DMA,
        ],
    )
    def hist(edges_hbm, hists_hbm, idx_v, ones_v, stage_v, hist_sh, ss):
        cid = lax.axis_index("c")
        sid = lax.axis_index("s")
        for i in range(_HCHUNK // 16):
            ones_v[pl.ds(16 * i, 16)] = jnp.ones((16,), jnp.float32)

        @pl.when(sid == 0)
        def _zero():
            def zbody(i, carry):
                off = pl.multiple_of(i * 16, 16)
                stage_v[pl.ds(off, 16)] = jnp.zeros((16,), jnp.float32)
                return carry

            lax.fori_loop(0, n // 16, zbody, 0)
            pltpu.sync_copy(stage_v, hist_sh)

        plsc.subcore_barrier()
        pltpu.sync_copy(edges_hbm.at[cid, sid], idx_v)

        def drain1():
            pltpu.make_async_copy(
                hists_hbm.at[pl.ds(0, _HCHUNK)],
                stage_v.at[pl.ds(0, _HCHUNK)], ss).wait()

        def body(j, carry):
            pltpu.async_copy(ones_v, hist_sh.at[idx_v.at[j]], ss, add=True)

            @pl.when(j >= win)
            def _():
                drain1()

            return carry

        lax.fori_loop(0, cpt, body, 0)
        for _ in range(win):
            drain1()
        plsc.subcore_barrier()

        @pl.when(sid == 0)
        def _drain():
            pltpu.sync_copy(hist_sh, stage_v)
            pltpu.sync_copy(stage_v, hists_hbm.at[pl.ds(cid * n, n)])

    return hist


def _agg_kernel(n_chunks, n, d):
    nw = _NCORES * _NTILES
    cpw = n_chunks // nw
    nblk = 5
    cpb = cpw // nblk
    nit = (cpb - 2) // 6
    rpt = 624
    rpt_last = n - rpt * (_NTILES - 1)
    mesh = plsc.VectorSubcoreMesh(core_axis_name="c", subcore_axis_name="s")

    @functools.partial(
        pl.kernel,
        out_type=jax.ShapeDtypeStruct((_NCORES, n, d), jnp.float32),
        mesh=mesh,
        scratch_types=[
            pltpu.VMEM((cpb, _CHUNK), jnp.int32),
            pltpu.VMEM((cpb, _CHUNK), jnp.int32),
            pltpu.VMEM((6, _CHUNK, d), jnp.float32),
            pltpu.VMEM((8, d), jnp.float32),
            pltpu.VMEM_SHARED((n, d), jnp.float32),
            pltpu.SemaphoreType.DMA((6,)),
            pltpu.SemaphoreType.DMA((6,)),
        ],
    )
    def agg(h_hbm, edges_hbm, parts_hbm, src_v, dst_v, rows_v, zero_v,
            agg_sh, sg, ss):
        cid = lax.axis_index("c")
        sid = lax.axis_index("s")
        wid = cid * _NTILES + sid

        for i in range(8):
            for jj in range(d // 16):
                zero_v[i, pl.ds(16 * jj, 16)] = jnp.zeros((16,), jnp.float32)

        nz = lax.select(sid == _NTILES - 1, rpt_last // 8, rpt // 8)

        def zbody(i, carry):
            off = pl.multiple_of(sid * rpt + i * 8, 8)
            pltpu.sync_copy(zero_v, agg_sh.at[pl.ds(off, 8)])
            return carry

        lax.fori_loop(0, nz, zbody, 0)

        plsc.subcore_barrier()

        def drain_scat(bi):
            pltpu.make_async_copy(
                h_hbm.at[pl.ds(0, _CHUNK)], rows_v.at[0], ss.at[bi]).wait()

        def drain_gath(bi):
            pltpu.make_async_copy(
                h_hbm.at[pl.ds(0, _CHUNK)], rows_v.at[0], sg.at[bi]).wait()

        def gath(c, bi):
            pltpu.async_copy(h_hbm.at[src_v.at[c]], rows_v.at[bi], sg.at[bi])

        def scat(c, bi):
            pltpu.async_copy(rows_v.at[bi], agg_sh.at[dst_v.at[c]],
                             ss.at[bi], add=True)

        def blk_body(b, carry):
            pltpu.sync_copy(edges_hbm.at[0, wid, b], src_v)
            pltpu.sync_copy(edges_hbm.at[1, wid, b], dst_v)
            gath(0, 0)
            gath(1, 1)
            gath(2, 2)

            def ring(k, carry2):
                c = k * 6
                for j in range(6):
                    cj = c + j
                    bn = (j + 3) % 6

                    if j < 3:
                        @pl.when(k > 0)
                        def _():
                            drain_scat(bn)
                    else:
                        drain_scat(bn)

                    @pl.when(cj + 3 < cpb)
                    def _():
                        gath(cj + 3, bn)

                    drain_gath(j)
                    scat(cj, j)
                return carry2

            lax.fori_loop(0, nit, ring, 0)
            c0 = nit * 6
            drain_gath(0)
            scat(c0, 0)
            drain_gath(1)
            scat(c0 + 1, 1)
            for bi in (3, 4, 5, 0, 1):
                drain_scat(bi)
            return carry

        lax.fori_loop(0, nblk, blk_body, 0)
        plsc.subcore_barrier()

        @pl.when(sid < _NTILES - 1)
        def _drain():
            z0 = sid * rpt
            pltpu.sync_copy(agg_sh.at[pl.ds(z0, rpt)],
                            parts_hbm.at[cid, pl.ds(z0, rpt)])

        @pl.when(sid == _NTILES - 1)
        def _drain_last():
            z0 = (_NTILES - 1) * rpt
            pltpu.sync_copy(agg_sh.at[pl.ds(z0, rpt_last)],
                            parts_hbm.at[cid, pl.ds(z0, rpt_last)])

    return agg


def _scale_rows(x, deg):
    n, d = x.shape
    blk = 1000

    def body(x_ref, deg_ref, o_ref):
        dg = jnp.maximum(deg_ref[...], 1.0)
        o_ref[...] = x_ref[...] * lax.rsqrt(dg)

    return pl.pallas_call(
        body,
        grid=(n // blk,),
        in_specs=[
            pl.BlockSpec((blk, d), lambda i: (i, 0)),
            pl.BlockSpec((blk, 1), lambda i: (i, 0)),
        ],
        out_specs=pl.BlockSpec((blk, d), lambda i: (i, 0)),
        out_shape=jax.ShapeDtypeStruct((n, d), jnp.float32),
    )(x, deg)


def _finish(p0, p1, indeg, w, b):
    n, d = p0.shape
    blk = 1000

    def body(p0_ref, p1_ref, dg_ref, w_ref, b_ref, o_ref):
        a = (p0_ref[...] + p1_ref[...]) * lax.rsqrt(
            jnp.maximum(dg_ref[...], 1.0))
        acc = jnp.dot(a, w_ref[...], preferred_element_type=jnp.float32)
        o_ref[...] = jnp.maximum(acc + b_ref[...], 0.0)

    return pl.pallas_call(
        body,
        grid=(n // blk,),
        in_specs=[
            pl.BlockSpec((blk, d), lambda i: (i, 0)),
            pl.BlockSpec((blk, d), lambda i: (i, 0)),
            pl.BlockSpec((blk, 1), lambda i: (i, 0)),
            pl.BlockSpec((d, d), lambda i: (0, 0)),
            pl.BlockSpec((1, d), lambda i: (0, 0)),
        ],
        out_specs=pl.BlockSpec((blk, d), lambda i: (i, 0)),
        out_shape=jax.ShapeDtypeStruct((n, d), jnp.float32),
    )(p0, p1, indeg, w, b)


def kernel(x, edge_index, W, b):
    n, d = x.shape
    e = edge_index.shape[1]
    n_hchunks = e // _HCHUNK
    n_chunks = e // _CHUNK
    nw = _NCORES * _NTILES
    edges_h = edge_index.reshape(2, _NTILES, n_hchunks // _NTILES, _HCHUNK)
    edges_a = edge_index.reshape(2, nw, 5, n_chunks // (nw * 5), _CHUNK)

    hists = _hist_kernel(n_hchunks, n)(edges_h)
    outdeg = hists[:n].reshape(n, 1)
    indeg = hists[n:].reshape(n, 1)
    h = _scale_rows(x, outdeg)
    parts = _agg_kernel(n_chunks, n, d)(h, edges_a)
    return _finish(parts[0], parts[1], indeg, W, b.reshape(1, d))

# --- scband reference (transcript-rebuilt; emitter-appended) ---
"""Pipeline reference for scband-gcnblock-43920335568926 (READ-ONLY COPY).

The authoritative reference and input builder live on the scoring server;
editing this copy changes nothing except your own understanding.
"""

import jax, jax.numpy as jnp
import numpy as np

N = 10000
E = 320000
D = 128

def setup_inputs(seed: int = 0) -> dict:
    key = jax.random.key(seed)
    k1, k2, k3, k4 = jax.random.split(key, 4)
    x = jax.random.normal(k1, (N, D), dtype=jnp.float32)
    edge_index = jax.random.randint(k2, (2, E), 0, N, dtype=jnp.int32)
    # GraphConv learned parameters (glorot-ish init)
    W = jax.random.normal(k3, (D, D), dtype=jnp.float32) * (1.0 / np.sqrt(D))
    b = jnp.zeros((D,), dtype=jnp.float32)
    return {"x": x, "edge_index": edge_index, "W": W, "b": b}


def reference(x, edge_index, W, b):
    # GCNBlock forward (eval mode): dropout(p=0) -> GraphConv(norm='both') -> Identity BN -> ReLU
    n = x.shape[0]
    src = edge_index[0]
    dst = edge_index[1]
    ones_e = jnp.ones((src.shape[0],), dtype=x.dtype)
    # left normalization: out-degree of src nodes, D_out^{-1/2}
    out_deg = jax.ops.segment_sum(ones_e, src, num_segments=n)
    norm_src = jnp.clip(out_deg, 1.0, None) ** (-0.5)
    h = x * norm_src[:, None]
    # message passing: gather from src, scatter-add to dst
    msg = h[src]
    agg = jax.ops.segment_sum(msg, dst, num_segments=n)
    # right normalization: in-degree of dst nodes, D_in^{-1/2}
    in_deg = jax.ops.segment_sum(ones_e, dst, num_segments=n)
    norm_dst = jnp.clip(in_deg, 1.0, None) ** (-0.5)
    agg = agg * norm_dst[:, None]
    # in_feats == out_feats -> DGL applies weight AFTER aggregation
    out = agg @ W + b
    return jax.nn.relu(out)

if __name__ == "__main__":
    import jax
    _d = setup_inputs()
    print(jax.jit(kernel)(*tuple(_d.values())))

</pallas_src>

<mosaic_0001>
#map = affine_map<(d0, d1) -> (0, 0)>
#map1 = affine_map<(d0, d1) -> (0, 0, 0, 0, 0)>
#map2 = affine_map<(d0, d1) -> (0, 0, 0)>
module attributes {stable_mosaic.version = 14 : i64} {
  func.func @agg(%arg0: i32, %arg1: i32, %arg2: memref<10000x128xf32, #tpu.memory_space<hbm>>, %arg3: memref<2x32x5x50x40xi32, #tpu.memory_space<hbm>>, %arg4: memref<2x10000x128xf32, #tpu.memory_space<hbm>>, %arg5: memref<50x40xi32, #tpu.memory_space<vmem>>, %arg6: memref<50x40xi32, #tpu.memory_space<vmem>>, %arg7: memref<6x40x128xf32, #tpu.memory_space<vmem>>, %arg8: memref<8x128xf32, #tpu.memory_space<vmem>>, %arg9: memref<10000x128xf32, #tpu.memory_space<vmem_shared>>, %arg10: memref<6x!tpu.dma_semaphore, #tpu.memory_space<semaphore_mem>>, %arg11: memref<6x!tpu.dma_semaphore, #tpu.memory_space<semaphore_mem>>) attributes {dimension_semantics = [#tpu.dimension_semantics<core_parallel>, #tpu.dimension_semantics<subcore_parallel>], iteration_bounds = array<i64: 2, 16>, scalar_prefetch = 0 : i64, scratch_operands = 7 : i64, tpu.core_type = #tpu.core_type<sc_vector_subcore>, window_params = [{transform_indices = #map}, {transform_indices = #map1}, {transform_indices = #map2}]} {
    %mul3A = arith.constant 16 : i32
    %mul3A_0 = arith.muli %arg0, %mul3A : i32
    %add3A = arith.addi %mul3A_0, %arg1 : i32
    %broadcast_in_dim3A = arith.constant 0.000000e+00 : f32
    %broadcast_in_dim3A_1 = vector.broadcast %broadcast_in_dim3A : f32 to vector<16xf32>
    %swap3A = arith.constant 0 : i32
    %swap3A_2 = arith.index_cast %swap3A : i32 to index
    %swap3A_3 = arith.constant 0 : index
    %swap3A_4 = tpu.vector_load %arg8[%swap3A_2, %swap3A_3] {strides = array<i32>} : memref<8x128xf32, #tpu.memory_space<vmem>>, vector<1x16xf32>,
    %swap3A_5 = vector.shape_cast %swap3A_4 : vector<1x16xf32> to vector<16xf32>
    %swap3A_6 = vector.shape_cast %broadcast_in_dim3A_1 : vector<16xf32> to vector<1x16xf32>
    tpu.vector_store %arg8[%swap3A_2, %swap3A_3], %swap3A_6 {strides = array<i32>} : memref<8x128xf32, #tpu.memory_space<vmem>>, vector<1x16xf32>,
    %broadcast_in_dim3A_7 = arith.constant 0.000000e+00 : f32
    %broadcast_in_dim3A_8 = vector.broadcast %broadcast_in_dim3A_7 : f32 to vector<16xf32>
    %swap3A_9 = arith.constant 0 : i32
    %swap3A_10 = arith.index_cast %swap3A_9 : i32 to index
    %swap3A_11 = arith.constant 16 : index
    %swap3A_12 = tpu.vector_load %arg8[%swap3A_10, %swap3A_11] {strides = array<i32>} : memref<8x128xf32, #tpu.memory_space<vmem>>, vector<1x16xf32>,
    %swap3A_13 = vector.shape_cast %swap3A_12 : vector<1x16xf32> to vector<16xf32>
    %swap3A_14 = vector.shape_cast %broadcast_in_dim3A_8 : vector<16xf32> to vector<1x16xf32>
    tpu.vector_store %arg8[%swap3A_10, %swap3A_11], %swap3A_14 {strides = array<i32>} : memref<8x128xf32, #tpu.memory_space<vmem>>, vector<1x16xf32>,
    %broadcast_in_dim3A_15 = arith.constant 0.000000e+00 : f32
    %broadcast_in_dim3A_16 = vector.broadcast %broadcast_in_dim3A_15 : f32 to vector<16xf32>
    %swap3A_17 = arith.constant 0 : i32
    %swap3A_18 = arith.index_cast %swap3A_17 : i32 to index
    %swap3A_19 = arith.constant 32 : index
    %swap3A_20 = tpu.vector_load %arg8[%swap3A_18, %swap3A_19] {strides = array<i32>} : memref<8x128xf32, #tpu.memory_space<vmem>>, vector<1x16xf32>,
    %swap3A_21 = vector.shape_cast %swap3A_20 : vector<1x16xf32> to vector<16xf32>
    %swap3A_22 = vector.shape_cast %broadcast_in_dim3A_16 : vector<16xf32> to vector<1x16xf32>
    tpu.vector_store %arg8[%swap3A_18, %swap3A_19], %swap3A_22 {strides = array<i32>} : memref<8x128xf32, #tpu.memory_space<vmem>>, vector<1x16xf32>,
    %broadcast_in_dim3A_23 = arith.constant 0.000000e+00 : f32
    %broadcast_in_dim3A_24 = vector.broadcast %broadcast_in_dim3A_23 : f32 to vector<16xf32>
    %swap3A_25 = arith.constant 0 : i32
    %swap3A_26 = arith.index_cast %swap3A_25 : i32 to index
    %swap3A_27 = arith.constant 48 : index
    %swap3A_28 = tpu.vector_load %arg8[%swap3A_26, %swap3A_27] {strides = array<i32>} : memref<8x128xf32, #tpu.memory_space<vmem>>, vector<1x16xf32>,
    %swap3A_29 = vector.shape_cast %swap3A_28 : vector<1x16xf32> to vector<16xf32>
    %swap3A_30 = vector.shape_cast %broadcast_in_dim3A_24 : vector<16xf32> to vector<1x16xf32>
    tpu.vector_store %arg8[%swap3A_26, %swap3A_27], %swap3A_30 {strides = array<i32>} : memref<8x128xf32, #tpu.memory_space<vmem>>, vector<1x16xf32>,
    %broadcast_in_dim3A_31 = arith.constant 0.000000e+00 : f32
    %broadcast_in_dim3A_32 = vector.broadcast %broadcast_in_dim3A_31 : f32 to vector<16xf32>
    %swap3A_33 = arith.constant 0 : i32
    %swap3A_34 = arith.index_cast %swap3A_33 : i32 to index
    %swap3A_35 = arith.constant 64 : index
    %swap3A_36 = tpu.vector_load %arg8[%swap3A_34, %swap3A_35] {strides = array<i32>} : memref<8x128xf32, #tpu.memory_space<vmem>>, vector<1x16xf32>,
    %swap3A_37 = vector.shape_cast %swap3A_36 : vector<1x16xf32> to vector<16xf32>
    %swap3A_38 = vector.shape_cast %broadcast_in_dim3A_32 : vector<16xf32> to vector<1x16xf32>
    tpu.vector_store %arg8[%swap3A_34, %swap3A_35], %swap3A_38 {strides = array<i32>} : memref<8x128xf32, #tpu.memory_space<vmem>>, vector<1x16xf32>,
    %broadcast_in_dim3A_39 = arith.constant 0.000000e+00 : f32
    %broadcast_in_dim3A_40 = vector.broadcast %broadcast_in_dim3A_39 : f32 to vector<16xf32>
    %swap3A_41 = arith.constant 0 : i32
    %swap3A_42 = arith.index_cast %swap3A_41 : i32 to index
    %swap3A_43 = arith.constant 80 : index
    %swap3A_44 = tpu.vector_load %arg8[%swap3A_42, %swap3A_43] {strides = array<i32>} : memref<8x128xf32, #tpu.memory_space<vmem>>, vector<1x16xf32>,
    %swap3A_45 = vector.shape_cast %swap3A_44 : vector<1x16xf32> to vector<16xf32>
    %swap3A_46 = vector.shape_cast %broadcast_in_dim3A_40 : vector<16xf32> to vector<1x16xf32>
    tpu.vector_store %arg8[%swap3A_42, %swap3A_43], %swap3A_46 {strides = array<i32>} : memref<8x128xf32, #tpu.memory_space<vmem>>, vector<1x16xf32>,
    %broadcast_in_dim3A_47 = arith.constant 0.000000e+00 : f32
    %broadcast_in_dim3A_48 = vector.broadcast %broadcast_in_dim3A_47 : f32 to vector<16xf32>
    %swap3A_49 = arith.constant 0 : i32
    %swap3A_50 = arith.index_cast %swap3A_49 : i32 to index
    %swap3A_51 = arith.constant 96 : index
    %swap3A_52 = tpu.vector_load %arg8[%swap3A_50, %swap3A_51] {strides = array<i32>} : memref<8x128xf32, #tpu.memory_space<vmem>>, vector<1x16xf32>,
    %swap3A_53 = vector.shape_cast %swap3A_52 : vector<1x16xf32> to vector<16xf32>
    %swap3A_54 = vector.shape_cast %broadcast_in_dim3A_48 : vector<16xf32> to vector<1x16xf32>
    tpu.vector_store %arg8[%swap3A_50, %swap3A_51], %swap3A_54 {strides = array<i32>} : memref<8x128xf32, #tpu.memory_space<vmem>>, vector<1x16xf32>,
    %broadcast_in_dim3A_55 = arith.constant 0.000000e+00 : f32
    %broadcast_in_dim3A_56 = vector.broadcast %broadcast_in_dim3A_55 : f32 to vector<16xf32>
    %swap3A_57 = arith.constant 0 : i32
    %swap3A_58 = arith.index_cast %swap3A_57 : i32 to index
    %swap3A_59 = arith.constant 112 : index
    %swap3A_60 = tpu.vector_load %arg8[%swap3A_58, %swap3A_59] {strides = array<i32>} : memref<8x128xf32, #tpu.memory_space<vmem>>, vector<1x16xf32>,
    %swap3A_61 = vector.shape_cast %swap3A_60 : vector<1x16xf32> to vector<16xf32>
    %swap3A_62 = vector.shape_cast %broadcast_in_dim3A_56 : vector<16xf32> to vector<1x16xf32>
    tpu.vector_store %arg8[%swap3A_58, %swap3A_59], %swap3A_62 {strides = array<i32>} : memref<8x128xf32, #tpu.memory_space<vmem>>, vector<1x16xf32>,
    %broadcast_in_dim3A_63 = arith.constant 0.000000e+00 : f32
    %broadcast_in_dim3A_64 = vector.broadcast %broadcast_in_dim3A_63 : f32 to vector<16xf32>
    %swap3A_65 = arith.constant 1 : i32
    %swap3A_66 = arith.index_cast %swap3A_65 : i32 to index
    %swap3A_67 = arith.constant 0 : index
    %swap3A_68 = tpu.vector_load %arg8[%swap3A_66, %swap3A_67] {strides = array<i32>} : memref<8x128xf32, #tpu.memory_space<vmem>>, vector<1x16xf32>,
    %swap3A_69 = vector.shape_cast %swap3A_68 : vector<1x16xf32> to vector<16xf32>
    %swap3A_70 = vector.shape_cast %broadcast_in_dim3A_64 : vector<16xf32> to vector<1x16xf32>
    tpu.vector_store %arg8[%swap3A_66, %swap3A_67], %swap3A_70 {strides = array<i32>} : memref<8x128xf32, #tpu.memory_space<vmem>>, vector<1x16xf32>,
    %broadcast_in_dim3A_71 = arith.constant 0.000000e+00 : f32
    %broadcast_in_dim3A_72 = vector.broadcast %broadcast_in_dim3A_71 : f32 to vector<16xf32>
    %swap3A_73 = arith.constant 1 : i32
    %swap3A_74 = arith.index_cast %swap3A_73 : i32 to index
    %swap3A_75 = arith.constant 16 : index
    %swap3A_76 = tpu.vector_load %arg8[%swap3A_74, %swap3A_75] {strides = array<i32>} : memref<8x128xf32, #tpu.memory_space<vmem>>, vector<1x16xf32>,
    %swap3A_77 = vector.shape_cast %swap3A_76 : vector<1x16xf32> to vector<16xf32>
    %swap3A_78 = vector.shape_cast %broadcast_in_dim3A_72 : vector<16xf32> to vector<1x16xf32>
    tpu.vector_store %arg8[%swap3A_74, %swap3A_75], %swap3A_78 {strides = array<i32>} : memref<8x128xf32, #tpu.memory_space<vmem>>, vector<1x16xf32>,
    %broadcast_in_dim3A_79 = arith.constant 0.000000e+00 : f32
    %broadcast_in_dim3A_80 = vector.broadcast %broadcast_in_dim3A_79 : f32 to vector<16xf32>
    %swap3A_81 = arith.constant 1 : i32
    %swap3A_82 = arith.index_cast %swap3A_81 : i32 to index
    %swap3A_83 = arith.constant 32 : index
    %swap3A_84 = tpu.vector_load %arg8[%swap3A_82, %swap3A_83] {strides = array<i32>} : memref<8x128xf32, #tpu.memory_space<vmem>>, vector<1x16xf32>,
    %swap3A_85 = vector.shape_cast %swap3A_84 : vector<1x16xf32> to vector<16xf32>
    %swap3A_86 = vector.shape_cast %broadcast_in_dim3A_80 : vector<16xf32> to vector<1x16xf32>
    tpu.vector_store %arg8[%swap3A_82, %swap3A_83], %swap3A_86 {strides = array<i32>} : memref<8x128xf32, #tpu.memory_space<vmem>>, vector<1x16xf32>,
    %broadcast_in_dim3A_87 = arith.constant 0.000000e+00 : f32
    %broadcast_in_dim3A_88 = vector.broadcast %broadcast_in_dim3A_87 : f32 to vector<16xf32>
    %swap3A_89 = arith.constant 1 : i32
    %swap3A_90 = arith.index_cast %swap3A_89 : i32 to index
    %swap3A_91 = arith.constant 48 : index
    %swap3A_92 = tpu.vector_load %arg8[%swap3A_90, %swap3A_91] {strides = array<i32>} : memref<8x128xf32, #tpu.memory_space<vmem>>, vector<1x16xf32>,
    %swap3A_93 = vector.shape_cast %swap3A_92 : vector<1x16xf32> to vector<16xf32>
    %swap3A_94 = vector.shape_cast %broadcast_in_dim3A_88 : vector<16xf32> to vector<1x16xf32>
    tpu.vector_store %arg8[%swap3A_90, %swap3A_91], %swap3A_94 {strides = array<i32>} : memref<8x128xf32, #tpu.memory_space<vmem>>, vector<1x16xf32>,
    %broadcast_in_dim3A_95 = arith.constant 0.000000e+00 : f32
    %broadcast_in_dim3A_96 = vector.broadcast %broadcast_in_dim3A_95 : f32 to vector<16xf32>
    %swap3A_97 = arith.constant 1 : i32
    %swap3A_98 = arith.index_cast %swap3A_97 : i32 to index
    %swap3A_99 = arith.constant 64 : index
    %swap3A_100 = tpu.vector_load %arg8[%swap3A_98, %swap3A_99] {strides = array<i32>} : memref<8x128xf32, #tpu.memory_space<vmem>>, vector<1x16xf32>,
    %swap3A_101 = vector.shape_cast %swap3A_100 : vector<1x16xf32> to vector<16xf32>
    %swap3A_102 = vector.shape_cast %broadcast_in_dim3A_96 : vector<16xf32> to vector<1x16xf32>
    tpu.vector_store %arg8[%swap3A_98, %swap3A_99], %swap3A_102 {strides = array<i32>} : memref<8x128xf32, #tpu.memory_space<vmem>>, vector<1x16xf32>,
    %broadcast_in_dim3A_103 = arith.constant 0.000000e+00 : f32
    %broadcast_in_dim3A_104 = vector.broadcast %broadcast_in_dim3A_103 : f32 to vector<16xf32>
    %swap3A_105 = arith.constant 1 : i32
    %swap3A_106 = arith.index_cast %swap3A_105 : i32 to index
    %swap3A_107 = arith.constant 80 : index
    %swap3A_108 = tpu.vector_load %arg8[%swap3A_106, %swap3A_107] {strides = array<i32>} : memref<8x128xf32, #tpu.memory_space<vmem>>, vector<1x16xf32>,
    %swap3A_109 = vector.shape_cast %swap3A_108 : vector<1x16xf32> to vector<16xf32>
    %swap3A_110 = vector.shape_cast %broadcast_in_dim3A_104 : vector<16xf32> to vector<1x16xf32>
    tpu.vector_store %arg8[%swap3A_106, %swap3A_107], %swap3A_110 {strides = array<i32>} : memref<8x128xf32, #tpu.memory_space<vmem>>, vector<1x16xf32>,
    %broadcast_in_dim3A_111 = arith.constant 0.000000e+00 : f32
    %broadcast_in_dim3A_112 = vector.broadcast %broadcast_in_dim3A_111 : f32 to vector<16xf32>
    %swap3A_113 = arith.constant 1 : i32
    %swap3A_114 = arith.index_cast %swap3A_113 : i32 to index
    %swap3A_115 = arith.constant 96 : index
    %swap3A_116 = tpu.vector_load %arg8[%swap3A_114, %swap3A_115] {strides = array<i32>} : memref<8x128xf32, #tpu.memory_space<vmem>>, vector<1x16xf32>,
    %swap3A_117 = vector.shape_cast %swap3A_116 : vector<1x16xf32> to vector<16xf32>
    %swap3A_118 = vector.shape_cast %broadcast_in_dim3A_112 : vector<16xf32> to vector<1x16xf32>
    tpu.vector_store %arg8[%swap3A_114, %swap3A_115], %swap3A_118 {strides = array<i32>} : memref<8x128xf32, #tpu.memory_space<vmem>>, vector<1x16xf32>,
    %broadcast_in_dim3A_119 = arith.constant 0.000000e+00 : f32
    %broadcast_in_dim3A_120 = vector.broadcast %broadcast_in_dim3A_119 : f32 to vector<16xf32>
    %swap3A_121 = arith.constant 1 : i32
    %swap3A_122 = arith.index_cast %swap3A_121 : i32 to index
    %swap3A_123 = arith.constant 112 : index
    %swap3A_124 = tpu.vector_load %arg8[%swap3A_122, %swap3A_123] {strides = array<i32>} : memref<8x128xf32, #tpu.memory_space<vmem>>, vector<1x16xf32>,
    %swap3A_125 = vector.shape_cast %swap3A_124 : vector<1x16xf32> to vector<16xf32>
    %swap3A_126 = vector.shape_cast %broadcast_in_dim3A_120 : vector<16xf32> to vector<1x16xf32>
    tpu.vector_store %arg8[%swap3A_122, %swap3A_123], %swap3A_126 {strides = array<i32>} : memref<8x128xf32, #tpu.memory_space<vmem>>, vector<1x16xf32>,
    %broadcast_in_dim3A_127 = arith.constant 0.000000e+00 : f32
    %broadcast_in_dim3A_128 = vector.broadcast %broadcast_in_dim3A_127 : f32 to vector<16xf32>
    %swap3A_129 = arith.constant 2 : i32
    %swap3A_130 = arith.index_cast %swap3A_129 : i32 to index
    %swap3A_131 = arith.constant 0 : index
    %swap3A_132 = tpu.vector_load %arg8[%swap3A_130, %swap3A_131] {strides = array<i32>} : memref<8x128xf32, #tpu.memory_space<vmem>>, vector<1x16xf32>,
    %swap3A_133 = vector.shape_cast %swap3A_132 : vector<1x16xf32> to vector<16xf32>
    %swap3A_134 = vector.shape_cast %broadcast_in_dim3A_128 : vector<16xf32> to vector<1x16xf32>
    tpu.vector_store %arg8[%swap3A_130, %swap3A_131], %swap3A_134 {strides = array<i32>} : memref<8x128xf32, #tpu.memory_space<vmem>>, vector<1x16xf32>,
    %broadcast_in_dim3A_135 = arith.constant 0.000000e+00 : f32
    %broadcast_in_dim3A_136 = vector.broadcast %broadcast_in_dim3A_135 : f32 to vector<16xf32>
    %swap3A_137 = arith.constant 2 : i32
    %swap3A_138 = arith.index_cast %swap3A_137 : i32 to index
    %swap3A_139 = arith.constant 16 : index
    %swap3A_140 = tpu.vector_load %arg8[%swap3A_138, %swap3A_139] {strides = array<i32>} : memref<8x128xf32, #tpu.memory_space<vmem>>, vector<1x16xf32>,
    %swap3A_141 = vector.shape_cast %swap3A_140 : vector<1x16xf32> to vector<16xf32>
    %swap3A_142 = vector.shape_cast %broadcast_in_dim3A_136 : vector<16xf32> to vector<1x16xf32>
    tpu.vector_store %arg8[%swap3A_138, %swap3A_139], %swap3A_142 {strides = array<i32>} : memref<8x128xf32, #tpu.memory_space<vmem>>, vector<1x16xf32>,
    %broadcast_in_dim3A_143 = arith.constant 0.000000e+00 : f32
    %broadcast_in_dim3A_144 = vector.broadcast %broadcast_in_dim3A_143 : f32 to vector<16xf32>
    %swap3A_145 = arith.constant 2 : i32
    %swap3A_146 = arith.index_cast %swap3A_145 : i32 to index
    %swap3A_147 = arith.constant 32 : index
    %swap3A_148 = tpu.vector_load %arg8[%swap3A_146, %swap3A_147] {strides = array<i32>} : memref<8x128xf32, #tpu.memory_space<vmem>>, vector<1x16xf32>,
    %swap3A_149 = vector.shape_cast %swap3A_148 : vector<1x16xf32> to vector<16xf32>
    %swap3A_150 = vector.shape_cast %broadcast_in_dim3A_144 : vector<16xf32> to vector<1x16xf32>
    tpu.vector_store %arg8[%swap3A_146, %swap3A_147], %swap3A_150 {strides = array<i32>} : memref<8x128xf32, #tpu.memory_space<vmem>>, vector<1x16xf32>,
    %broadcast_in_dim3A_151 = arith.constant 0.000000e+00 : f32
    %broadcast_in_dim3A_152 = vector.broadcast %broadcast_in_dim3A_151 : f32 to vector<16xf32>
    %swap3A_153 = arith.constant 2 : i32
    %swap3A_154 = arith.index_cast %swap3A_153 : i32 to index
    %swap3A_155 = arith.constant 48 : index
    %swap3A_156 = tpu.vector_load %arg8[%swap3A_154, %swap3A_155] {strides = array<i32>} : memref<8x128xf32, #tpu.memory_space<vmem>>, vector<1x16xf32>,
    %swap3A_157 = vector.shape_cast %swap3A_156 : vector<1x16xf32> to vector<16xf32>
    %swap3A_158 = vector.shape_cast %broadcast_in_dim3A_152 : vector<16xf32> to vector<1x16xf32>
    tpu.vector_store %arg8[%swap3A_154, %swap3A_155], %swap3A_158 {strides = array<i32>} : memref<8x128xf32, #tpu.memory_space<vmem>>, vector<1x16xf32>,
    %broadcast_in_dim3A_159 = arith.constant 0.000000e+00 : f32
    %broadcast_in_dim3A_160 = vector.broadcast %broadcast_in_dim3A_159 : f32 to vector<16xf32>
    %swap3A_161 = arith.constant 2 : i32
    %swap3A_162 = arith.index_cast %swap3A_161 : i32 to index
    %swap3A_163 = arith.constant 64 : index
    %swap3A_164 = tpu.vector_load %arg8[%swap3A_162, %swap3A_163] {strides = array<i32>} : memref<8x128xf32, #tpu.memory_space<vmem>>, vector<1x16xf32>,
    %swap3A_165 = vector.shape_cast %swap3A_164 : vector<1x16xf32> to vector<16xf32>
    %swap3A_166 = vector.shape_cast %broadcast_in_dim3A_160 : vector<16xf32> to vector<1x16xf32>
    tpu.vector_store %arg8[%swap3A_162, %swap3A_163], %swap3A_166 {strides = array<i32>} : memref<8x128xf32, #tpu.memory_space<vmem>>, vector<1x16xf32>,
    %broadcast_in_dim3A_167 = arith.constant 0.000000e+00 : f32
    %broadcast_in_dim3A_168 = vector.broadcast %broadcast_in_dim3A_167 : f32 to vector<16xf32>
    %swap3A_169 = arith.constant 2 : i32
    %swap3A_170 = arith.index_cast %swap3A_169 : i32 to index
    %swap3A_171 = arith.constant 80 : index
    %swap3A_172 = tpu.vector_load %arg8[%swap3A_170, %swap3A_171] {strides = array<i32>} : memref<8x128xf32, #tpu.memory_space<vmem>>, vector<1x16xf32>,
    %swap3A_173 = vector.shape_cast %swap3A_172 : vector<1x16xf32> to vector<16xf32>
    %swap3A_174 = vector.shape_cast %broadcast_in_dim3A_168 : vector<16xf32> to vector<1x16xf32>
    tpu.vector_store %arg8[%swap3A_170, %swap3A_171], %swap3A_174 {strides = array<i32>} : memref<8x128xf32, #tpu.memory_space<vmem>>, vector<1x16xf32>,
    %broadcast_in_dim3A_175 = arith.constant 0.000000e+00 : f32
    %broadcast_in_dim3A_176 = vector.broadcast %broadcast_in_dim3A_175 : f32 to vector<16xf32>
    %swap3A_177 = arith.constant 2 : i32
    %swap3A_178 = arith.index_cast %swap3A_177 : i32 to index
    %swap3A_179 = arith.constant 96 : index
    %swap3A_180 = tpu.vector_load %arg8[%swap3A_178, %swap3A_179] {strides = array<i32>} : memref<8x128xf32, #tpu.memory_space<vmem>>, vector<1x16xf32>,
    %swap3A_181 = vector.shape_cast %swap3A_180 : vector<1x16xf32> to vector<16xf32>
    %swap3A_182 = vector.shape_cast %broadcast_in_dim3A_176 : vector<16xf32> to vector<1x16xf32>
    tpu.vector_store %arg8[%swap3A_178, %swap3A_179], %swap3A_182 {strides = array<i32>} : memref<8x128xf32, #tpu.memory_space<vmem>>, vector<1x16xf32>,
    %broadcast_in_dim3A_183 = arith.constant 0.000000e+00 : f32
    %broadcast_in_dim3A_184 = vector.broadcast %broadcast_in_dim3A_183 : f32 to vector<16xf32>
    %swap3A_185 = arith.constant 2 : i32
    %swap3A_186 = arith.index_cast %swap3A_185 : i32 to index
    %swap3A_187 = arith.constant 112 : index
    %swap3A_188 = tpu.vector_load %arg8[%swap3A_186, %swap3A_187] {strides = array<i32>} : memref<8x128xf32, #tpu.memory_space<vmem>>, vector<1x16xf32>,
    %swap3A_189 = vector.shape_cast %swap3A_188 : vector<1x16xf32> to vector<16xf32>
    %swap3A_190 = vector.shape_cast %broadcast_in_dim3A_184 : vector<16xf32> to vector<1x16xf32>
    tpu.vector_store %arg8[%swap3A_186, %swap3A_187], %swap3A_190 {strides = array<i32>} : memref<8x128xf32, #tpu.memory_space<vmem>>, vector<1x16xf32>,
    %broadcast_in_dim3A_191 = arith.constant 0.000000e+00 : f32
    %broadcast_in_dim3A_192 = vector.broadcast %broadcast_in_dim3A_191 : f32 to vector<16xf32>
    %swap3A_193 = arith.constant 3 : i32
    %swap3A_194 = arith.index_cast %swap3A_193 : i32 to index
    %swap3A_195 = arith.constant 0 : index
    %swap3A_196 = tpu.vector_load %arg8[%swap3A_194, %swap3A_195] {strides = array<i32>} : memref<8x128xf32, #tpu.memory_space<vmem>>, vector<1x16xf32>,
    %swap3A_197 = vector.shape_cast %swap3A_196 : vector<1x16xf32> to vector<16xf32>
    %swap3A_198 = vector.shape_cast %broadcast_in_dim3A_192 : vector<16xf32> to vector<1x16xf32>
    tpu.vector_store %arg8[%swap3A_194, %swap3A_195], %swap3A_198 {strides = array<i32>} : memref<8x128xf32, #tpu.memory_space<vmem>>, vector<1x16xf32>,
    %broadcast_in_dim3A_199 = arith.constant 0.000000e+00 : f32
    %broadcast_in_dim3A_200 = vector.broadcast %broadcast_in_dim3A_199 : f32 to vector<16xf32>
    %swap3A_201 = arith.constant 3 : i32
    %swap3A_202 = arith.index_cast %swap3A_201 : i32 to index
    %swap3A_203 = arith.constant 16 : index
    %swap3A_204 = tpu.vector_load %arg8[%swap3A_202, %swap3A_203] {strides = array<i32>} : memref<8x128xf32, #tpu.memory_space<vmem>>, vector<1x16xf32>,
    %swap3A_205 = vector.shape_cast %swap3A_204 : vector<1x16xf32> to vector<16xf32>
    %swap3A_206 = vector.shape_cast %broadcast_in_dim3A_200 : vector<16xf32> to vector<1x16xf32>
    tpu.vector_store %arg8[%swap3A_202, %swap3A_203], %swap3A_206 {strides = array<i32>} : memref<8x128xf32, #tpu.memory_space<vmem>>, vector<1x16xf32>,
    %broadcast_in_dim3A_207 = arith.constant 0.000000e+00 : f32
    %broadcast_in_dim3A_208 = vector.broadcast %broadcast_in_dim3A_207 : f32 to vector<16xf32>
    %swap3A_209 = arith.constant 3 : i32
    %swap3A_210 = arith.index_cast %swap3A_209 : i32 to index
    %swap3A_211 = arith.constant 32 : index
    %swap3A_212 = tpu.vector_load %arg8[%swap3A_210, %swap3A_211] {strides = array<i32>} : memref<8x128xf32, #tpu.memory_space<vmem>>, vector<1x16xf32>,
    %swap3A_213 = vector.shape_cast %swap3A_212 : vector<1x16xf32> to vector<16xf32>
    %swap3A_214 = vector.shape_cast %broadcast_in_dim3A_208 : vector<16xf32> to vector<1x16xf32>
    tpu.vector_store %arg8[%swap3A_210, %swap3A_211], %swap3A_214 {strides = array<i32>} : memref<8x128xf32, #tpu.memory_space<vmem>>, vector<1x16xf32>,
    %broadcast_in_dim3A_215 = arith.constant 0.000000e+00 : f32
    %broadcast_in_dim3A_216 = vector.broadcast %broadcast_in_dim3A_215 : f32 to vector<16xf32>
    %swap3A_217 = arith.constant 3 : i32
    %swap3A_218 = arith.index_cast %swap3A_217 : i32 to index
    %swap3A_219 = arith.constant 48 : index
    %swap3A_220 = tpu.vector_load %arg8[%swap3A_218, %swap3A_219] {strides = array<i32>} : memref<8x128xf32, #tpu.memory_space<vmem>>, vector<1x16xf32>,
    %swap3A_221 = vector.shape_cast %swap3A_220 : vector<1x16xf32> to vector<16xf32>
    %swap3A_222 = vector.shape_cast %broadcast_in_dim3A_216 : vector<16xf32> to vector<1x16xf32>
    tpu.vector_store %arg8[%swap3A_218, %swap3A_219], %swap3A_222 {strides = array<i32>} : memref<8x128xf32, #tpu.memory_space<vmem>>, vector<1x16xf32>,
    %broadcast_in_dim3A_223 = arith.constant 0.000000e+00 : f32
    %broadcast_in_dim3A_224 = vector.broadcast %broadcast_in_dim3A_223 : f32 to vector<16xf32>
    %swap3A_225 = arith.constant 3 : i32
    %swap3A_226 = arith.index_cast %swap3A_225 : i32 to index
    %swap3A_227 = arith.constant 64 : index
    %swap3A_228 = tpu.vector_load %arg8[%swap3A_226, %swap3A_227] {strides = array<i32>} : memref<8x128xf32, #tpu.memory_space<vmem>>, vector<1x16xf32>,
    %swap3A_229 = vector.shape_cast %swap3A_228 : vector<1x16xf32> to vector<16xf32>
    %swap3A_230 = vector.shape_cast %broadcast_in_dim3A_224 : vector<16xf32> to vector<1x16xf32>
    tpu.vector_store %arg8[%swap3A_226, %swap3A_227], %swap3A_230 {strides = array<i32>} : memref<8x128xf32, #tpu.memory_space<vmem>>, vector<1x16xf32>,
    %broadcast_in_dim3A_231 = arith.constant 0.000000e+00 : f32
    %broadcast_in_dim3A_232 = vector.broadcast %broadcast_in_dim3A_231 : f32 to vector<16xf32>
    %swap3A_233 = arith.constant 3 : i32
    %swap3A_234 = arith.index_cast %swap3A_233 : i32 to index
    %swap3A_235 = arith.constant 80 : index
    %swap3A_236 = tpu.vector_load %arg8[%swap3A_234, %swap3A_235] {strides = array<i32>} : memref<8x128xf32, #tpu.memory_space<vmem>>, vector<1x16xf32>,
    %swap3A_237 = vector.shape_cast %swap3A_236 : vector<1x16xf32> to vector<16xf32>
    %swap3A_238 = vector.shape_cast %broadcast_in_dim3A_232 : vector<16xf32> to vector<1x16xf32>
    tpu.vector_store %arg8[%swap3A_234, %swap3A_235], %swap3A_238 {strides = array<i32>} : memref<8x128xf32, #tpu.memory_space<vmem>>, vector<1x16xf32>,
    %broadcast_in_dim3A_239 = arith.constant 0.000000e+00 : f32
    %broadcast_in_dim3A_240 = vector.broadcast %broadcast_in_dim3A_239 : f32 to vector<16xf32>
    %swap3A_241 = arith.constant 3 : i32
    %swap3A_242 = arith.index_cast %swap3A_241 : i32 to index
    %swap3A_243 = arith.constant 96 : index
    %swap3A_244 = tpu.vector_load %arg8[%swap3A_242, %swap3A_243] {strides = array<i32>} : memref<8x128xf32, #tpu.memory_space<vmem>>, vector<1x16xf32>,
    %swap3A_245 = vector.shape_cast %swap3A_244 : vector<1x16xf32> to vector<16xf32>
    %swap3A_246 = vector.shape_cast %broadcast_in_dim3A_240 : vector<16xf32> to vector<1x16xf32>
    tpu.vector_store %arg8[%swap3A_242, %swap3A_243], %swap3A_246 {strides = array<i32>} : memref<8x128xf32, #tpu.memory_space<vmem>>, vector<1x16xf32>,
    %broadcast_in_dim3A_247 = arith.constant 0.000000e+00 : f32
    %broadcast_in_dim3A_248 = vector.broadcast %broadcast_in_dim3A_247 : f32 to vector<16xf32>
    %swap3A_249 = arith.constant 3 : i32
    %swap3A_250 = arith.index_cast %swap3A_249 : i32 to index
    %swap3A_251 = arith.constant 112 : index
    %swap3A_252 = tpu.vector_load %arg8[%swap3A_250, %swap3A_251] {strides = array<i32>} : memref<8x128xf32, #tpu.memory_space<vmem>>, vector<1x16xf32>,
    %swap3A_253 = vector.shape_cast %swap3A_252 : vector<1x16xf32> to vector<16xf32>
    %swap3A_254 = vector.shape_cast %broadcast_in_dim3A_248 : vector<16xf32> to vector<1x16xf32>
    tpu.vector_store %arg8[%swap3A_250, %swap3A_251], %swap3A_254 {strides = array<i32>} : memref<8x128xf32, #tpu.memory_space<vmem>>, vector<1x16xf32>,
    %broadcast_in_dim3A_255 = arith.constant 0.000000e+00 : f32
    %broadcast_in_dim3A_256 = vector.broadcast %broadcast_in_dim3A_255 : f32 to vector<16xf32>
    %swap3A_257 = arith.constant 4 : i32
    %swap3A_258 = arith.index_cast %swap3A_257 : i32 to index
    %swap3A_259 = arith.constant 0 : index
    %swap3A_260 = tpu.vector_load %arg8[%swap3A_258, %swap3A_259] {strides = array<i32>} : memref<8x128xf32, #tpu.memory_space<vmem>>, vector<1x16xf32>,
    %swap3A_261 = vector.shape_cast %swap3A_260 : vector<1x16xf32> to vector<16xf32>
    %swap3A_262 = vector.shape_cast %broadcast_in_dim3A_256 : vector<16xf32> to vector<1x16xf32>
    tpu.vector_store %arg8[%swap3A_258, %swap3A_259], %swap3A_262 {strides = array<i32>} : memref<8x128xf32, #tpu.memory_space<vmem>>, vector<1x16xf32>,
    %broadcast_in_dim3A_263 = arith.constant 0.000000e+00 : f32
    %broadcast_in_dim3A_264 = vector.broadcast %broadcast_in_dim3A_263 : f32 to vector<16xf32>
    %swap3A_265 = arith.constant 4 : i32
    %swap3A_266 = arith.index_cast %swap3A_265 : i32 to index
    %swap3A_267 = arith.constant 16 : index
    %swap3A_268 = tpu.vector_load %arg8[%swap3A_266, %swap3A_267] {strides = array<i32>} : memref<8x128xf32, #tpu.memory_space<vmem>>, vector<1x16xf32>,
    %swap3A_269 = vector.shape_cast %swap3A_268 : vector<1x16xf32> to vector<16xf32>
    %swap3A_270 = vector.shape_cast %broadcast_in_dim3A_264 : vector<16xf32> to vector<1x16xf32>
    tpu.vector_store %arg8[%swap3A_266, %swap3A_267], %swap3A_270 {strides = array<i32>} : memref<8x128xf32, #tpu.memory_space<vmem>>, vector<1x16xf32>,
    %broadcast_in_dim3A_271 = arith.constant 0.000000e+00 : f32
    %broadcast_in_dim3A_272 = vector.broadcast %broadcast_in_dim3A_271 : f32 to vector<16xf32>
    %swap3A_273 = arith.constant 4 : i32
    %swap3A_274 = arith.index_cast %swap3A_273 : i32 to index
    %swap3A_275 = arith.constant 32 : index
    %swap3A_276 = tpu.vector_load %arg8[%swap3A_274, %swap3A_275] {strides = array<i32>} : memref<8x128xf32, #tpu.memory_space<vmem>>, vector<1x16xf32>,
    %swap3A_277 = vector.shape_cast %swap3A_276 : vector<1x16xf32> to vector<16xf32>
    %swap3A_278 = vector.shape_cast %broadcast_in_dim3A_272 : vector<16xf32> to vector<1x16xf32>
    tpu.vector_store %arg8[%swap3A_274, %swap3A_275], %swap3A_278 {strides = array<i32>} : memref<8x128xf32, #tpu.memory_space<vmem>>, vector<1x16xf32>,
    %broadcast_in_dim3A_279 = arith.constant 0.000000e+00 : f32
    %broadcast_in_dim3A_280 = vector.broadcast %broadcast_in_dim3A_279 : f32 to vector<16xf32>
    %swap3A_281 = arith.constant 4 : i32
    %swap3A_282 = arith.index_cast %swap3A_281 : i32 to index
    %swap3A_283 = arith.constant 48 : index
    %swap3A_284 = tpu.vector_load %arg8[%swap3A_282, %swap3A_283] {strides = array<i32>} : memref<8x128xf32, #tpu.memory_space<vmem>>, vector<1x16xf32>,
    %swap3A_285 = vector.shape_cast %swap3A_284 : vector<1x16xf32> to vector<16xf32>
    %swap3A_286 = vector.shape_cast %broadcast_in_dim3A_280 : vector<16xf32> to vector<1x16xf32>
    tpu.vector_store %arg8[%swap3A_282, %swap3A_283], %swap3A_286 {strides = array<i32>} : memref<8x128xf32, #tpu.memory_space<vmem>>, vector<1x16xf32>,
    %broadcast_in_dim3A_287 = arith.constant 0.000000e+00 : f32
    %broadcast_in_dim3A_288 = vector.broadcast %broadcast_in_dim3A_287 : f32 to vector<16xf32>
    %swap3A_289 = arith.constant 4 : i32
    %swap3A_290 = arith.index_cast %swap3A_289 : i32 to index
    %swap3A_291 = arith.constant 64 : index
    %swap3A_292 = tpu.vector_load %arg8[%swap3A_290, %swap3A_291] {strides = array<i32>} : memref<8x128xf32, #tpu.memory_space<vmem>>, vector<1x16xf32>,
    %swap3A_293 = vector.shape_cast %swap3A_292 : vector<1x16xf32> to vector<16xf32>
    %swap3A_294 = vector.shape_cast %broadcast_in_dim3A_288 : vector<16xf32> to vector<1x16xf32>
    tpu.vector_store %arg8[%swap3A_290, %swap3A_291], %swap3A_294 {strides = array<i32>} : memref<8x128xf32, #tpu.memory_space<vmem>>, vector<1x16xf32>,
    %broadcast_in_dim3A_295 = arith.constant 0.000000e+00 : f32
    %broadcast_in_dim3A_296 = vector.broadcast %broadcast_in_dim3A_295 : f32 to vector<16xf32>
    %swap3A_297 = arith.constant 4 : i32
    %swap3A_298 = arith.index_cast %swap3A_297 : i32 to index
    %swap3A_299 = arith.constant 80 : index
    %swap3A_300 = tpu.vector_load %arg8[%swap3A_298, %swap3A_299] {strides = array<i32>} : memref<8x128xf32, #tpu.memory_space<vmem>>, vector<1x16xf32>,
    %swap3A_301 = vector.shape_cast %swap3A_300 : vector<1x16xf32> to vector<16xf32>
    %swap3A_302 = vector.shape_cast %broadcast_in_dim3A_296 : vector<16xf32> to vector<1x16xf32>
    tpu.vector_store %arg8[%swap3A_298, %swap3A_299], %swap3A_302 {strides = array<i32>} : memref<8x128xf32, #tpu.memory_space<vmem>>, vector<1x16xf32>,
    %broadcast_in_dim3A_303 = arith.constant 0.000000e+00 : f32
    %broadcast_in_dim3A_304 = vector.broadcast %broadcast_in_dim3A_303 : f32 to vector<16xf32>
    %swap3A_305 = arith.constant 4 : i32
    %swap3A_306 = arith.index_cast %swap3A_305 : i32 to index
    %swap3A_307 = arith.constant 96 : index
    %swap3A_308 = tpu.vector_load %arg8[%swap3A_306, %swap3A_307] {strides = array<i32>} : memref<8x128xf32, #tpu.memory_space<vmem>>, vector<1x16xf32>,
    %swap3A_309 = vector.shape_cast %swap3A_308 : vector<1x16xf32> to vector<16xf32>
    %swap3A_310 = vector.shape_cast %broadcast_in_dim3A_304 : vector<16xf32> to vector<1x16xf32>
    tpu.vector_store %arg8[%swap3A_306, %swap3A_307], %swap3A_310 {strides = array<i32>} : memref<8x128xf32, #tpu.memory_space<vmem>>, vector<1x16xf32>,
    %broadcast_in_dim3A_311 = arith.constant 0.000000e+00 : f32
    %broadcast_in_dim3A_312 = vector.broadcast %broadcast_in_dim3A_311 : f32 to vector<16xf32>
    %swap3A_313 = arith.constant 4 : i32
    %swap3A_314 = arith.index_cast %swap3A_313 : i32 to index
    %swap3A_315 = arith.constant 112 : index
    %swap3A_316 = tpu.vector_load %arg8[%swap3A_314, %swap3A_315] {strides = array<i32>} : memref<8x128xf32, #tpu.memory_space<vmem>>, vector<1x16xf32>,
    %swap3A_317 = vector.shape_cast %swap3A_316 : vector<1x16xf32> to vector<16xf32>
    %swap3A_318 = vector.shape_cast %broadcast_in_dim3A_312 : vector<16xf32> to vector<1x16xf32>
    tpu.vector_store %arg8[%swap3A_314, %swap3A_315], %swap3A_318 {strides = array<i32>} : memref<8x128xf32, #tpu.memory_space<vmem>>, vector<1x16xf32>,
    %broadcast_in_dim3A_319 = arith.constant 0.000000e+00 : f32
    %broadcast_in_dim3A_320 = vector.broadcast %broadcast_in_dim3A_319 : f32 to vector<16xf32>
    %swap3A_321 = arith.constant 5 : i32
    %swap3A_322 = arith.index_cast %swap3A_321 : i32 to index
    %swap3A_323 = arith.constant 0 : index
    %swap3A_324 = tpu.vector_load %arg8[%swap3A_322, %swap3A_323] {strides = array<i32>} : memref<8x128xf32, #tpu.memory_space<vmem>>, vector<1x16xf32>,
    %swap3A_325 = vector.shape_cast %swap3A_324 : vector<1x16xf32> to vector<16xf32>
    %swap3A_326 = vector.shape_cast %broadcast_in_dim3A_320 : vector<16xf32> to vector<1x16xf32>
    tpu.vector_store %arg8[%swap3A_322, %swap3A_323], %swap3A_326 {strides = array<i32>} : memref<8x128xf32, #tpu.memory_space<vmem>>, vector<1x16xf32>,
    %broadcast_in_dim3A_327 = arith.constant 0.000000e+00 : f32
    %broadcast_in_dim3A_328 = vector.broadcast %broadcast_in_dim3A_327 : f32 to vector<16xf32>
    %swap3A_329 = arith.constant 5 : i32
    %swap3A_330 = arith.index_cast %swap3A_329 : i32 to index
    %swap3A_331 = arith.constant 16 : index
    %swap3A_332 = tpu.vector_load %arg8[%swap3A_330, %swap3A_331] {strides = array<i32>} : memref<8x128xf32, #tpu.memory_space<vmem>>, vector<1x16xf32>,
    %swap3A_333 = vector.shape_cast %swap3A_332 : vector<1x16xf32> to vector<16xf32>
    %swap3A_334 = vector.shape_cast %broadcast_in_dim3A_328 : vector<16xf32> to vector<1x16xf32>
    tpu.vector_store %arg8[%swap3A_330, %swap3A_331], %swap3A_334 {strides = array<i32>} : memref<8x128xf32, #tpu.memory_space<vmem>>, vector<1x16xf32>,
    %broadcast_in_dim3A_335 = arith.constant 0.000000e+00 : f32
    %broadcast_in_dim3A_336 = vector.broadcast %broadcast_in_dim3A_335 : f32 to vector<16xf32>
    %swap3A_337 = arith.constant 5 : i32
    %swap3A_338 = arith.index_cast %swap3A_337 : i32 to index
    %swap3A_339 = arith.constant 32 : index
    %swap3A_340 = tpu.vector_load %arg8[%swap3A_338, %swap3A_339] {strides = array<i32>} : memref<8x128xf32, #tpu.memory_space<vmem>>, vector<1x16xf32>,
    %swap3A_341 = vector.shape_cast %swap3A_340 : vector<1x16xf32> to vector<16xf32>
    %swap3A_342 = vector.shape_cast %broadcast_in_dim3A_336 : vector<16xf32> to vector<1x16xf32>
    tpu.vector_store %arg8[%swap3A_338, %swap3A_339], %swap3A_342 {strides = array<i32>} : memref<8x128xf32, #tpu.memory_space<vmem>>, vector<1x16xf32>,
    %broadcast_in_dim3A_343 = arith.constant 0.000000e+00 : f32
    %broadcast_in_dim3A_344 = vector.broadcast %broadcast_in_dim3A_343 : f32 to vector<16xf32>
    %swap3A_345 = arith.constant 5 : i32
    %swap3A_346 = arith.index_cast %swap3A_345 : i32 to index
    %swap3A_347 = arith.constant 48 : index
    %swap3A_348 = tpu.vector_load %arg8[%swap3A_346, %swap3A_347] {strides = array<i32>} : memref<8x128xf32, #tpu.memory_space<vmem>>, vector<1x16xf32>,
    %swap3A_349 = vector.shape_cast %swap3A_348 : vector<1x16xf32> to vector<16xf32>
    %swap3A_350 = vector.shape_cast %broadcast_in_dim3A_344 : vector<16xf32> to vector<1x16xf32>
    tpu.vector_store %arg8[%swap3A_346, %swap3A_347], %swap3A_350 {strides = array<i32>} : memref<8x128xf32, #tpu.memory_space<vmem>>, vector<1x16xf32>,
    %broadcast_in_dim3A_351 = arith.constant 0.000000e+00 : f32
    %broadcast_in_dim3A_352 = vector.broadcast %broadcast_in_dim3A_351 : f32 to vector<16xf32>
    %swap3A_353 = arith.constant 5 : i32
    %swap3A_354 = arith.index_cast %swap3A_353 : i32 to index
    %swap3A_355 = arith.constant 64 : index
    %swap3A_356 = tpu.vector_load %arg8[%swap3A_354, %swap3A_355] {strides = array<i32>} : memref<8x128xf32, #tpu.memory_space<vmem>>, vector<1x16xf32>,
    %swap3A_357 = vector.shape_cast %swap3A_356 : vector<1x16xf32> to vector<16xf32>
    %swap3A_358 = vector.shape_cast %broadcast_in_dim3A_352 : vector<16xf32> to vector<1x16xf32>
    tpu.vector_store %arg8[%swap3A_354, %swap3A_355], %swap3A_358 {strides = array<i32>} : memref<8x128xf32, #tpu.memory_space<vmem>>, vector<1x16xf32>,
    %broadcast_in_dim3A_359 = arith.constant 0.000000e+00 : f32
    %broadcast_in_dim3A_360 = vector.broadcast %broadcast_in_dim3A_359 : f32 to vector<16xf32>
    %swap3A_361 = arith.constant 5 : i32
    %swap3A_362 = arith.index_cast %swap3A_361 : i32 to index
    %swap3A_363 = arith.constant 80 : index
    %swap3A_364 = tpu.vector_load %arg8[%swap3A_362, %swap3A_363] {strides = array<i32>} : memref<8x128xf32, #tpu.memory_space<vmem>>, vector<1x16xf32>,
    %swap3A_365 = vector.shape_cast %swap3A_364 : vector<1x16xf32> to vector<16xf32>
    %swap3A_366 = vector.shape_cast %broadcast_in_dim3A_360 : vector<16xf32> to vector<1x16xf32>
    tpu.vector_store %arg8[%swap3A_362, %swap3A_363], %swap3A_366 {strides = array<i32>} : memref<8x128xf32, #tpu.memory_space<vmem>>, vector<1x16xf32>,
    %broadcast_in_dim3A_367 = arith.constant 0.000000e+00 : f32
    %broadcast_in_dim3A_368 = vector.broadcast %broadcast_in_dim3A_367 : f32 to vector<16xf32>
    %swap3A_369 = arith.constant 5 : i32
    %swap3A_370 = arith.index_cast %swap3A_369 : i32 to index
    %swap3A_371 = arith.constant 96 : index
    %swap3A_372 = tpu.vector_load %arg8[%swap3A_370, %swap3A_371] {strides = array<i32>} : memref<8x128xf32, #tpu.memory_space<vmem>>, vector<1x16xf32>,
    %swap3A_373 = vector.shape_cast %swap3A_372 : vector<1x16xf32> to vector<16xf32>
    %swap3A_374 = vector.shape_cast %broadcast_in_dim3A_368 : vector<16xf32> to vector<1x16xf32>
    tpu.vector_store %arg8[%swap3A_370, %swap3A_371], %swap3A_374 {strides = array<i32>} : memref<8x128xf32, #tpu.memory_space<vmem>>, vector<1x16xf32>,
    %broadcast_in_dim3A_375 = arith.constant 0.000000e+00 : f32
    %broadcast_in_dim3A_376 = vector.broadcast %broadcast_in_dim3A_375 : f32 to vector<16xf32>
    %swap3A_377 = arith.constant 5 : i32
    %swap3A_378 = arith.index_cast %swap3A_377 : i32 to index
    %swap3A_379 = arith.constant 112 : index
    %swap3A_380 = tpu.vector_load %arg8[%swap3A_378, %swap3A_379] {strides = array<i32>} : memref<8x128xf32, #tpu.memory_space<vmem>>, vector<1x16xf32>,
    %swap3A_381 = vector.shape_cast %swap3A_380 : vector<1x16xf32> to vector<16xf32>
    %swap3A_382 = vector.shape_cast %broadcast_in_dim3A_376 : vector<16xf32> to vector<1x16xf32>
    tpu.vector_store %arg8[%swap3A_378, %swap3A_379], %swap3A_382 {strides = array<i32>} : memref<8x128xf32, #tpu.memory_space<vmem>>, vector<1x16xf32>,
    %broadcast_in_dim3A_383 = arith.constant 0.000000e+00 : f32
    %broadcast_in_dim3A_384 = vector.broadcast %broadcast_in_dim3A_383 : f32 to vector<16xf32>
    %swap3A_385 = arith.constant 6 : i32
    %swap3A_386 = arith.index_cast %swap3A_385 : i32 to index
    %swap3A_387 = arith.constant 0 : index
    %swap3A_388 = tpu.vector_load %arg8[%swap3A_386, %swap3A_387] {strides = array<i32>} : memref<8x128xf32, #tpu.memory_space<vmem>>, vector<1x16xf32>,
    %swap3A_389 = vector.shape_cast %swap3A_388 : vector<1x16xf32> to vector<16xf32>
    %swap3A_390 = vector.shape_cast %broadcast_in_dim3A_384 : vector<16xf32> to vector<1x16xf32>
    tpu.vector_store %arg8[%swap3A_386, %swap3A_387], %swap3A_390 {strides = array<i32>} : memref<8x128xf32, #tpu.memory_space<vmem>>, vector<1x16xf32>,
    %broadcast_in_dim3A_391 = arith.constant 0.000000e+00 : f32
    %broadcast_in_dim3A_392 = vector.broadcast %broadcast_in_dim3A_391 : f32 to vector<16xf32>
    %swap3A_393 = arith.constant 6 : i32
    %swap3A_394 = arith.index_cast %swap3A_393 : i32 to index
    %swap3A_395 = arith.constant 16 : index
    %swap3A_396 = tpu.vector_load %arg8[%swap3A_394, %swap3A_395] {strides = array<i32>} : memref<8x128xf32, #tpu.memory_space<vmem>>, vector<1x16xf32>,
    %swap3A_397 = vector.shape_cast %swap3A_396 : vector<1x16xf32> to vector<16xf32>
    %swap3A_398 = vector.shape_cast %broadcast_in_dim3A_392 : vector<16xf32> to vector<1x16xf32>
    tpu.vector_store %arg8[%swap3A_394, %swap3A_395], %swap3A_398 {strides = array<i32>} : memref<8x128xf32, #tpu.memory_space<vmem>>, vector<1x16xf32>,
    %broadcast_in_dim3A_399 = arith.constant 0.000000e+00 : f32
    %broadcast_in_dim3A_400 = vector.broadcast %broadcast_in_dim3A_399 : f32 to vector<16xf32>
    %swap3A_401 = arith.constant 6 : i32
    %swap3A_402 = arith.index_cast %swap3A_401 : i32 to index
    %swap3A_403 = arith.constant 32 : index
    %swap3A_404 = tpu.vector_load %arg8[%swap3A_402, %swap3A_403] {strides = array<i32>} : memref<8x128xf32, #tpu.memory_space<vmem>>, vector<1x16xf32>,
    %swap3A_405 = vector.shape_cast %swap3A_404 : vector<1x16xf32> to vector<16xf32>
    %swap3A_406 = vector.shape_cast %broadcast_in_dim3A_400 : vector<16xf32> to vector<1x16xf32>
    tpu.vector_store %arg8[%swap3A_402, %swap3A_403], %swap3A_406 {strides = array<i32>} : memref<8x128xf32, #tpu.memory_space<vmem>>, vector<1x16xf32>,
    %broadcast_in_dim3A_407 = arith.constant 0.000000e+00 : f32
    %broadcast_in_dim3A_408 = vector.broadcast %broadcast_in_dim3A_407 : f32 to vector<16xf32>
    %swap3A_409 = arith.constant 6 : i32
    %swap3A_410 = arith.index_cast %swap3A_409 : i32 to index
    %swap3A_411 = arith.constant 48 : index
    %swap3A_412 = tpu.vector_load %arg8[%swap3A_410, %swap3A_411] {strides = array<i32>} : memref<8x128xf32, #tpu.memory_space<vmem>>, vector<1x16xf32>,
    %swap3A_413 = vector.shape_cast %swap3A_412 : vector<1x16xf32> to vector<16xf32>
    %swap3A_414 = vector.shape_cast %broadcast_in_dim3A_408 : vector<16xf32> to vector<1x16xf32>
    tpu.vector_store %arg8[%swap3A_410, %swap3A_411], %swap3A_414 {strides = array<i32>} : memref<8x128xf32, #tpu.memory_space<vmem>>, vector<1x16xf32>,
    %broadcast_in_dim3A_415 = arith.constant 0.000000e+00 : f32
    %broadcast_in_dim3A_416 = vector.broadcast %broadcast_in_dim3A_415 : f32 to vector<16xf32>
    %swap3A_417 = arith.constant 6 : i32
    %swap3A_418 = arith.index_cast %swap3A_417 : i32 to index
    %swap3A_419 = arith.constant 64 : index
    %swap3A_420 = tpu.vector_load %arg8[%swap3A_418, %swap3A_419] {strides = array<i32>} : memref<8x128xf32, #tpu.memory_space<vmem>>, vector<1x16xf32>,
    %swap3A_421 = vector.shape_cast %swap3A_420 : vector<1x16xf32> to vector<16xf32>
    %swap3A_422 = vector.shape_cast %broadcast_in_dim3A_416 : vector<16xf32> to vector<1x16xf32>
    tpu.vector_store %arg8[%swap3A_418, %swap3A_419], %swap3A_422 {strides = array<i32>} : memref<8x128xf32, #tpu.memory_space<vmem>>, vector<1x16xf32>,
    %broadcast_in_dim3A_423 = arith.constant 0.000000e+00 : f32
    %broadcast_in_dim3A_424 = vector.broadcast %broadcast_in_dim3A_423 : f32 to vector<16xf32>
    %swap3A_425 = arith.constant 6 : i32
    %swap3A_426 = arith.index_cast %swap3A_425 : i32 to index
    %swap3A_427 = arith.constant 80 : index
    %swap3A_428 = tpu.vector_load %arg8[%swap3A_426, %swap3A_427] {strides = array<i32>} : memref<8x128xf32, #tpu.memory_space<vmem>>, vector<1x16xf32>,
    %swap3A_429 = vector.shape_cast %swap3A_428 : vector<1x16xf32> to vector<16xf32>
    %swap3A_430 = vector.shape_cast %broadcast_in_dim3A_424 : vector<16xf32> to vector<1x16xf32>
    tpu.vector_store %arg8[%swap3A_426, %swap3A_427], %swap3A_430 {strides = array<i32>} : memref<8x128xf32, #tpu.memory_space<vmem>>, vector<1x16xf32>,
    %broadcast_in_dim3A_431 = arith.constant 0.000000e+00 : f32
    %broadcast_in_dim3A_432 = vector.broadcast %broadcast_in_dim3A_431 : f32 to vector<16xf32>
    %swap3A_433 = arith.constant 6 : i32
    %swap3A_434 = arith.index_cast %swap3A_433 : i32 to index
    %swap3A_435 = arith.constant 96 : index
    %swap3A_436 = tpu.vector_load %arg8[%swap3A_434, %swap3A_435] {strides = array<i32>} : memref<8x128xf32, #tpu.memory_space<vmem>>, vector<1x16xf32>,
    %swap3A_437 = vector.shape_cast %swap3A_436 : vector<1x16xf32> to vector<16xf32>
    %swap3A_438 = vector.shape_cast %broadcast_in_dim3A_432 : vector<16xf32> to vector<1x16xf32>
    tpu.vector_store %arg8[%swap3A_434, %swap3A_435], %swap3A_438 {strides = array<i32>} : memref<8x128xf32, #tpu.memory_space<vmem>>, vector<1x16xf32>,
    %broadcast_in_dim3A_439 = arith.constant 0.000000e+00 : f32
    %broadcast_in_dim3A_440 = vector.broadcast %broadcast_in_dim3A_439 : f32 to vector<16xf32>
    %swap3A_441 = arith.constant 6 : i32
    %swap3A_442 = arith.index_cast %swap3A_441 : i32 to index
    %swap3A_443 = arith.constant 112 : index
    %swap3A_444 = tpu.vector_load %arg8[%swap3A_442, %swap3A_443] {strides = array<i32>} : memref<8x128xf32, #tpu.memory_space<vmem>>, vector<1x16xf32>,
    %swap3A_445 = vector.shape_cast %swap3A_444 : vector<1x16xf32> to vector<16xf32>
    %swap3A_446 = vector.shape_cast %broadcast_in_dim3A_440 : vector<16xf32> to vector<1x16xf32>
    tpu.vector_store %arg8[%swap3A_442, %swap3A_443], %swap3A_446 {strides = array<i32>} : memref<8x128xf32, #tpu.memory_space<vmem>>, vector<1x16xf32>,
    %broadcast_in_dim3A_447 = arith.constant 0.000000e+00 : f32
    %broadcast_in_dim3A_448 = vector.broadcast %broadcast_in_dim3A_447 : f32 to vector<16xf32>
    %swap3A_449 = arith.constant 7 : i32
    %swap3A_450 = arith.index_cast %swap3A_449 : i32 to index
    %swap3A_451 = arith.constant 0 : index
    %swap3A_452 = tpu.vector_load %arg8[%swap3A_450, %swap3A_451] {strides = array<i32>} : memref<8x128xf32, #tpu.memory_space<vmem>>, vector<1x16xf32>,
    %swap3A_453 = vector.shape_cast %swap3A_452 : vector<1x16xf32> to vector<16xf32>
    %swap3A_454 = vector.shape_cast %broadcast_in_dim3A_448 : vector<16xf32> to vector<1x16xf32>
    tpu.vector_store %arg8[%swap3A_450, %swap3A_451], %swap3A_454 {strides = array<i32>} : memref<8x128xf32, #tpu.memory_space<vmem>>, vector<1x16xf32>,
    %broadcast_in_dim3A_455 = arith.constant 0.000000e+00 : f32
    %broadcast_in_dim3A_456 = vector.broadcast %broadcast_in_dim3A_455 : f32 to vector<16xf32>
    %swap3A_457 = arith.constant 7 : i32
    %swap3A_458 = arith.index_cast %swap3A_457 : i32 to index
    %swap3A_459 = arith.constant 16 : index
    %swap3A_460 = tpu.vector_load %arg8[%swap3A_458, %swap3A_459] {strides = array<i32>} : memref<8x128xf32, #tpu.memory_space<vmem>>, vector<1x16xf32>,
    %swap3A_461 = vector.shape_cast %swap3A_460 : vector<1x16xf32> to vector<16xf32>
    %swap3A_462 = vector.shape_cast %broadcast_in_dim3A_456 : vector<16xf32> to vector<1x16xf32>
    tpu.vector_store %arg8[%swap3A_458, %swap3A_459], %swap3A_462 {strides = array<i32>} : memref<8x128xf32, #tpu.memory_space<vmem>>, vector<1x16xf32>,
    %broadcast_in_dim3A_463 = arith.constant 0.000000e+00 : f32
    %broadcast_in_dim3A_464 = vector.broadcast %broadcast_in_dim3A_463 : f32 to vector<16xf32>
    %swap3A_465 = arith.constant 7 : i32
    %swap3A_466 = arith.index_cast %swap3A_465 : i32 to index
    %swap3A_467 = arith.constant 32 : index
    %swap3A_468 = tpu.vector_load %arg8[%swap3A_466, %swap3A_467] {strides = array<i32>} : memref<8x128xf32, #tpu.memory_space<vmem>>, vector<1x16xf32>,
    %swap3A_469 = vector.shape_cast %swap3A_468 : vector<1x16xf32> to vector<16xf32>
    %swap3A_470 = vector.shape_cast %broadcast_in_dim3A_464 : vector<16xf32> to vector<1x16xf32>
    tpu.vector_store %arg8[%swap3A_466, %swap3A_467], %swap3A_470 {strides = array<i32>} : memref<8x128xf32, #tpu.memory_space<vmem>>, vector<1x16xf32>,
    %broadcast_in_dim3A_471 = arith.constant 0.000000e+00 : f32
    %broadcast_in_dim3A_472 = vector.broadcast %broadcast_in_dim3A_471 : f32 to vector<16xf32>
    %swap3A_473 = arith.constant 7 : i32
    %swap3A_474 = arith.index_cast %swap3A_473 : i32 to index
    %swap3A_475 = arith.constant 48 : index
    %swap3A_476 = tpu.vector_load %arg8[%swap3A_474, %swap3A_475] {strides = array<i32>} : memref<8x128xf32, #tpu.memory_space<vmem>>, vector<1x16xf32>,
    %swap3A_477 = vector.shape_cast %swap3A_476 : vector<1x16xf32> to vector<16xf32>
    %swap3A_478 = vector.shape_cast %broadcast_in_dim3A_472 : vector<16xf32> to vector<1x16xf32>
    tpu.vector_store %arg8[%swap3A_474, %swap3A_475], %swap3A_478 {strides = array<i32>} : memref<8x128xf32, #tpu.memory_space<vmem>>, vector<1x16xf32>,
    %broadcast_in_dim3A_479 = arith.constant 0.000000e+00 : f32
    %broadcast_in_dim3A_480 = vector.broadcast %broadcast_in_dim3A_479 : f32 to vector<16xf32>
    %swap3A_481 = arith.constant 7 : i32
    %swap3A_482 = arith.index_cast %swap3A_481 : i32 to index
    %swap3A_483 = arith.constant 64 : index
    %swap3A_484 = tpu.vector_load %arg8[%swap3A_482, %swap3A_483] {strides = array<i32>} : memref<8x128xf32, #tpu.memory_space<vmem>>, vector<1x16xf32>,
    %swap3A_485 = vector.shape_cast %swap3A_484 : vector<1x16xf32> to vector<16xf32>
    %swap3A_486 = vector.shape_cast %broadcast_in_dim3A_480 : vector<16xf32> to vector<1x16xf32>
    tpu.vector_store %arg8[%swap3A_482, %swap3A_483], %swap3A_486 {strides = array<i32>} : memref<8x128xf32, #tpu.memory_space<vmem>>, vector<1x16xf32>,
    %broadcast_in_dim3A_487 = arith.constant 0.000000e+00 : f32
    %broadcast_in_dim3A_488 = vector.broadcast %broadcast_in_dim3A_487 : f32 to vector<16xf32>
    %swap3A_489 = arith.constant 7 : i32
    %swap3A_490 = arith.index_cast %swap3A_489 : i32 to index
    %swap3A_491 = arith.constant 80 : index
    %swap3A_492 = tpu.vector_load %arg8[%swap3A_490, %swap3A_491] {strides = array<i32>} : memref<8x128xf32, #tpu.memory_space<vmem>>, vector<1x16xf32>,
    %swap3A_493 = vector.shape_cast %swap3A_492 : vector<1x16xf32> to vector<16xf32>
    %swap3A_494 = vector.shape_cast %broadcast_in_dim3A_488 : vector<16xf32> to vector<1x16xf32>
    tpu.vector_store %arg8[%swap3A_490, %swap3A_491], %swap3A_494 {strides = array<i32>} : memref<8x128xf32, #tpu.memory_space<vmem>>, vector<1x16xf32>,
    %broadcast_in_dim3A_495 = arith.constant 0.000000e+00 : f32
    %broadcast_in_dim3A_496 = vector.broadcast %broadcast_in_dim3A_495 : f32 to vector<16xf32>
    %swap3A_497 = arith.constant 7 : i32
    %swap3A_498 = arith.index_cast %swap3A_497 : i32 to index
    %swap3A_499 = arith.constant 96 : index
    %swap3A_500 = tpu.vector_load %arg8[%swap3A_498, %swap3A_499] {strides = array<i32>} : memref<8x128xf32, #tpu.memory_space<vmem>>, vector<1x16xf32>,
    %swap3A_501 = vector.shape_cast %swap3A_500 : vector<1x16xf32> to vector<16xf32>
    %swap3A_502 = vector.shape_cast %broadcast_in_dim3A_496 : vector<16xf32> to vector<1x16xf32>
    tpu.vector_store %arg8[%swap3A_498, %swap3A_499], %swap3A_502 {strides = array<i32>} : memref<8x128xf32, #tpu.memory_space<vmem>>, vector<1x16xf32>,
    %broadcast_in_dim3A_503 = arith.constant 0.000000e+00 : f32
    %broadcast_in_dim3A_504 = vector.broadcast %broadcast_in_dim3A_503 : f32 to vector<16xf32>
    %swap3A_505 = arith.constant 7 : i32
    %swap3A_506 = arith.index_cast %swap3A_505 : i32 to index
    %swap3A_507 = arith.constant 112 : index
    %swap3A_508 = tpu.vector_load %arg8[%swap3A_506, %swap3A_507] {strides = array<i32>} : memref<8x128xf32, #tpu.memory_space<vmem>>, vector<1x16xf32>,
    %swap3A_509 = vector.shape_cast %swap3A_508 : vector<1x16xf32> to vector<16xf32>
    %swap3A_510 = vector.shape_cast %broadcast_in_dim3A_504 : vector<16xf32> to vector<1x16xf32>
    tpu.vector_store %arg8[%swap3A_506, %swap3A_507], %swap3A_510 {strides = array<i32>} : memref<8x128xf32, #tpu.memory_space<vmem>>, vector<1x16xf32>,
    %eq3A = arith.constant 15 : i32
    %eq3A_511 = arith.cmpi eq, %arg1, %eq3A : i32
    %select_n3A = arith.constant 78 : i32
    %select_n3A_512 = arith.constant 80 : i32
    %select_n3A_513 = arith.select %eq3A_511, %select_n3A_512, %select_n3A : i32
    %while3A = arith.constant 0 : i32
    %while3A_514 = arith.constant 0 : i32
    %while3A_515 = arith.subi %select_n3A_513, %while3A_514 : i32
    %while3A_516 = arith.addi %while3A_514, %while3A_515 : i32
    %while3A_517 = arith.constant 1 : i32
    %while3A_518 = arith.divsi %while3A_515, %while3A_517 : i32
    %while3A_519 = arith.muli %while3A_518, %while3A_517 : i32
    %while3A_520 = arith.addi %while3A_514, %while3A_519 : i32
    %while3A_521 = arith.constant 1 : i32
    scf.for %while3A_536 = %while3A_514 to %while3A_520 step %while3A_521  : i32 {
      %mul3A_537 = arith.constant 624 : i32
      %mul3A_538 = arith.muli %arg1, %mul3A_537 : i32
      %mul3A_539 = arith.constant 8 : i32
      %mul3A_540 = arith.muli %while3A_536, %mul3A_539 : i32
      %add3A_541 = arith.addi %mul3A_538, %mul3A_540 : i32
      %multiple_of3A = tpu.assume_multiple %add3A_541, 8 : i32
      "tpu.region"() ({
        %run_scoped3A = tpu.sem_alloc : memref<!tpu.dma_semaphore, #tpu.memory_space<semaphore_mem>>
        %dma_start3A = arith.constant 0 : i32
        %dma_start3A_542 = tpu.memref_slice %arg9[%multiple_of3A, %dma_start3A] : memref<10000x128xf32, #tpu.memory_space<vmem_shared>> -> memref<8x128xf32, #tpu.memory_space<vmem_shared>>
        %dma_start3A_543 = arith.constant 0 : i32
        %dma_start3A_544 = tpu.memref_slice %arg9[%multiple_of3A, %dma_start3A_543] : memref<10000x128xf32, #tpu.memory_space<vmem_shared>> -> memref<8x128xf32, #tpu.memory_space<vmem_shared>>
        tpu.enqueue_dma source(%arg8 : memref<8x128xf32, #tpu.memory_space<vmem>>) target(%dma_start3A_544 : memref<8x128xf32, #tpu.memory_space<vmem_shared>>) target_semaphore(%run_scoped3A : memref<!tpu.dma_semaphore, #tpu.memory_space<semaphore_mem>>)
        %dma_wait3A = arith.constant 0 : i32
        %dma_wait3A_545 = tpu.memref_slice %arg9[%multiple_of3A, %dma_wait3A] : memref<10000x128xf32, #tpu.memory_space<vmem_shared>> -> memref<8x128xf32, #tpu.memory_space<vmem_shared>>
        %dma_wait3A_546 = arith.constant 0 : i32
        %dma_wait3A_547 = tpu.memref_slice %arg9[%multiple_of3A, %dma_wait3A_546] : memref<10000x128xf32, #tpu.memory_space<vmem_shared>> -> memref<8x128xf32, #tpu.memory_space<vmem_shared>>
        tpu.wait_dma2 semaphore(%run_scoped3A : memref<!tpu.dma_semaphore, #tpu.memory_space<semaphore_mem>>) src(%arg8 : memref<8x128xf32, #tpu.memory_space<vmem>>) dst(%dma_wait3A_547 : memref<8x128xf32, #tpu.memory_space<vmem_shared>>)
        tpu.yield
      }) : () -> ()
    }
    %while3A_522 = arith.constant 1 : i32
    scf.for %while3A_536 = %while3A_520 to %while3A_516 step %while3A_522  : i32 {
      %mul3A_537 = arith.constant 624 : i32
      %mul3A_538 = arith.muli %arg1, %mul3A_537 : i32
      %mul3A_539 = arith.constant 8 : i32
      %mul3A_540 = arith.muli %while3A_536, %mul3A_539 : i32
      %add3A_541 = arith.addi %mul3A_538, %mul3A_540 : i32
      %multiple_of3A = tpu.assume_multiple %add3A_541, 8 : i32
      "tpu.region"() ({
        %run_scoped3A = tpu.sem_alloc : memref<!tpu.dma_semaphore, #tpu.memory_space<semaphore_mem>>
        %dma_start3A = arith.constant 0 : i32
        %dma_start3A_542 = tpu.memref_slice %arg9[%multiple_of3A, %dma_start3A] : memref<10000x128xf32, #tpu.memory_space<vmem_shared>> -> memref<8x128xf32, #tpu.memory_space<vmem_shared>>
        %dma_start3A_543 = arith.constant 0 : i32
        %dma_start3A_544 = tpu.memref_slice %arg9[%multiple_of3A, %dma_start3A_543] : memref<10000x128xf32, #tpu.memory_space<vmem_shared>> -> memref<8x128xf32, #tpu.memory_space<vmem_shared>>
        tpu.enqueue_dma source(%arg8 : memref<8x128xf32, #tpu.memory_space<vmem>>) target(%dma_start3A_544 : memref<8x128xf32, #tpu.memory_space<vmem_shared>>) target_semaphore(%run_scoped3A : memref<!tpu.dma_semaphore, #tpu.memory_space<semaphore_mem>>)
        %dma_wait3A = arith.constant 0 : i32
        %dma_wait3A_545 = tpu.memref_slice %arg9[%multiple_of3A, %dma_wait3A] : memref<10000x128xf32, #tpu.memory_space<vmem_shared>> -> memref<8x128xf32, #tpu.memory_space<vmem_shared>>
        %dma_wait3A_546 = arith.constant 0 : i32
        %dma_wait3A_547 = tpu.memref_slice %arg9[%multiple_of3A, %dma_wait3A_546] : memref<10000x128xf32, #tpu.memory_space<vmem_shared>> -> memref<8x128xf32, #tpu.memory_space<vmem_shared>>
        tpu.wait_dma2 semaphore(%run_scoped3A : memref<!tpu.dma_semaphore, #tpu.memory_space<semaphore_mem>>) src(%arg8 : memref<8x128xf32, #tpu.memory_space<vmem>>) dst(%dma_wait3A_547 : memref<8x128xf32, #tpu.memory_space<vmem_shared>>)
        tpu.yield
      }) : () -> ()
    }
    %barrier3A = arith.constant 0 : index
    tpu.barrier barrier_id(%barrier3A)
    %scan3A = arith.constant 0 : i32
    %scan3A_523 = arith.constant 0 : i32
    %scan3A_524 = arith.constant 5 : i32
    %scan3A_525 = arith.addi %scan3A_523, %scan3A_524 : i32
    %scan3A_526 = arith.constant 1 : i32
    scf.for %scan3A_536 = %scan3A_523 to %scan3A_525 step %scan3A_526  : i32 {
      %run_scoped3A = arith.constant 0 : i32
      "tpu.region"() ({
        %run_scoped3A_743 = tpu.sem_alloc : memref<!tpu.dma_semaphore, #tpu.memory_space<semaphore_mem>>
        %dma_start3A_744 = arith.constant 0 : i32
        %dma_start3A_745 = arith.constant 0 : i32
        %dma_start3A_746 = tpu.memref_slice %arg3[%run_scoped3A, %add3A, %scan3A_536, %dma_start3A_744, %dma_start3A_745] : memref<2x32x5x50x40xi32, #tpu.memory_space<hbm>> -> memref<1x1x1x50x40xi32, #tpu.memory_space<hbm>>
        %dma_start3A_747 = tpu.memref_squeeze %dma_start3A_746 : memref<1x1x1x50x40xi32, #tpu.memory_space<hbm>> -> memref<50x40xi32, #tpu.memory_space<hbm>>
        %dma_start3A_748 = arith.constant 0 : i32
        %dma_start3A_749 = arith.constant 0 : i32
        %dma_start3A_750 = tpu.memref_slice %arg3[%run_scoped3A, %add3A, %scan3A_536, %dma_start3A_748, %dma_start3A_749] : memref<2x32x5x50x40xi32, #tpu.memory_space<hbm>> -> memref<1x1x1x50x40xi32, #tpu.memory_space<hbm>>
        %dma_start3A_751 = tpu.memref_squeeze %dma_start3A_750 : memref<1x1x1x50x40xi32, #tpu.memory_space<hbm>> -> memref<50x40xi32, #tpu.memory_space<hbm>>
        tpu.enqueue_dma source(%dma_start3A_751 : memref<50x40xi32, #tpu.memory_space<hbm>>) target(%arg5 : memref<50x40xi32, #tpu.memory_space<vmem>>) target_semaphore(%run_scoped3A_743 : memref<!tpu.dma_semaphore, #tpu.memory_space<semaphore_mem>>)
        %dma_wait3A_752 = arith.constant 0 : i32
        %dma_wait3A_753 = arith.constant 0 : i32
        %dma_wait3A_754 = tpu.memref_slice %arg3[%run_scoped3A, %add3A, %scan3A_536, %dma_wait3A_752, %dma_wait3A_753] : memref<2x32x5x50x40xi32, #tpu.memory_space<hbm>> -> memref<1x1x1x50x40xi32, #tpu.memory_space<hbm>>
        %dma_wait3A_755 = tpu.memref_squeeze %dma_wait3A_754 : memref<1x1x1x50x40xi32, #tpu.memory_space<hbm>> -> memref<50x40xi32, #tpu.memory_space<hbm>>
        %dma_wait3A_756 = arith.constant 0 : i32
        %dma_wait3A_757 = arith.constant 0 : i32
        %dma_wait3A_758 = tpu.memref_slice %arg3[%run_scoped3A, %add3A, %scan3A_536, %dma_wait3A_756, %dma_wait3A_757] : memref<2x32x5x50x40xi32, #tpu.memory_space<hbm>> -> memref<1x1x1x50x40xi32, #tpu.memory_space<hbm>>
        %dma_wait3A_759 = tpu.memref_squeeze %dma_wait3A_758 : memref<1x1x1x50x40xi32, #tpu.memory_space<hbm>> -> memref<50x40xi32, #tpu.memory_space<hbm>>
        tpu.wait_dma2 semaphore(%run_scoped3A_743 : memref<!tpu.dma_semaphore, #tpu.memory_space<semaphore_mem>>) src(%dma_wait3A_759 : memref<50x40xi32, #tpu.memory_space<hbm>>) dst(%arg5 : memref<50x40xi32, #tpu.memory_space<vmem>>)
        tpu.yield
      }) : () -> ()
      %run_scoped3A_537 = arith.constant 1 : i32
      "tpu.region"() ({
        %run_scoped3A_743 = tpu.sem_alloc : memref<!tpu.dma_semaphore, #tpu.memory_space<semaphore_mem>>
        %dma_start3A_744 = arith.constant 0 : i32
        %dma_start3A_745 = arith.constant 0 : i32
        %dma_start3A_746 = tpu.memref_slice %arg3[%run_scoped3A_537, %add3A, %scan3A_536, %dma_start3A_744, %dma_start3A_745] : memref<2x32x5x50x40xi32, #tpu.memory_space<hbm>> -> memref<1x1x1x50x40xi32, #tpu.memory_space<hbm>>
        %dma_start3A_747 = tpu.memref_squeeze %dma_start3A_746 : memref<1x1x1x50x40xi32, #tpu.memory_space<hbm>> -> memref<50x40xi32, #tpu.memory_space<hbm>>
        %dma_start3A_748 = arith.constant 0 : i32
        %dma_start3A_749 = arith.constant 0 : i32
        %dma_start3A_750 = tpu.memref_slice %arg3[%run_scoped3A_537, %add3A, %scan3A_536, %dma_start3A_748, %dma_start3A_749] : memref<2x32x5x50x40xi32, #tpu.memory_space<hbm>> -> memref<1x1x1x50x40xi32, #tpu.memory_space<hbm>>
        %dma_start3A_751 = tpu.memref_squeeze %dma_start3A_750 : memref<1x1x1x50x40xi32, #tpu.memory_space<hbm>> -> memref<50x40xi32, #tpu.memory_space<hbm>>
        tpu.enqueue_dma source(%dma_start3A_751 : memref<50x40xi32, #tpu.memory_space<hbm>>) target(%arg6 : memref<50x40xi32, #tpu.memory_space<vmem>>) target_semaphore(%run_scoped3A_743 : memref<!tpu.dma_semaphore, #tpu.memory_space<semaphore_mem>>)
        %dma_wait3A_752 = arith.constant 0 : i32
        %dma_wait3A_753 = arith.constant 0 : i32
        %dma_wait3A_754 = tpu.memref_slice %arg3[%run_scoped3A_537, %add3A, %scan3A_536, %dma_wait3A_752, %dma_wait3A_753] : memref<2x32x5x50x40xi32, #tpu.memory_space<hbm>> -> memref<1x1x1x50x40xi32, #tpu.memory_space<hbm>>
        %dma_wait3A_755 = tpu.memref_squeeze %dma_wait3A_754 : memref<1x1x1x50x40xi32, #tpu.memory_space<hbm>> -> memref<50x40xi32, #tpu.memory_space<hbm>>
        %dma_wait3A_756 = arith.constant 0 : i32
        %dma_wait3A_757 = arith.constant 0 : i32
        %dma_wait3A_758 = tpu.memref_slice %arg3[%run_scoped3A_537, %add3A, %scan3A_536, %dma_wait3A_756, %dma_wait3A_757] : memref<2x32x5x50x40xi32, #tpu.memory_space<hbm>> -> memref<1x1x1x50x40xi32, #tpu.memory_space<hbm>>
        %dma_wait3A_759 = tpu.memref_squeeze %dma_wait3A_758 : memref<1x1x1x50x40xi32, #tpu.memory_space<hbm>> -> memref<50x40xi32, #tpu.memory_space<hbm>>
        tpu.wait_dma2 semaphore(%run_scoped3A_743 : memref<!tpu.dma_semaphore, #tpu.memory_space<semaphore_mem>>) src(%dma_wait3A_759 : memref<50x40xi32, #tpu.memory_space<hbm>>) dst(%arg6 : memref<50x40xi32, #tpu.memory_space<vmem>>)
        tpu.yield
      }) : () -> ()
      %dma_start3A = arith.constant 0 : i32
      %dma_start3A_538 = arith.constant 0 : i32
      %dma_start3A_539 = arith.constant 0 : i32
      %dma_start3A_540 = arith.constant 0 : i32
      %dma_start3A_541 = arith.constant 0 : i32
      %dma_start3A_542 = tpu.memref_slice %arg7[%dma_start3A_538, %dma_start3A_540, %dma_start3A_541] : memref<6x40x128xf32, #tpu.memory_space<vmem>> -> memref<1x40x128xf32, #tpu.memory_space<vmem>>
      %dma_start3A_543 = tpu.memref_squeeze %dma_start3A_542 : memref<1x40x128xf32, #tpu.memory_space<vmem>> -> memref<40x128xf32, #tpu.memory_space<vmem>>
      %dma_start3A_544 = arith.constant 0 : i32
      %dma_start3A_545 = tpu.memref_slice %arg5[%dma_start3A, %dma_start3A_544] : memref<50x40xi32, #tpu.memory_space<vmem>> -> memref<1x40xi32, #tpu.memory_space<vmem>>
      %dma_start3A_546 = tpu.memref_squeeze %dma_start3A_545 : memref<1x40xi32, #tpu.memory_space<vmem>> -> memref<40xi32, #tpu.memory_space<vmem>>
      %dma_start3A_547 = arith.constant 0 : i32
      %dma_start3A_548 = arith.constant 0 : i32
      %dma_start3A_549 = tpu.memref_slice %arg2[%dma_start3A_547, %dma_start3A_548] : memref<10000x128xf32, #tpu.memory_space<hbm>> -> memref<10000x128xf32, #tpu.memory_space<hbm>>
      %dma_start3A_550 = tpu.memref_slice %arg10[%dma_start3A_539] : memref<6x!tpu.dma_semaphore, #tpu.memory_space<semaphore_mem>> -> memref<1x!tpu.dma_semaphore, #tpu.memory_space<semaphore_mem>>
      %dma_start3A_551 = tpu.memref_squeeze %dma_start3A_550 : memref<1x!tpu.dma_semaphore, #tpu.memory_space<semaphore_mem>> -> memref<!tpu.dma_semaphore, #tpu.memory_space<semaphore_mem>>
      tpu.enqueue_indirect_dma source(%dma_start3A_549 : memref<10000x128xf32, #tpu.memory_space<hbm>>) target(%dma_start3A_543 : memref<40x128xf32, #tpu.memory_space<vmem>>) offsets(%dma_start3A_546 : memref<40xi32, #tpu.memory_space<vmem>>) semaphore(%dma_start3A_551 : memref<!tpu.dma_semaphore, #tpu.memory_space<semaphore_mem>>)
      %dma_start3A_552 = arith.constant 1 : i32
      %dma_start3A_553 = arith.constant 1 : i32
      %dma_start3A_554 = arith.constant 1 : i32
      %dma_start3A_555 = arith.constant 0 : i32
      %dma_start3A_556 = arith.constant 0 : i32
      %dma_start3A_557 = tpu.memref_slice %arg7[%dma_start3A_553, %dma_start3A_555, %dma_start3A_556] : memref<6x40x128xf32, #tpu.memory_space<vmem>> -> memref<1x40x128xf32, #tpu.memory_space<vmem>>
      %dma_start3A_558 = tpu.memref_squeeze %dma_start3A_557 : memref<1x40x128xf32, #tpu.memory_space<vmem>> -> memref<40x128xf32, #tpu.memory_space<vmem>>
      %dma_start3A_559 = arith.constant 0 : i32
      %dma_start3A_560 = tpu.memref_slice %arg5[%dma_start3A_552, %dma_start3A_559] : memref<50x40xi32, #tpu.memory_space<vmem>> -> memref<1x40xi32, #tpu.memory_space<vmem>>
      %dma_start3A_561 = tpu.memref_squeeze %dma_start3A_560 : memref<1x40xi32, #tpu.memory_space<vmem>> -> memref<40xi32, #tpu.memory_space<vmem>>
      %dma_start3A_562 = arith.constant 0 : i32
      %dma_start3A_563 = arith.constant 0 : i32
      %dma_start3A_564 = tpu.memref_slice %arg2[%dma_start3A_562, %dma_start3A_563] : memref<10000x128xf32, #tpu.memory_space<hbm>> -> memref<10000x128xf32, #tpu.memory_space<hbm>>
      %dma_start3A_565 = tpu.memref_slice %arg10[%dma_start3A_554] : memref<6x!tpu.dma_semaphore, #tpu.memory_space<semaphore_mem>> -> memref<1x!tpu.dma_semaphore, #tpu.memory_space<semaphore_mem>>
      %dma_start3A_566 = tpu.memref_squeeze %dma_start3A_565 : memref<1x!tpu.dma_semaphore, #tpu.memory_space<semaphore_mem>> -> memref<!tpu.dma_semaphore, #tpu.memory_space<semaphore_mem>>
      tpu.enqueue_indirect_dma source(%dma_start3A_564 : memref<10000x128xf32, #tpu.memory_space<hbm>>) target(%dma_start3A_558 : memref<40x128xf32, #tpu.memory_space<vmem>>) offsets(%dma_start3A_561 : memref<40xi32, #tpu.memory_space<vmem>>) semaphore(%dma_start3A_566 : memref<!tpu.dma_semaphore, #tpu.memory_space<semaphore_mem>>)
      %dma_start3A_567 = arith.constant 2 : i32
      %dma_start3A_568 = arith.constant 2 : i32
      %dma_start3A_569 = arith.constant 2 : i32
      %dma_start3A_570 = arith.constant 0 : i32
      %dma_start3A_571 = arith.constant 0 : i32
      %dma_start3A_572 = tpu.memref_slice %arg7[%dma_start3A_568, %dma_start3A_570, %dma_start3A_571] : memref<6x40x128xf32, #tpu.memory_space<vmem>> -> memref<1x40x128xf32, #tpu.memory_space<vmem>>
      %dma_start3A_573 = tpu.memref_squeeze %dma_start3A_572 : memref<1x40x128xf32, #tpu.memory_space<vmem>> -> memref<40x128xf32, #tpu.memory_space<vmem>>
      %dma_start3A_574 = arith.constant 0 : i32
      %dma_start3A_575 = tpu.memref_slice %arg5[%dma_start3A_567, %dma_start3A_574] : memref<50x40xi32, #tpu.memory_space<vmem>> -> memref<1x40xi32, #tpu.memory_space<vmem>>
      %dma_start3A_576 = tpu.memref_squeeze %dma_start3A_575 : memref<1x40xi32, #tpu.memory_space<vmem>> -> memref<40xi32, #tpu.memory_space<vmem>>
      %dma_start3A_577 = arith.constant 0 : i32
      %dma_start3A_578 = arith.constant 0 : i32
      %dma_start3A_579 = tpu.memref_slice %arg2[%dma_start3A_577, %dma_start3A_578] : memref<10000x128xf32, #tpu.memory_space<hbm>> -> memref<10000x128xf32, #tpu.memory_space<hbm>>
      %dma_start3A_580 = tpu.memref_slice %arg10[%dma_start3A_569] : memref<6x!tpu.dma_semaphore, #tpu.memory_space<semaphore_mem>> -> memref<1x!tpu.dma_semaphore, #tpu.memory_space<semaphore_mem>>
      %dma_start3A_581 = tpu.memref_squeeze %dma_start3A_580 : memref<1x!tpu.dma_semaphore, #tpu.memory_space<semaphore_mem>> -> memref<!tpu.dma_semaphore, #tpu.memory_space<semaphore_mem>>
      tpu.enqueue_indirect_dma source(%dma_start3A_579 : memref<10000x128xf32, #tpu.memory_space<hbm>>) target(%dma_start3A_573 : memref<40x128xf32, #tpu.memory_space<vmem>>) offsets(%dma_start3A_576 : memref<40xi32, #tpu.memory_space<vmem>>) semaphore(%dma_start3A_581 : memref<!tpu.dma_semaphore, #tpu.memory_space<semaphore_mem>>)
      %scan3A_582 = arith.constant 0 : i32
      %scan3A_583 = arith.constant 0 : i32
      %scan3A_584 = arith.constant 8 : i32
      %scan3A_585 = arith.addi %scan3A_583, %scan3A_584 : i32
      %scan3A_586 = arith.constant 1 : i32
      scf.for %scan3A_743 = %scan3A_583 to %scan3A_585 step %scan3A_586  : i32 {
        %mul3A_744 = arith.constant 6 : i32
        %mul3A_745 = arith.muli %scan3A_743, %mul3A_744 : i32
        %add3A_746 = arith.constant 0 : i32
        %add3A_747 = arith.addi %mul3A_745, %add3A_746 : i32
        %gt3A = arith.constant 0 : i32
        %gt3A_748 = arith.cmpi sgt, %scan3A_743, %gt3A : i32
        %convert_element_type3A_749 = arith.extui %gt3A_748 : i1 to i32
        %cond3A_750 = arith.constant 0 : i32
        %cond3A_751 = arith.cmpi ne, %convert_element_type3A_749, %cond3A_750 : i32
        scf.if %cond3A_751 {
          %dma_wait3A_1060 = arith.constant 0 : i32
          %dma_wait3A_1061 = arith.constant 3 : i32
          %dma_wait3A_1062 = arith.constant 0 : i32
          %dma_wait3A_1063 = arith.constant 0 : i32
          %dma_wait3A_1064 = tpu.memref_slice %arg7[%dma_wait3A_1060, %dma_wait3A_1062, %dma_wait3A_1063] : memref<6x40x128xf32, #tpu.memory_space<vmem>> -> memref<1x40x128xf32, #tpu.memory_space<vmem>>
          %dma_wait3A_1065 = tpu.memref_squeeze %dma_wait3A_1064 : memref<1x40x128xf32, #tpu.memory_space<vmem>> -> memref<40x128xf32, #tpu.memory_space<vmem>>
          %dma_wait3A_1066 = arith.constant 0 : i32
          %dma_wait3A_1067 = arith.constant 0 : i32
          %dma_wait3A_1068 = tpu.memref_slice %arg2[%dma_wait3A_1066, %dma_wait3A_1067] : memref<10000x128xf32, #tpu.memory_space<hbm>> -> memref<40x128xf32, #tpu.memory_space<hbm>>
          %dma_wait3A_1069 = tpu.memref_slice %arg11[%dma_wait3A_1061] : memref<6x!tpu.dma_semaphore, #tpu.memory_space<semaphore_mem>> -> memref<1x!tpu.dma_semaphore, #tpu.memory_space<semaphore_mem>>
          %dma_wait3A_1070 = tpu.memref_squeeze %dma_wait3A_1069 : memref<1x!tpu.dma_semaphore, #tpu.memory_space<semaphore_mem>> -> memref<!tpu.dma_semaphore, #tpu.memory_space<semaphore_mem>>
          %dma_wait3A_1071 = arith.constant 0 : i32
          %dma_wait3A_1072 = arith.constant 0 : i32
          %dma_wait3A_1073 = tpu.memref_slice %arg7[%dma_wait3A_1060, %dma_wait3A_1071, %dma_wait3A_1072] : memref<6x40x128xf32, #tpu.memory_space<vmem>> -> memref<1x40x128xf32, #tpu.memory_space<vmem>>
          %dma_wait3A_1074 = tpu.memref_squeeze %dma_wait3A_1073 : memref<1x40x128xf32, #tpu.memory_space<vmem>> -> memref<40x128xf32, #tpu.memory_space<vmem>>
          %dma_wait3A_1075 = arith.constant 0 : i32
          %dma_wait3A_1076 = arith.constant 0 : i32
          %dma_wait3A_1077 = tpu.memref_slice %arg2[%dma_wait3A_1075, %dma_wait3A_1076] : memref<10000x128xf32, #tpu.memory_space<hbm>> -> memref<40x128xf32, #tpu.memory_space<hbm>>
          tpu.wait_dma2 semaphore(%dma_wait3A_1070 : memref<!tpu.dma_semaphore, #tpu.memory_space<semaphore_mem>>) src(%dma_wait3A_1077 : memref<40x128xf32, #tpu.memory_space<hbm>>) dst(%dma_wait3A_1074 : memref<40x128xf32, #tpu.memory_space<vmem>>)
        } else {
        }
        %add3A_752 = arith.constant 3 : i32
        %add3A_753 = arith.addi %add3A_747, %add3A_752 : i32
        %lt3A_754 = arith.constant 50 : i32
        %lt3A_755 = arith.cmpi slt, %add3A_753, %lt3A_754 : i32
        %convert_element_type3A_756 = arith.extui %lt3A_755 : i1 to i32
        %cond3A_757 = arith.constant 0 : i32
        %cond3A_758 = arith.cmpi ne, %convert_element_type3A_756, %cond3A_757 : i32
        scf.if %cond3A_758 {
          %add3A_1060 = arith.constant 3 : i32
          %add3A_1061 = arith.addi %add3A_747, %add3A_1060 : i32
          %dma_start3A_1062 = arith.constant 3 : i32
          %dma_start3A_1063 = arith.constant 3 : i32
          %dma_start3A_1064 = arith.constant 0 : i32
          %dma_start3A_1065 = arith.constant 0 : i32
          %dma_start3A_1066 = tpu.memref_slice %arg7[%dma_start3A_1062, %dma_start3A_1064, %dma_start3A_1065] : memref<6x40x128xf32, #tpu.memory_space<vmem>> -> memref<1x40x128xf32, #tpu.memory_space<vmem>>
          %dma_start3A_1067 = tpu.memref_squeeze %dma_start3A_1066 : memref<1x40x128xf32, #tpu.memory_space<vmem>> -> memref<40x128xf32, #tpu.memory_space<vmem>>
          %dma_start3A_1068 = arith.constant 0 : i32
          %dma_start3A_1069 = tpu.memref_slice %arg5[%add3A_1061, %dma_start3A_1068] : memref<50x40xi32, #tpu.memory_space<vmem>> -> memref<1x40xi32, #tpu.memory_space<vmem>>
          %dma_start3A_1070 = tpu.memref_squeeze %dma_start3A_1069 : memref<1x40xi32, #tpu.memory_space<vmem>> -> memref<40xi32, #tpu.memory_space<vmem>>
          %dma_start3A_1071 = arith.constant 0 : i32
          %dma_start3A_1072 = arith.constant 0 : i32
          %dma_start3A_1073 = tpu.memref_slice %arg2[%dma_start3A_1071, %dma_start3A_1072] : memref<10000x128xf32, #tpu.memory_space<hbm>> -> memref<10000x128xf32, #tpu.memory_space<hbm>>
          %dma_start3A_1074 = tpu.memref_slice %arg10[%dma_start3A_1063] : memref<6x!tpu.dma_semaphore, #tpu.memory_space<semaphore_mem>> -> memref<1x!tpu.dma_semaphore, #tpu.memory_space<semaphore_mem>>
          %dma_start3A_1075 = tpu.memref_squeeze %dma_start3A_1074 : memref<1x!tpu.dma_semaphore, #tpu.memory_space<semaphore_mem>> -> memref<!tpu.dma_semaphore, #tpu.memory_space<semaphore_mem>>
          tpu.enqueue_indirect_dma source(%dma_start3A_1073 : memref<10000x128xf32, #tpu.memory_space<hbm>>) target(%dma_start3A_1067 : memref<40x128xf32, #tpu.memory_space<vmem>>) offsets(%dma_start3A_1070 : memref<40xi32, #tpu.memory_space<vmem>>) semaphore(%dma_start3A_1075 : memref<!tpu.dma_semaphore, #tpu.memory_space<semaphore_mem>>)
        } else {
        }
        %dma_wait3A_759 = arith.constant 0 : i32
        %dma_wait3A_760 = arith.constant 0 : i32
        %dma_wait3A_761 = arith.constant 0 : i32
        %dma_wait3A_762 = arith.constant 0 : i32
        %dma_wait3A_763 = tpu.memref_slice %arg7[%dma_wait3A_759, %dma_wait3A_761, %dma_wait3A_762] : memref<6x40x128xf32, #tpu.memory_space<vmem>> -> memref<1x40x128xf32, #tpu.memory_space<vmem>>
        %dma_wait3A_764 = tpu.memref_squeeze %dma_wait3A_763 : memref<1x40x128xf32, #tpu.memory_space<vmem>> -> memref<40x128xf32, #tpu.memory_space<vmem>>
        %dma_wait3A_765 = arith.constant 0 : i32
        %dma_wait3A_766 = arith.constant 0 : i32
        %dma_wait3A_767 = tpu.memref_slice %arg2[%dma_wait3A_765, %dma_wait3A_766] : memref<10000x128xf32, #tpu.memory_space<hbm>> -> memref<40x128xf32, #tpu.memory_space<hbm>>
        %dma_wait3A_768 = tpu.memref_slice %arg10[%dma_wait3A_760] : memref<6x!tpu.dma_semaphore, #tpu.memory_space<semaphore_mem>> -> memref<1x!tpu.dma_semaphore, #tpu.memory_space<semaphore_mem>>
        %dma_wait3A_769 = tpu.memref_squeeze %dma_wait3A_768 : memref<1x!tpu.dma_semaphore, #tpu.memory_space<semaphore_mem>> -> memref<!tpu.dma_semaphore, #tpu.memory_space<semaphore_mem>>
        %dma_wait3A_770 = arith.constant 0 : i32
        %dma_wait3A_771 = arith.constant 0 : i32
        %dma_wait3A_772 = tpu.memref_slice %arg7[%dma_wait3A_759, %dma_wait3A_770, %dma_wait3A_771] : memref<6x40x128xf32, #tpu.memory_space<vmem>> -> memref<1x40x128xf32, #tpu.memory_space<vmem>>
        %dma_wait3A_773 = tpu.memref_squeeze %dma_wait3A_772 : memref<1x40x128xf32, #tpu.memory_space<vmem>> -> memref<40x128xf32, #tpu.memory_space<vmem>>
        %dma_wait3A_774 = arith.constant 0 : i32
        %dma_wait3A_775 = arith.constant 0 : i32
        %dma_wait3A_776 = tpu.memref_slice %arg2[%dma_wait3A_774, %dma_wait3A_775] : memref<10000x128xf32, #tpu.memory_space<hbm>> -> memref<40x128xf32, #tpu.memory_space<hbm>>
        tpu.wait_dma2 semaphore(%dma_wait3A_769 : memref<!tpu.dma_semaphore, #tpu.memory_space<semaphore_mem>>) src(%dma_wait3A_776 : memref<40x128xf32, #tpu.memory_space<hbm>>) dst(%dma_wait3A_773 : memref<40x128xf32, #tpu.memory_space<vmem>>)
        %dma_start3A_777 = arith.constant 0 : i32
        %dma_start3A_778 = arith.constant 0 : i32
        %dma_start3A_779 = arith.constant 0 : i32
        %dma_start3A_780 = arith.constant 0 : i32
        %dma_start3A_781 = tpu.memref_slice %arg7[%dma_start3A_777, %dma_start3A_779, %dma_start3A_780] : memref<6x40x128xf32, #tpu.memory_space<vmem>> -> memref<1x40x128xf32, #tpu.memory_space<vmem>>
        %dma_start3A_782 = tpu.memref_squeeze %dma_start3A_781 : memref<1x40x128xf32, #tpu.memory_space<vmem>> -> memref<40x128xf32, #tpu.memory_space<vmem>>
        %dma_start3A_783 = arith.constant 0 : i32
        %dma_start3A_784 = tpu.memref_slice %arg6[%add3A_747, %dma_start3A_783] : memref<50x40xi32, #tpu.memory_space<vmem>> -> memref<1x40xi32, #tpu.memory_space<vmem>>
        %dma_start3A_785 = tpu.memref_squeeze %dma_start3A_784 : memref<1x40xi32, #tpu.memory_space<vmem>> -> memref<40xi32, #tpu.memory_space<vmem>>
        %dma_start3A_786 = arith.constant 0 : i32
        %dma_start3A_787 = arith.constant 0 : i32
        %dma_start3A_788 = tpu.memref_slice %arg9[%dma_start3A_786, %dma_start3A_787] : memref<10000x128xf32, #tpu.memory_space<vmem_shared>> -> memref<10000x128xf32, #tpu.memory_space<vmem_shared>>
        %dma_start3A_789 = tpu.memref_slice %arg11[%dma_start3A_778] : memref<6x!tpu.dma_semaphore, #tpu.memory_space<semaphore_mem>> -> memref<1x!tpu.dma_semaphore, #tpu.memory_space<semaphore_mem>>
        %dma_start3A_790 = tpu.memref_squeeze %dma_start3A_789 : memref<1x!tpu.dma_semaphore, #tpu.memory_space<semaphore_mem>> -> memref<!tpu.dma_semaphore, #tpu.memory_space<semaphore_mem>>
        tpu.enqueue_indirect_dma source(%dma_start3A_782 : memref<40x128xf32, #tpu.memory_space<vmem>>) target(%dma_start3A_788 : memref<10000x128xf32, #tpu.memory_space<vmem_shared>>) offsets(%dma_start3A_785 : memref<40xi32, #tpu.memory_space<vmem>>) semaphore(%dma_start3A_790 : memref<!tpu.dma_semaphore, #tpu.memory_space<semaphore_mem>>) {add = true}
        %add3A_791 = arith.constant 1 : i32
        %add3A_792 = arith.addi %mul3A_745, %add3A_791 : i32
        %gt3A_793 = arith.constant 0 : i32
        %gt3A_794 = arith.cmpi sgt, %scan3A_743, %gt3A_793 : i32
        %convert_element_type3A_795 = arith.extui %gt3A_794 : i1 to i32
        %cond3A_796 = arith.constant 0 : i32
        %cond3A_797 = arith.cmpi ne, %convert_element_type3A_795, %cond3A_796 : i32
        scf.if %cond3A_797 {
          %dma_wait3A_1060 = arith.constant 0 : i32
          %dma_wait3A_1061 = arith.constant 4 : i32
          %dma_wait3A_1062 = arith.constant 0 : i32
          %dma_wait3A_1063 = arith.constant 0 : i32
          %dma_wait3A_1064 = tpu.memref_slice %arg7[%dma_wait3A_1060, %dma_wait3A_1062, %dma_wait3A_1063] : memref<6x40x128xf32, #tpu.memory_space<vmem>> -> memref<1x40x128xf32, #tpu.memory_space<vmem>>
          %dma_wait3A_1065 = tpu.memref_squeeze %dma_wait3A_1064 : memref<1x40x128xf32, #tpu.memory_space<vmem>> -> memref<40x128xf32, #tpu.memory_space<vmem>>
          %dma_wait3A_1066 = arith.constant 0 : i32
          %dma_wait3A_1067 = arith.constant 0 : i32
          %dma_wait3A_1068 = tpu.memref_slice %arg2[%dma_wait3A_1066, %dma_wait3A_1067] : memref<10000x128xf32, #tpu.memory_space<hbm>> -> memref<40x128xf32, #tpu.memory_space<hbm>>
          %dma_wait3A_1069 = tpu.memref_slice %arg11[%dma_wait3A_1061] : memref<6x!tpu.dma_semaphore, #tpu.memory_space<semaphore_mem>> -> memref<1x!tpu.dma_semaphore, #tpu.memory_space<semaphore_mem>>
          %dma_wait3A_1070 = tpu.memref_squeeze %dma_wait3A_1069 : memref<1x!tpu.dma_semaphore, #tpu.memory_space<semaphore_mem>> -> memref<!tpu.dma_semaphore, #tpu.memory_space<semaphore_mem>>
          %dma_wait3A_1071 = arith.constant 0 : i32
          %dma_wait3A_1072 = arith.constant 0 : i32
          %dma_wait3A_1073 = tpu.memref_slice %arg7[%dma_wait3A_1060, %dma_wait3A_1071, %dma_wait3A_1072] : memref<6x40x128xf32, #tpu.memory_space<vmem>> -> memref<1x40x128xf32, #tpu.memory_space<vmem>>
          %dma_wait3A_1074 = tpu.memref_squeeze %dma_wait3A_1073 : memref<1x40x128xf32, #tpu.memory_space<vmem>> -> memref<40x128xf32, #tpu.memory_space<vmem>>
          %dma_wait3A_1075 = arith.constant 0 : i32
          %dma_wait3A_1076 = arith.constant 0 : i32
          %dma_wait3A_1077 = tpu.memref_slice %arg2[%dma_wait3A_1075, %dma_wait3A_1076] : memref<10000x128xf32, #tpu.memory_space<hbm>> -> memref<40x128xf32, #tpu.memory_space<hbm>>
          tpu.wait_dma2 semaphore(%dma_wait3A_1070 : memref<!tpu.dma_semaphore, #tpu.memory_space<semaphore_mem>>) src(%dma_wait3A_1077 : memref<40x128xf32, #tpu.memory_space<hbm>>) dst(%dma_wait3A_1074 : memref<40x128xf32, #tpu.memory_space<vmem>>)
        } else {
        }
        %add3A_798 = arith.constant 3 : i32
        %add3A_799 = arith.addi %add3A_792, %add3A_798 : i32
        %lt3A_800 = arith.constant 50 : i32
        %lt3A_801 = arith.cmpi slt, %add3A_799, %lt3A_800 : i32
        %convert_element_type3A_802 = arith.extui %lt3A_801 : i1 to i32
        %cond3A_803 = arith.constant 0 : i32
        %cond3A_804 = arith.cmpi ne, %convert_element_type3A_802, %cond3A_803 : i32
        scf.if %cond3A_804 {
          %add3A_1060 = arith.constant 3 : i32
          %add3A_1061 = arith.addi %add3A_792, %add3A_1060 : i32
          %dma_start3A_1062 = arith.constant 4 : i32
          %dma_start3A_1063 = arith.constant 4 : i32
          %dma_start3A_1064 = arith.constant 0 : i32
          %dma_start3A_1065 = arith.constant 0 : i32
          %dma_start3A_1066 = tpu.memref_slice %arg7[%dma_start3A_1062, %dma_start3A_1064, %dma_start3A_1065] : memref<6x40x128xf32, #tpu.memory_space<vmem>> -> memref<1x40x128xf32, #tpu.memory_space<vmem>>
          %dma_start3A_1067 = tpu.memref_squeeze %dma_start3A_1066 : memref<1x40x128xf32, #tpu.memory_space<vmem>> -> memref<40x128xf32, #tpu.memory_space<vmem>>
          %dma_start3A_1068 = arith.constant 0 : i32
          %dma_start3A_1069 = tpu.memref_slice %arg5[%add3A_1061, %dma_start3A_1068] : memref<50x40xi32, #tpu.memory_space<vmem>> -> memref<1x40xi32, #tpu.memory_space<vmem>>
          %dma_start3A_1070 = tpu.memref_squeeze %dma_start3A_1069 : memref<1x40xi32, #tpu.memory_space<vmem>> -> memref<40xi32, #tpu.memory_space<vmem>>
          %dma_start3A_1071 = arith.constant 0 : i32
          %dma_start3A_1072 = arith.constant 0 : i32
          %dma_start3A_1073 = tpu.memref_slice %arg2[%dma_start3A_1071, %dma_start3A_1072] : memref<10000x128xf32, #tpu.memory_space<hbm>> -> memref<10000x128xf32, #tpu.memory_space<hbm>>
          %dma_start3A_1074 = tpu.memref_slice %arg10[%dma_start3A_1063] : memref<6x!tpu.dma_semaphore, #tpu.memory_space<semaphore_mem>> -> memref<1x!tpu.dma_semaphore, #tpu.memory_space<semaphore_mem>>
          %dma_start3A_1075 = tpu.memref_squeeze %dma_start3A_1074 : memref<1x!tpu.dma_semaphore, #tpu.memory_space<semaphore_mem>> -> memref<!tpu.dma_semaphore, #tpu.memory_space<semaphore_mem>>
          tpu.enqueue_indirect_dma source(%dma_start3A_1073 : memref<10000x128xf32, #tpu.memory_space<hbm>>) target(%dma_start3A_1067 : memref<40x128xf32, #tpu.memory_space<vmem>>) offsets(%dma_start3A_1070 : memref<40xi32, #tpu.memory_space<vmem>>) semaphore(%dma_start3A_1075 : memref<!tpu.dma_semaphore, #tpu.memory_space<semaphore_mem>>)
        } else {
        }
        %dma_wait3A_805 = arith.constant 0 : i32
        %dma_wait3A_806 = arith.constant 1 : i32
        %dma_wait3A_807 = arith.constant 0 : i32
        %dma_wait3A_808 = arith.constant 0 : i32
        %dma_wait3A_809 = tpu.memref_slice %arg7[%dma_wait3A_805, %dma_wait3A_807, %dma_wait3A_808] : memref<6x40x128xf32, #tpu.memory_space<vmem>> -> memref<1x40x128xf32, #tpu.memory_space<vmem>>
        %dma_wait3A_810 = tpu.memref_squeeze %dma_wait3A_809 : memref<1x40x128xf32, #tpu.memory_space<vmem>> -> memref<40x128xf32, #tpu.memory_space<vmem>>
        %dma_wait3A_811 = arith.constant 0 : i32
        %dma_wait3A_812 = arith.constant 0 : i32
        %dma_wait3A_813 = tpu.memref_slice %arg2[%dma_wait3A_811, %dma_wait3A_812] : memref<10000x128xf32, #tpu.memory_space<hbm>> -> memref<40x128xf32, #tpu.memory_space<hbm>>
        %dma_wait3A_814 = tpu.memref_slice %arg10[%dma_wait3A_806] : memref<6x!tpu.dma_semaphore, #tpu.memory_space<semaphore_mem>> -> memref<1x!tpu.dma_semaphore, #tpu.memory_space<semaphore_mem>>
        %dma_wait3A_815 = tpu.memref_squeeze %dma_wait3A_814 : memref<1x!tpu.dma_semaphore, #tpu.memory_space<semaphore_mem>> -> memref<!tpu.dma_semaphore, #tpu.memory_space<semaphore_mem>>
        %dma_wait3A_816 = arith.constant 0 : i32
        %dma_wait3A_817 = arith.constant 0 : i32
        %dma_wait3A_818 = tpu.memref_slice %arg7[%dma_wait3A_805, %dma_wait3A_816, %dma_wait3A_817] : memref<6x40x128xf32, #tpu.memory_space<vmem>> -> memref<1x40x128xf32, #tpu.memory_space<vmem>>
        %dma_wait3A_819 = tpu.memref_squeeze %dma_wait3A_818 : memref<1x40x128xf32, #tpu.memory_space<vmem>> -> memref<40x128xf32, #tpu.memory_space<vmem>>
        %dma_wait3A_820 = arith.constant 0 : i32
        %dma_wait3A_821 = arith.constant 0 : i32
        %dma_wait3A_822 = tpu.memref_slice %arg2[%dma_wait3A_820, %dma_wait3A_821] : memref<10000x128xf32, #tpu.memory_space<hbm>> -> memref<40x128xf32, #tpu.memory_space<hbm>>
        tpu.wait_dma2 semaphore(%dma_wait3A_815 : memref<!tpu.dma_semaphore, #tpu.memory_space<semaphore_mem>>) src(%dma_wait3A_822 : memref<40x128xf32, #tpu.memory_space<hbm>>) dst(%dma_wait3A_819 : memref<40x128xf32, #tpu.memory_space<vmem>>)
        %dma_start3A_823 = arith.constant 1 : i32
        %dma_start3A_824 = arith.constant 1 : i32
        %dma_start3A_825 = arith.constant 0 : i32
        %dma_start3A_826 = arith.constant 0 : i32
        %dma_start3A_827 = tpu.memref_slice %arg7[%dma_start3A_823, %dma_start3A_825, %dma_start3A_826] : memref<6x40x128xf32, #tpu.memory_space<vmem>> -> memref<1x40x128xf32, #tpu.memory_space<vmem>>
        %dma_start3A_828 = tpu.memref_squeeze %dma_start3A_827 : memref<1x40x128xf32, #tpu.memory_space<vmem>> -> memref<40x128xf32, #tpu.memory_space<vmem>>
        %dma_start3A_829 = arith.constant 0 : i32
        %dma_start3A_830 = tpu.memref_slice %arg6[%add3A_792, %dma_start3A_829] : memref<50x40xi32, #tpu.memory_space<vmem>> -> memref<1x40xi32, #tpu.memory_space<vmem>>
        %dma_start3A_831 = tpu.memref_squeeze %dma_start3A_830 : memref<1x40xi32, #tpu.memory_space<vmem>> -> memref<40xi32, #tpu.memory_space<vmem>>
        %dma_start3A_832 = arith.constant 0 : i32
        %dma_start3A_833 = arith.constant 0 : i32
        %dma_start3A_834 = tpu.memref_slice %arg9[%dma_start3A_832, %dma_start3A_833] : memref<10000x128xf32, #tpu.memory_space<vmem_shared>> -> memref<10000x128xf32, #tpu.memory_space<vmem_shared>>
        %dma_start3A_835 = tpu.memref_slice %arg11[%dma_start3A_824] : memref<6x!tpu.dma_semaphore, #tpu.memory_space<semaphore_mem>> -> memref<1x!tpu.dma_semaphore, #tpu.memory_space<semaphore_mem>>
        %dma_start3A_836 = tpu.memref_squeeze %dma_start3A_835 : memref<1x!tpu.dma_semaphore, #tpu.memory_space<semaphore_mem>> -> memref<!tpu.dma_semaphore, #tpu.memory_space<semaphore_mem>>
        tpu.enqueue_indirect_dma source(%dma_start3A_828 : memref<40x128xf32, #tpu.memory_space<vmem>>) target(%dma_start3A_834 : memref<10000x128xf32, #tpu.memory_space<vmem_shared>>) offsets(%dma_start3A_831 : memref<40xi32, #tpu.memory_space<vmem>>) semaphore(%dma_start3A_836 : memref<!tpu.dma_semaphore, #tpu.memory_space<semaphore_mem>>) {add = true}
        %add3A_837 = arith.constant 2 : i32
        %add3A_838 = arith.addi %mul3A_745, %add3A_837 : i32
        %gt3A_839 = arith.constant 0 : i32
        %gt3A_840 = arith.cmpi sgt, %scan3A_743, %gt3A_839 : i32
        %convert_element_type3A_841 = arith.extui %gt3A_840 : i1 to i32
        %cond3A_842 = arith.constant 0 : i32
        %cond3A_843 = arith.cmpi ne, %convert_element_type3A_841, %cond3A_842 : i32
        scf.if %cond3A_843 {
          %dma_wait3A_1060 = arith.constant 0 : i32
          %dma_wait3A_1061 = arith.constant 5 : i32
          %dma_wait3A_1062 = arith.constant 0 : i32
          %dma_wait3A_1063 = arith.constant 0 : i32
          %dma_wait3A_1064 = tpu.memref_slice %arg7[%dma_wait3A_1060, %dma_wait3A_1062, %dma_wait3A_1063] : memref<6x40x128xf32, #tpu.memory_space<vmem>> -> memref<1x40x128xf32, #tpu.memory_space<vmem>>
          %dma_wait3A_1065 = tpu.memref_squeeze %dma_wait3A_1064 : memref<1x40x128xf32, #tpu.memory_space<vmem>> -> memref<40x128xf32, #tpu.memory_space<vmem>>
          %dma_wait3A_1066 = arith.constant 0 : i32
          %dma_wait3A_1067 = arith.constant 0 : i32
          %dma_wait3A_1068 = tpu.memref_slice %arg2[%dma_wait3A_1066, %dma_wait3A_1067] : memref<10000x128xf32, #tpu.memory_space<hbm>> -> memref<40x128xf32, #tpu.memory_space<hbm>>
          %dma_wait3A_1069 = tpu.memref_slice %arg11[%dma_wait3A_1061] : memref<6x!tpu.dma_semaphore, #tpu.memory_space<semaphore_mem>> -> memref<1x!tpu.dma_semaphore, #tpu.memory_space<semaphore_mem>>
          %dma_wait3A_1070 = tpu.memref_squeeze %dma_wait3A_1069 : memref<1x!tpu.dma_semaphore, #tpu.memory_space<semaphore_mem>> -> memref<!tpu.dma_semaphore, #tpu.memory_space<semaphore_mem>>
          %dma_wait3A_1071 = arith.constant 0 : i32
          %dma_wait3A_1072 = arith.constant 0 : i32
          %dma_wait3A_1073 = tpu.memref_slice %arg7[%dma_wait3A_1060, %dma_wait3A_1071, %dma_wait3A_1072] : memref<6x40x128xf32, #tpu.memory_space<vmem>> -> memref<1x40x128xf32, #tpu.memory_space<vmem>>
          %dma_wait3A_1074 = tpu.memref_squeeze %dma_wait3A_1073 : memref<1x40x128xf32, #tpu.memory_space<vmem>> -> memref<40x128xf32, #tpu.memory_space<vmem>>
          %dma_wait3A_1075 = arith.constant 0 : i32
          %dma_wait3A_1076 = arith.constant 0 : i32
          %dma_wait3A_1077 = tpu.memref_slice %arg2[%dma_wait3A_1075, %dma_wait3A_1076] : memref<10000x128xf32, #tpu.memory_space<hbm>> -> memref<40x128xf32, #tpu.memory_space<hbm>>
          tpu.wait_dma2 semaphore(%dma_wait3A_1070 : memref<!tpu.dma_semaphore, #tpu.memory_space<semaphore_mem>>) src(%dma_wait3A_1077 : memref<40x128xf32, #tpu.memory_space<hbm>>) dst(%dma_wait3A_1074 : memref<40x128xf32, #tpu.memory_space<vmem>>)
        } else {
        }
        %add3A_844 = arith.constant 3 : i32
        %add3A_845 = arith.addi %add3A_838, %add3A_844 : i32
        %lt3A_846 = arith.constant 50 : i32
        %lt3A_847 = arith.cmpi slt, %add3A_845, %lt3A_846 : i32
        %convert_element_type3A_848 = arith.extui %lt3A_847 : i1 to i32
        %cond3A_849 = arith.constant 0 : i32
        %cond3A_850 = arith.cmpi ne, %convert_element_type3A_848, %cond3A_849 : i32
        scf.if %cond3A_850 {
          %add3A_1060 = arith.constant 3 : i32
          %add3A_1061 = arith.addi %add3A_838, %add3A_1060 : i32
          %dma_start3A_1062 = arith.constant 5 : i32
          %dma_start3A_1063 = arith.constant 5 : i32
          %dma_start3A_1064 = arith.constant 0 : i32
          %dma_start3A_1065 = arith.constant 0 : i32
          %dma_start3A_1066 = tpu.memref_slice %arg7[%dma_start3A_1062, %dma_start3A_1064, %dma_start3A_1065] : memref<6x40x128xf32, #tpu.memory_space<vmem>> -> memref<1x40x128xf32, #tpu.memory_space<vmem>>
          %dma_start3A_1067 = tpu.memref_squeeze %dma_start3A_1066 : memref<1x40x128xf32, #tpu.memory_space<vmem>> -> memref<40x128xf32, #tpu.memory_space<vmem>>
          %dma_start3A_1068 = arith.constant 0 : i32
          %dma_start3A_1069 = tpu.memref_slice %arg5[%add3A_1061, %dma_start3A_1068] : memref<50x40xi32, #tpu.memory_space<vmem>> -> memref<1x40xi32, #tpu.memory_space<vmem>>
          %dma_start3A_1070 = tpu.memref_squeeze %dma_start3A_1069 : memref<1x40xi32, #tpu.memory_space<vmem>> -> memref<40xi32, #tpu.memory_space<vmem>>
          %dma_start3A_1071 = arith.constant 0 : i32
          %dma_start3A_1072 = arith.constant 0 : i32
          %dma_start3A_1073 = tpu.memref_slice %arg2[%dma_start3A_1071, %dma_start3A_1072] : memref<10000x128xf32, #tpu.memory_space<hbm>> -> memref<10000x128xf32, #tpu.memory_space<hbm>>
          %dma_start3A_1074 = tpu.memref_slice %arg10[%dma_start3A_1063] : memref<6x!tpu.dma_semaphore, #tpu.memory_space<semaphore_mem>> -> memref<1x!tpu.dma_semaphore, #tpu.memory_space<semaphore_mem>>
          %dma_start3A_1075 = tpu.memref_squeeze %dma_start3A_1074 : memref<1x!tpu.dma_semaphore, #tpu.memory_space<semaphore_mem>> -> memref<!tpu.dma_semaphore, #tpu.memory_space<semaphore_mem>>
          tpu.enqueue_indirect_dma source(%dma_start3A_1073 : memref<10000x128xf32, #tpu.memory_space<hbm>>) target(%dma_start3A_1067 : memref<40x128xf32, #tpu.memory_space<vmem>>) offsets(%dma_start3A_1070 : memref<40xi32, #tpu.memory_space<vmem>>) semaphore(%dma_start3A_1075 : memref<!tpu.dma_semaphore, #tpu.memory_space<semaphore_mem>>)
        } else {
        }
        %dma_wait3A_851 = arith.constant 0 : i32
        %dma_wait3A_852 = arith.constant 2 : i32
        %dma_wait3A_853 = arith.constant 0 : i32
        %dma_wait3A_854 = arith.constant 0 : i32
        %dma_wait3A_855 = tpu.memref_slice %arg7[%dma_wait3A_851, %dma_wait3A_853, %dma_wait3A_854] : memref<6x40x128xf32, #tpu.memory_space<vmem>> -> memref<1x40x128xf32, #tpu.memory_space<vmem>>
        %dma_wait3A_856 = tpu.memref_squeeze %dma_wait3A_855 : memref<1x40x128xf32, #tpu.memory_space<vmem>> -> memref<40x128xf32, #tpu.memory_space<vmem>>
        %dma_wait3A_857 = arith.constant 0 : i32
        %dma_wait3A_858 = arith.constant 0 : i32
        %dma_wait3A_859 = tpu.memref_slice %arg2[%dma_wait3A_857, %dma_wait3A_858] : memref<10000x128xf32, #tpu.memory_space<hbm>> -> memref<40x128xf32, #tpu.memory_space<hbm>>
        %dma_wait3A_860 = tpu.memref_slice %arg10[%dma_wait3A_852] : memref<6x!tpu.dma_semaphore, #tpu.memory_space<semaphore_mem>> -> memref<1x!tpu.dma_semaphore, #tpu.memory_space<semaphore_mem>>
        %dma_wait3A_861 = tpu.memref_squeeze %dma_wait3A_860 : memref<1x!tpu.dma_semaphore, #tpu.memory_space<semaphore_mem>> -> memref<!tpu.dma_semaphore, #tpu.memory_space<semaphore_mem>>
        %dma_wait3A_862 = arith.constant 0 : i32
        %dma_wait3A_863 = arith.constant 0 : i32
        %dma_wait3A_864 = tpu.memref_slice %arg7[%dma_wait3A_851, %dma_wait3A_862, %dma_wait3A_863] : memref<6x40x128xf32, #tpu.memory_space<vmem>> -> memref<1x40x128xf32, #tpu.memory_space<vmem>>
        %dma_wait3A_865 = tpu.memref_squeeze %dma_wait3A_864 : memref<1x40x128xf32, #tpu.memory_space<vmem>> -> memref<40x128xf32, #tpu.memory_space<vmem>>
        %dma_wait3A_866 = arith.constant 0 : i32
        %dma_wait3A_867 = arith.constant 0 : i32
        %dma_wait3A_868 = tpu.memref_slice %arg2[%dma_wait3A_866, %dma_wait3A_867] : memref<10000x128xf32, #tpu.memory_space<hbm>> -> memref<40x128xf32, #tpu.memory_space<hbm>>
        tpu.wait_dma2 semaphore(%dma_wait3A_861 : memref<!tpu.dma_semaphore, #tpu.memory_space<semaphore_mem>>) src(%dma_wait3A_868 : memref<40x128xf32, #tpu.memory_space<hbm>>) dst(%dma_wait3A_865 : memref<40x128xf32, #tpu.memory_space<vmem>>)
        %dma_start3A_869 = arith.constant 2 : i32
        %dma_start3A_870 = arith.constant 2 : i32
        %dma_start3A_871 = arith.constant 0 : i32
        %dma_start3A_872 = arith.constant 0 : i32
        %dma_start3A_873 = tpu.memref_slice %arg7[%dma_start3A_869, %dma_start3A_871, %dma_start3A_872] : memref<6x40x128xf32, #tpu.memory_space<vmem>> -> memref<1x40x128xf32, #tpu.memory_space<vmem>>
        %dma_start3A_874 = tpu.memref_squeeze %dma_start3A_873 : memref<1x40x128xf32, #tpu.memory_space<vmem>> -> memref<40x128xf32, #tpu.memory_space<vmem>>
        %dma_start3A_875 = arith.constant 0 : i32
        %dma_start3A_876 = tpu.memref_slice %arg6[%add3A_838, %dma_start3A_875] : memref<50x40xi32, #tpu.memory_space<vmem>> -> memref<1x40xi32, #tpu.memory_space<vmem>>
        %dma_start3A_877 = tpu.memref_squeeze %dma_start3A_876 : memref<1x40xi32, #tpu.memory_space<vmem>> -> memref<40xi32, #tpu.memory_space<vmem>>
        %dma_start3A_878 = arith.constant 0 : i32
        %dma_start3A_879 = arith.constant 0 : i32
        %dma_start3A_880 = tpu.memref_slice %arg9[%dma_start3A_878, %dma_start3A_879] : memref<10000x128xf32, #tpu.memory_space<vmem_shared>> -> memref<10000x128xf32, #tpu.memory_space<vmem_shared>>
        %dma_start3A_881 = tpu.memref_slice %arg11[%dma_start3A_870] : memref<6x!tpu.dma_semaphore, #tpu.memory_space<semaphore_mem>> -> memref<1x!tpu.dma_semaphore, #tpu.memory_space<semaphore_mem>>
        %dma_start3A_882 = tpu.memref_squeeze %dma_start3A_881 : memref<1x!tpu.dma_semaphore, #tpu.memory_space<semaphore_mem>> -> memref<!tpu.dma_semaphore, #tpu.memory_space<semaphore_mem>>
        tpu.enqueue_indirect_dma source(%dma_start3A_874 : memref<40x128xf32, #tpu.memory_space<vmem>>) target(%dma_start3A_880 : memref<10000x128xf32, #tpu.memory_space<vmem_shared>>) offsets(%dma_start3A_877 : memref<40xi32, #tpu.memory_space<vmem>>) semaphore(%dma_start3A_882 : memref<!tpu.dma_semaphore, #tpu.memory_space<semaphore_mem>>) {add = true}
        %add3A_883 = arith.constant 3 : i32
        %add3A_884 = arith.addi %mul3A_745, %add3A_883 : i32
        %dma_wait3A_885 = arith.constant 0 : i32
        %dma_wait3A_886 = arith.constant 0 : i32
        %dma_wait3A_887 = arith.constant 0 : i32
        %dma_wait3A_888 = arith.constant 0 : i32
        %dma_wait3A_889 = tpu.memref_slice %arg7[%dma_wait3A_885, %dma_wait3A_887, %dma_wait3A_888] : memref<6x40x128xf32, #tpu.memory_space<vmem>> -> memref<1x40x128xf32, #tpu.memory_space<vmem>>
        %dma_wait3A_890 = tpu.memref_squeeze %dma_wait3A_889 : memref<1x40x128xf32, #tpu.memory_space<vmem>> -> memref<40x128xf32, #tpu.memory_space<vmem>>
        %dma_wait3A_891 = arith.constant 0 : i32
        %dma_wait3A_892 = arith.constant 0 : i32
        %dma_wait3A_893 = tpu.memref_slice %arg2[%dma_wait3A_891, %dma_wait3A_892] : memref<10000x128xf32, #tpu.memory_space<hbm>> -> memref<40x128xf32, #tpu.memory_space<hbm>>
        %dma_wait3A_894 = tpu.memref_slice %arg11[%dma_wait3A_886] : memref<6x!tpu.dma_semaphore, #tpu.memory_space<semaphore_mem>> -> memref<1x!tpu.dma_semaphore, #tpu.memory_space<semaphore_mem>>
        %dma_wait3A_895 = tpu.memref_squeeze %dma_wait3A_894 : memref<1x!tpu.dma_semaphore, #tpu.memory_space<semaphore_mem>> -> memref<!tpu.dma_semaphore, #tpu.memory_space<semaphore_mem>>
        %dma_wait3A_896 = arith.constant 0 : i32
        %dma_wait3A_897 = arith.constant 0 : i32
        %dma_wait3A_898 = tpu.memref_slice %arg7[%dma_wait3A_885, %dma_wait3A_896, %dma_wait3A_897] : memref<6x40x128xf32, #tpu.memory_space<vmem>> -> memref<1x40x128xf32, #tpu.memory_space<vmem>>
        %dma_wait3A_899 = tpu.memref_squeeze %dma_wait3A_898 : memref<1x40x128xf32, #tpu.memory_space<vmem>> -> memref<40x128xf32, #tpu.memory_space<vmem>>
        %dma_wait3A_900 = arith.constant 0 : i32
        %dma_wait3A_901 = arith.constant 0 : i32
        %dma_wait3A_902 = tpu.memref_slice %arg2[%dma_wait3A_900, %dma_wait3A_901] : memref<10000x128xf32, #tpu.memory_space<hbm>> -> memref<40x128xf32, #tpu.memory_space<hbm>>
        tpu.wait_dma2 semaphore(%dma_wait3A_895 : memref<!tpu.dma_semaphore, #tpu.memory_space<semaphore_mem>>) src(%dma_wait3A_902 : memref<40x128xf32, #tpu.memory_space<hbm>>) dst(%dma_wait3A_899 : memref<40x128xf32, #tpu.memory_space<vmem>>)
        %add3A_903 = arith.constant 3 : i32
        %add3A_904 = arith.addi %add3A_884, %add3A_903 : i32
        %lt3A_905 = arith.constant 50 : i32
        %lt3A_906 = arith.cmpi slt, %add3A_904, %lt3A_905 : i32
        %convert_element_type3A_907 = arith.extui %lt3A_906 : i1 to i32
        %cond3A_908 = arith.constant 0 : i32
        %cond3A_909 = arith.cmpi ne, %convert_element_type3A_907, %cond3A_908 : i32
        scf.if %cond3A_909 {
          %add3A_1060 = arith.constant 3 : i32
          %add3A_1061 = arith.addi %add3A_884, %add3A_1060 : i32
          %dma_start3A_1062 = arith.constant 0 : i32
          %dma_start3A_1063 = arith.constant 0 : i32
          %dma_start3A_1064 = arith.constant 0 : i32
          %dma_start3A_1065 = arith.constant 0 : i32
          %dma_start3A_1066 = tpu.memref_slice %arg7[%dma_start3A_1062, %dma_start3A_1064, %dma_start3A_1065] : memref<6x40x128xf32, #tpu.memory_space<vmem>> -> memref<1x40x128xf32, #tpu.memory_space<vmem>>
          %dma_start3A_1067 = tpu.memref_squeeze %dma_start3A_1066 : memref<1x40x128xf32, #tpu.memory_space<vmem>> -> memref<40x128xf32, #tpu.memory_space<vmem>>
          %dma_start3A_1068 = arith.constant 0 : i32
          %dma_start3A_1069 = tpu.memref_slice %arg5[%add3A_1061, %dma_start3A_1068] : memref<50x40xi32, #tpu.memory_space<vmem>> -> memref<1x40xi32, #tpu.memory_space<vmem>>
          %dma_start3A_1070 = tpu.memref_squeeze %dma_start3A_1069 : memref<1x40xi32, #tpu.memory_space<vmem>> -> memref<40xi32, #tpu.memory_space<vmem>>
          %dma_start3A_1071 = arith.constant 0 : i32
          %dma_start3A_1072 = arith.constant 0 : i32
          %dma_start3A_1073 = tpu.memref_slice %arg2[%dma_start3A_1071, %dma_start3A_1072] : memref<10000x128xf32, #tpu.memory_space<hbm>> -> memref<10000x128xf32, #tpu.memory_space<hbm>>
          %dma_start3A_1074 = tpu.memref_slice %arg10[%dma_start3A_1063] : memref<6x!tpu.dma_semaphore, #tpu.memory_space<semaphore_mem>> -> memref<1x!tpu.dma_semaphore, #tpu.memory_space<semaphore_mem>>
          %dma_start3A_1075 = tpu.memref_squeeze %dma_start3A_1074 : memref<1x!tpu.dma_semaphore, #tpu.memory_space<semaphore_mem>> -> memref<!tpu.dma_semaphore, #tpu.memory_space<semaphore_mem>>
          tpu.enqueue_indirect_dma source(%dma_start3A_1073 : memref<10000x128xf32, #tpu.memory_space<hbm>>) target(%dma_start3A_1067 : memref<40x128xf32, #tpu.memory_space<vmem>>) offsets(%dma_start3A_1070 : memref<40xi32, #tpu.memory_space<vmem>>) semaphore(%dma_start3A_1075 : memref<!tpu.dma_semaphore, #tpu.memory_space<semaphore_mem>>)
        } else {
        }
        %dma_wait3A_910 = arith.constant 0 : i32
        %dma_wait3A_911 = arith.constant 3 : i32
        %dma_wait3A_912 = arith.constant 0 : i32
        %dma_wait3A_913 = arith.constant 0 : i32
        %dma_wait3A_914 = tpu.memref_slice %arg7[%dma_wait3A_910, %dma_wait3A_912, %dma_wait3A_913] : memref<6x40x128xf32, #tpu.memory_space<vmem>> -> memref<1x40x128xf32, #tpu.memory_space<vmem>>
        %dma_wait3A_915 = tpu.memref_squeeze %dma_wait3A_914 : memref<1x40x128xf32, #tpu.memory_space<vmem>> -> memref<40x128xf32, #tpu.memory_space<vmem>>
        %dma_wait3A_916 = arith.constant 0 : i32
        %dma_wait3A_917 = arith.constant 0 : i32
        %dma_wait3A_918 = tpu.memref_slice %arg2[%dma_wait3A_916, %dma_wait3A_917] : memref<10000x128xf32, #tpu.memory_space<hbm>> -> memref<40x128xf32, #tpu.memory_space<hbm>>
        %dma_wait3A_919 = tpu.memref_slice %arg10[%dma_wait3A_911] : memref<6x!tpu.dma_semaphore, #tpu.memory_space<semaphore_mem>> -> memref<1x!tpu.dma_semaphore, #tpu.memory_space<semaphore_mem>>
        %dma_wait3A_920 = tpu.memref_squeeze %dma_wait3A_919 : memref<1x!tpu.dma_semaphore, #tpu.memory_space<semaphore_mem>> -> memref<!tpu.dma_semaphore, #tpu.memory_space<semaphore_mem>>
        %dma_wait3A_921 = arith.constant 0 : i32
        %dma_wait3A_922 = arith.constant 0 : i32
        %dma_wait3A_923 = tpu.memref_slice %arg7[%dma_wait3A_910, %dma_wait3A_921, %dma_wait3A_922] : memref<6x40x128xf32, #tpu.memory_space<vmem>> -> memref<1x40x128xf32, #tpu.memory_space<vmem>>
        %dma_wait3A_924 = tpu.memref_squeeze %dma_wait3A_923 : memref<1x40x128xf32, #tpu.memory_space<vmem>> -> memref<40x128xf32, #tpu.memory_space<vmem>>
        %dma_wait3A_925 = arith.constant 0 : i32
        %dma_wait3A_926 = arith.constant 0 : i32
        %dma_wait3A_927 = tpu.memref_slice %arg2[%dma_wait3A_925, %dma_wait3A_926] : memref<10000x128xf32, #tpu.memory_space<hbm>> -> memref<40x128xf32, #tpu.memory_space<hbm>>
        tpu.wait_dma2 semaphore(%dma_wait3A_920 : memref<!tpu.dma_semaphore, #tpu.memory_space<semaphore_mem>>) src(%dma_wait3A_927 : memref<40x128xf32, #tpu.memory_space<hbm>>) dst(%dma_wait3A_924 : memref<40x128xf32, #tpu.memory_space<vmem>>)
        %dma_start3A_928 = arith.constant 3 : i32
        %dma_start3A_929 = arith.constant 3 : i32
        %dma_start3A_930 = arith.constant 0 : i32
        %dma_start3A_931 = arith.constant 0 : i32
        %dma_start3A_932 = tpu.memref_slice %arg7[%dma_start3A_928, %dma_start3A_930, %dma_start3A_931] : memref<6x40x128xf32, #tpu.memory_space<vmem>> -> memref<1x40x128xf32, #tpu.memory_space<vmem>>
        %dma_start3A_933 = tpu.memref_squeeze %dma_start3A_932 : memref<1x40x128xf32, #tpu.memory_space<vmem>> -> memref<40x128xf32, #tpu.memory_space<vmem>>
        %dma_start3A_934 = arith.constant 0 : i32
        %dma_start3A_935 = tpu.memref_slice %arg6[%add3A_884, %dma_start3A_934] : memref<50x40xi32, #tpu.memory_space<vmem>> -> memref<1x40xi32, #tpu.memory_space<vmem>>
        %dma_start3A_936 = tpu.memref_squeeze %dma_start3A_935 : memref<1x40xi32, #tpu.memory_space<vmem>> -> memref<40xi32, #tpu.memory_space<vmem>>
        %dma_start3A_937 = arith.constant 0 : i32
        %dma_start3A_938 = arith.constant 0 : i32
        %dma_start3A_939 = tpu.memref_slice %arg9[%dma_start3A_937, %dma_start3A_938] : memref<10000x128xf32, #tpu.memory_space<vmem_shared>> -> memref<10000x128xf32, #tpu.memory_space<vmem_shared>>
        %dma_start3A_940 = tpu.memref_slice %arg11[%dma_start3A_929] : memref<6x!tpu.dma_semaphore, #tpu.memory_space<semaphore_mem>> -> memref<1x!tpu.dma_semaphore, #tpu.memory_space<semaphore_mem>>
        %dma_start3A_941 = tpu.memref_squeeze %dma_start3A_940 : memref<1x!tpu.dma_semaphore, #tpu.memory_space<semaphore_mem>> -> memref<!tpu.dma_semaphore, #tpu.memory_space<semaphore_mem>>
        tpu.enqueue_indirect_dma source(%dma_start3A_933 : memref<40x128xf32, #tpu.memory_space<vmem>>) target(%dma_start3A_939 : memref<10000x128xf32, #tpu.memory_space<vmem_shared>>) offsets(%dma_start3A_936 : memref<40xi32, #tpu.memory_space<vmem>>) semaphore(%dma_start3A_941 : memref<!tpu.dma_semaphore, #tpu.memory_space<semaphore_mem>>) {add = true}
        %add3A_942 = arith.constant 4 : i32
        %add3A_943 = arith.addi %mul3A_745, %add3A_942 : i32
        %dma_wait3A_944 = arith.constant 0 : i32
        %dma_wait3A_945 = arith.constant 1 : i32
        %dma_wait3A_946 = arith.constant 0 : i32
        %dma_wait3A_947 = arith.constant 0 : i32
        %dma_wait3A_948 = tpu.memref_slice %arg7[%dma_wait3A_944, %dma_wait3A_946, %dma_wait3A_947] : memref<6x40x128xf32, #tpu.memory_space<vmem>> -> memref<1x40x128xf32, #tpu.memory_space<vmem>>
        %dma_wait3A_949 = tpu.memref_squeeze %dma_wait3A_948 : memref<1x40x128xf32, #tpu.memory_space<vmem>> -> memref<40x128xf32, #tpu.memory_space<vmem>>
        %dma_wait3A_950 = arith.constant 0 : i32
        %dma_wait3A_951 = arith.constant 0 : i32
        %dma_wait3A_952 = tpu.memref_slice %arg2[%dma_wait3A_950, %dma_wait3A_951] : memref<10000x128xf32, #tpu.memory_space<hbm>> -> memref<40x128xf32, #tpu.memory_space<hbm>>
        %dma_wait3A_953 = tpu.memref_slice %arg11[%dma_wait3A_945] : memref<6x!tpu.dma_semaphore, #tpu.memory_space<semaphore_mem>> -> memref<1x!tpu.dma_semaphore, #tpu.memory_space<semaphore_mem>>
        %dma_wait3A_954 = tpu.memref_squeeze %dma_wait3A_953 : memref<1x!tpu.dma_semaphore, #tpu.memory_space<semaphore_mem>> -> memref<!tpu.dma_semaphore, #tpu.memory_space<semaphore_mem>>
        %dma_wait3A_955 = arith.constant 0 : i32
        %dma_wait3A_956 = arith.constant 0 : i32
        %dma_wait3A_957 = tpu.memref_slice %arg7[%dma_wait3A_944, %dma_wait3A_955, %dma_wait3A_956] : memref<6x40x128xf32, #tpu.memory_space<vmem>> -> memref<1x40x128xf32, #tpu.memory_space<vmem>>
        %dma_wait3A_958 = tpu.memref_squeeze %dma_wait3A_957 : memref<1x40x128xf32, #tpu.memory_space<vmem>> -> memref<40x128xf32, #tpu.memory_space<vmem>>
        %dma_wait3A_959 = arith.constant 0 : i32
        %dma_wait3A_960 = arith.constant 0 : i32
        %dma_wait3A_961 = tpu.memref_slice %arg2[%dma_wait3A_959, %dma_wait3A_960] : memref<10000x128xf32, #tpu.memory_space<hbm>> -> memref<40x128xf32, #tpu.memory_space<hbm>>
        tpu.wait_dma2 semaphore(%dma_wait3A_954 : memref<!tpu.dma_semaphore, #tpu.memory_space<semaphore_mem>>) src(%dma_wait3A_961 : memref<40x128xf32, #tpu.memory_space<hbm>>) dst(%dma_wait3A_958 : memref<40x128xf32, #tpu.memory_space<vmem>>)
        %add3A_962 = arith.constant 3 : i32
        %add3A_963 = arith.addi %add3A_943, %add3A_962 : i32
        %lt3A_964 = arith.constant 50 : i32
        %lt3A_965 = arith.cmpi slt, %add3A_963, %lt3A_964 : i32
        %convert_element_type3A_966 = arith.extui %lt3A_965 : i1 to i32
        %cond3A_967 = arith.constant 0 : i32
        %cond3A_968 = arith.cmpi ne, %convert_element_type3A_966, %cond3A_967 : i32
        scf.if %cond3A_968 {
          %add3A_1060 = arith.constant 3 : i32
          %add3A_1061 = arith.addi %add3A_943, %add3A_1060 : i32
          %dma_start3A_1062 = arith.constant 1 : i32
          %dma_start3A_1063 = arith.constant 1 : i32
          %dma_start3A_1064 = arith.constant 0 : i32
          %dma_start3A_1065 = arith.constant 0 : i32
          %dma_start3A_1066 = tpu.memref_slice %arg7[%dma_start3A_1062, %dma_start3A_1064, %dma_start3A_1065] : memref<6x40x128xf32, #tpu.memory_space<vmem>> -> memref<1x40x128xf32, #tpu.memory_space<vmem>>
          %dma_start3A_1067 = tpu.memref_squeeze %dma_start3A_1066 : memref<1x40x128xf32, #tpu.memory_space<vmem>> -> memref<40x128xf32, #tpu.memory_space<vmem>>
          %dma_start3A_1068 = arith.constant 0 : i32
          %dma_start3A_1069 = tpu.memref_slice %arg5[%add3A_1061, %dma_start3A_1068] : memref<50x40xi32, #tpu.memory_space<vmem>> -> memref<1x40xi32, #tpu.memory_space<vmem>>
          %dma_start3A_1070 = tpu.memref_squeeze %dma_start3A_1069 : memref<1x40xi32, #tpu.memory_space<vmem>> -> memref<40xi32, #tpu.memory_space<vmem>>
          %dma_start3A_1071 = arith.constant 0 : i32
          %dma_start3A_1072 = arith.constant 0 : i32
          %dma_start3A_1073 = tpu.memref_slice %arg2[%dma_start3A_1071, %dma_start3A_1072] : memref<10000x128xf32, #tpu.memory_space<hbm>> -> memref<10000x128xf32, #tpu.memory_space<hbm>>
          %dma_start3A_1074 = tpu.memref_slice %arg10[%dma_start3A_1063] : memref<6x!tpu.dma_semaphore, #tpu.memory_space<semaphore_mem>> -> memref<1x!tpu.dma_semaphore, #tpu.memory_space<semaphore_mem>>
          %dma_start3A_1075 = tpu.memref_squeeze %dma_start3A_1074 : memref<1x!tpu.dma_semaphore, #tpu.memory_space<semaphore_mem>> -> memref<!tpu.dma_semaphore, #tpu.memory_space<semaphore_mem>>
          tpu.enqueue_indirect_dma source(%dma_start3A_1073 : memref<10000x128xf32, #tpu.memory_space<hbm>>) target(%dma_start3A_1067 : memref<40x128xf32, #tpu.memory_space<vmem>>) offsets(%dma_start3A_1070 : memref<40xi32, #tpu.memory_space<vmem>>) semaphore(%dma_start3A_1075 : memref<!tpu.dma_semaphore, #tpu.memory_space<semaphore_mem>>)
        } else {
        }
        %dma_wait3A_969 = arith.constant 0 : i32
        %dma_wait3A_970 = arith.constant 4 : i32
        %dma_wait3A_971 = arith.constant 0 : i32
        %dma_wait3A_972 = arith.constant 0 : i32
        %dma_wait3A_973 = tpu.memref_slice %arg7[%dma_wait3A_969, %dma_wait3A_971, %dma_wait3A_972] : memref<6x40x128xf32, #tpu.memory_space<vmem>> -> memref<1x40x128xf32, #tpu.memory_space<vmem>>
        %dma_wait3A_974 = tpu.memref_squeeze %dma_wait3A_973 : memref<1x40x128xf32, #tpu.memory_space<vmem>> -> memref<40x128xf32, #tpu.memory_space<vmem>>
        %dma_wait3A_975 = arith.constant 0 : i32
        %dma_wait3A_976 = arith.constant 0 : i32
        %dma_wait3A_977 = tpu.memref_slice %arg2[%dma_wait3A_975, %dma_wait3A_976] : memref<10000x128xf32, #tpu.memory_space<hbm>> -> memref<40x128xf32, #tpu.memory_space<hbm>>
        %dma_wait3A_978 = tpu.memref_slice %arg10[%dma_wait3A_970] : memref<6x!tpu.dma_semaphore, #tpu.memory_space<semaphore_mem>> -> memref<1x!tpu.dma_semaphore, #tpu.memory_space<semaphore_mem>>
        %dma_wait3A_979 = tpu.memref_squeeze %dma_wait3A_978 : memref<1x!tpu.dma_semaphore, #tpu.memory_space<semaphore_mem>> -> memref<!tpu.dma_semaphore, #tpu.memory_space<semaphore_mem>>
        %dma_wait3A_980 = arith.constant 0 : i32
        %dma_wait3A_981 = arith.constant 0 : i32
        %dma_wait3A_982 = tpu.memref_slice %arg7[%dma_wait3A_969, %dma_wait3A_980, %dma_wait3A_981] : memref<6x40x128xf32, #tpu.memory_space<vmem>> -> memref<1x40x128xf32, #tpu.memory_space<vmem>>
        %dma_wait3A_983 = tpu.memref_squeeze %dma_wait3A_982 : memref<1x40x128xf32, #tpu.memory_space<vmem>> -> memref<40x128xf32, #tpu.memory_space<vmem>>
        %dma_wait3A_984 = arith.constant 0 : i32
        %dma_wait3A_985 = arith.constant 0 : i32
        %dma_wait3A_986 = tpu.memref_slice %arg2[%dma_wait3A_984, %dma_wait3A_985] : memref<10000x128xf32, #tpu.memory_space<hbm>> -> memref<40x128xf32, #tpu.memory_space<hbm>>
        tpu.wait_dma2 semaphore(%dma_wait3A_979 : memref<!tpu.dma_semaphore, #tpu.memory_space<semaphore_mem>>) src(%dma_wait3A_986 : memref<40x128xf32, #tpu.memory_space<hbm>>) dst(%dma_wait3A_983 : memref<40x128xf32, #tpu.memory_space<vmem>>)
        %dma_start3A_987 = arith.constant 4 : i32
        %dma_start3A_988 = arith.constant 4 : i32
        %dma_start3A_989 = arith.constant 0 : i32
        %dma_start3A_990 = arith.constant 0 : i32
        %dma_start3A_991 = tpu.memref_slice %arg7[%dma_start3A_987, %dma_start3A_989, %dma_start3A_990] : memref<6x40x128xf32, #tpu.memory_space<vmem>> -> memref<1x40x128xf32, #tpu.memory_space<vmem>>
        %dma_start3A_992 = tpu.memref_squeeze %dma_start3A_991 : memref<1x40x128xf32, #tpu.memory_space<vmem>> -> memref<40x128xf32, #tpu.memory_space<vmem>>
        %dma_start3A_993 = arith.constant 0 : i32
        %dma_start3A_994 = tpu.memref_slice %arg6[%add3A_943, %dma_start3A_993] : memref<50x40xi32, #tpu.memory_space<vmem>> -> memref<1x40xi32, #tpu.memory_space<vmem>>
        %dma_start3A_995 = tpu.memref_squeeze %dma_start3A_994 : memref<1x40xi32, #tpu.memory_space<vmem>> -> memref<40xi32, #tpu.memory_space<vmem>>
        %dma_start3A_996 = arith.constant 0 : i32
        %dma_start3A_997 = arith.constant 0 : i32
        %dma_start3A_998 = tpu.memref_slice %arg9[%dma_start3A_996, %dma_start3A_997] : memref<10000x128xf32, #tpu.memory_space<vmem_shared>> -> memref<10000x128xf32, #tpu.memory_space<vmem_shared>>
        %dma_start3A_999 = tpu.memref_slice %arg11[%dma_start3A_988] : memref<6x!tpu.dma_semaphore, #tpu.memory_space<semaphore_mem>> -> memref<1x!tpu.dma_semaphore, #tpu.memory_space<semaphore_mem>>
        %dma_start3A_1000 = tpu.memref_squeeze %dma_start3A_999 : memref<1x!tpu.dma_semaphore, #tpu.memory_space<semaphore_mem>> -> memref<!tpu.dma_semaphore, #tpu.memory_space<semaphore_mem>>
        tpu.enqueue_indirect_dma source(%dma_start3A_992 : memref<40x128xf32, #tpu.memory_space<vmem>>) target(%dma_start3A_998 : memref<10000x128xf32, #tpu.memory_space<vmem_shared>>) offsets(%dma_start3A_995 : memref<40xi32, #tpu.memory_space<vmem>>) semaphore(%dma_start3A_1000 : memref<!tpu.dma_semaphore, #tpu.memory_space<semaphore_mem>>) {add = true}
        %add3A_1001 = arith.constant 5 : i32
        %add3A_1002 = arith.addi %mul3A_745, %add3A_1001 : i32
        %dma_wait3A_1003 = arith.constant 0 : i32
        %dma_wait3A_1004 = arith.constant 2 : i32
        %dma_wait3A_1005 = arith.constant 0 : i32
        %dma_wait3A_1006 = arith.constant 0 : i32
        %dma_wait3A_1007 = tpu.memref_slice %arg7[%dma_wait3A_1003, %dma_wait3A_1005, %dma_wait3A_1006] : memref<6x40x128xf32, #tpu.memory_space<vmem>> -> memref<1x40x128xf32, #tpu.memory_space<vmem>>
        %dma_wait3A_1008 = tpu.memref_squeeze %dma_wait3A_1007 : memref<1x40x128xf32, #tpu.memory_space<vmem>> -> memref<40x128xf32, #tpu.memory_space<vmem>>
        %dma_wait3A_1009 = arith.constant 0 : i32
        %dma_wait3A_1010 = arith.constant 0 : i32
        %dma_wait3A_1011 = tpu.memref_slice %arg2[%dma_wait3A_1009, %dma_wait3A_1010] : memref<10000x128xf32, #tpu.memory_space<hbm>> -> memref<40x128xf32, #tpu.memory_space<hbm>>
        %dma_wait3A_1012 = tpu.memref_slice %arg11[%dma_wait3A_1004] : memref<6x!tpu.dma_semaphore, #tpu.memory_space<semaphore_mem>> -> memref<1x!tpu.dma_semaphore, #tpu.memory_space<semaphore_mem>>
        %dma_wait3A_1013 = tpu.memref_squeeze %dma_wait3A_1012 : memref<1x!tpu.dma_semaphore, #tpu.memory_space<semaphore_mem>> -> memref<!tpu.dma_semaphore, #tpu.memory_space<semaphore_mem>>
        %dma_wait3A_1014 = arith.constant 0 : i32
        %dma_wait3A_1015 = arith.constant 0 : i32
        %dma_wait3A_1016 = tpu.memref_slice %arg7[%dma_wait3A_1003, %dma_wait3A_1014, %dma_wait3A_1015] : memref<6x40x128xf32, #tpu.memory_space<vmem>> -> memref<1x40x128xf32, #tpu.memory_space<vmem>>
        %dma_wait3A_1017 = tpu.memref_squeeze %dma_wait3A_1016 : memref<1x40x128xf32, #tpu.memory_space<vmem>> -> memref<40x128xf32, #tpu.memory_space<vmem>>
        %dma_wait3A_1018 = arith.constant 0 : i32
        %dma_wait3A_1019 = arith.constant 0 : i32
        %dma_wait3A_1020 = tpu.memref_slice %arg2[%dma_wait3A_1018, %dma_wait3A_1019] : memref<10000x128xf32, #tpu.memory_space<hbm>> -> memref<40x128xf32, #tpu.memory_space<hbm>>
        tpu.wait_dma2 semaphore(%dma_wait3A_1013 : memref<!tpu.dma_semaphore, #tpu.memory_space<semaphore_mem>>) src(%dma_wait3A_1020 : memref<40x128xf32, #tpu.memory_space<hbm>>) dst(%dma_wait3A_1017 : memref<40x128xf32, #tpu.memory_space<vmem>>)
        %add3A_1021 = arith.constant 3 : i32
        %add3A_1022 = arith.addi %add3A_1002, %add3A_1021 : i32
        %lt3A_1023 = arith.constant 50 : i32
        %lt3A_1024 = arith.cmpi slt, %add3A_1022, %lt3A_1023 : i32
        %convert_element_type3A_1025 = arith.extui %lt3A_1024 : i1 to i32
        %cond3A_1026 = arith.constant 0 : i32
        %cond3A_1027 = arith.cmpi ne, %convert_element_type3A_1025, %cond3A_1026 : i32
        scf.if %cond3A_1027 {
          %add3A_1060 = arith.constant 3 : i32
          %add3A_1061 = arith.addi %add3A_1002, %add3A_1060 : i32
          %dma_start3A_1062 = arith.constant 2 : i32
          %dma_start3A_1063 = arith.constant 2 : i32
          %dma_start3A_1064 = arith.constant 0 : i32
          %dma_start3A_1065 = arith.constant 0 : i32
          %dma_start3A_1066 = tpu.memref_slice %arg7[%dma_start3A_1062, %dma_start3A_1064, %dma_start3A_1065] : memref<6x40x128xf32, #tpu.memory_space<vmem>> -> memref<1x40x128xf32, #tpu.memory_space<vmem>>
          %dma_start3A_1067 = tpu.memref_squeeze %dma_start3A_1066 : memref<1x40x128xf32, #tpu.memory_space<vmem>> -> memref<40x128xf32, #tpu.memory_space<vmem>>
          %dma_start3A_1068 = arith.constant 0 : i32
          %dma_start3A_1069 = tpu.memref_slice %arg5[%add3A_1061, %dma_start3A_1068] : memref<50x40xi32, #tpu.memory_space<vmem>> -> memref<1x40xi32, #tpu.memory_space<vmem>>
          %dma_start3A_1070 = tpu.memref_squeeze %dma_start3A_1069 : memref<1x40xi32, #tpu.memory_space<vmem>> -> memref<40xi32, #tpu.memory_space<vmem>>
          %dma_start3A_1071 = arith.constant 0 : i32
          %dma_start3A_1072 = arith.constant 0 : i32
          %dma_start3A_1073 = tpu.memref_slice %arg2[%dma_start3A_1071, %dma_start3A_1072] : memref<10000x128xf32, #tpu.memory_space<hbm>> -> memref<10000x128xf32, #tpu.memory_space<hbm>>
          %dma_start3A_1074 = tpu.memref_slice %arg10[%dma_start3A_1063] : memref<6x!tpu.dma_semaphore, #tpu.memory_space<semaphore_mem>> -> memref<1x!tpu.dma_semaphore, #tpu.memory_space<semaphore_mem>>
          %dma_start3A_1075 = tpu.memref_squeeze %dma_start3A_1074 : memref<1x!tpu.dma_semaphore, #tpu.memory_space<semaphore_mem>> -> memref<!tpu.dma_semaphore, #tpu.memory_space<semaphore_mem>>
          tpu.enqueue_indirect_dma source(%dma_start3A_1073 : memref<10000x128xf32, #tpu.memory_space<hbm>>) target(%dma_start3A_1067 : memref<40x128xf32, #tpu.memory_space<vmem>>) offsets(%dma_start3A_1070 : memref<40xi32, #tpu.memory_space<vmem>>) semaphore(%dma_start3A_1075 : memref<!tpu.dma_semaphore, #tpu.memory_space<semaphore_mem>>)
        } else {
        }
        %dma_wait3A_1028 = arith.constant 0 : i32
        %dma_wait3A_1029 = arith.constant 5 : i32
        %dma_wait3A_1030 = arith.constant 0 : i32
        %dma_wait3A_1031 = arith.constant 0 : i32
        %dma_wait3A_1032 = tpu.memref_slice %arg7[%dma_wait3A_1028, %dma_wait3A_1030, %dma_wait3A_1031] : memref<6x40x128xf32, #tpu.memory_space<vmem>> -> memref<1x40x128xf32, #tpu.memory_space<vmem>>
        %dma_wait3A_1033 = tpu.memref_squeeze %dma_wait3A_1032 : memref<1x40x128xf32, #tpu.memory_space<vmem>> -> memref<40x128xf32, #tpu.memory_space<vmem>>
        %dma_wait3A_1034 = arith.constant 0 : i32
        %dma_wait3A_1035 = arith.constant 0 : i32
        %dma_wait3A_1036 = tpu.memref_slice %arg2[%dma_wait3A_1034, %dma_wait3A_1035] : memref<10000x128xf32, #tpu.memory_space<hbm>> -> memref<40x128xf32, #tpu.memory_space<hbm>>
        %dma_wait3A_1037 = tpu.memref_slice %arg10[%dma_wait3A_1029] : memref<6x!tpu.dma_semaphore, #tpu.memory_space<semaphore_mem>> -> memref<1x!tpu.dma_semaphore, #tpu.memory_space<semaphore_mem>>
        %dma_wait3A_1038 = tpu.memref_squeeze %dma_wait3A_1037 : memref<1x!tpu.dma_semaphore, #tpu.memory_space<semaphore_mem>> -> memref<!tpu.dma_semaphore, #tpu.memory_space<semaphore_mem>>
        %dma_wait3A_1039 = arith.constant 0 : i32
        %dma_wait3A_1040 = arith.constant 0 : i32
        %dma_wait3A_1041 = tpu.memref_slice %arg7[%dma_wait3A_1028, %dma_wait3A_1039, %dma_wait3A_1040] : memref<6x40x128xf32, #tpu.memory_space<vmem>> -> memref<1x40x128xf32, #tpu.memory_space<vmem>>
        %dma_wait3A_1042 = tpu.memref_squeeze %dma_wait3A_1041 : memref<1x40x128xf32, #tpu.memory_space<vmem>> -> memref<40x128xf32, #tpu.memory_space<vmem>>
        %dma_wait3A_1043 = arith.constant 0 : i32
        %dma_wait3A_1044 = arith.constant 0 : i32
        %dma_wait3A_1045 = tpu.memref_slice %arg2[%dma_wait3A_1043, %dma_wait3A_1044] : memref<10000x128xf32, #tpu.memory_space<hbm>> -> memref<40x128xf32, #tpu.memory_space<hbm>>
        tpu.wait_dma2 semaphore(%dma_wait3A_1038 : memref<!tpu.dma_semaphore, #tpu.memory_space<semaphore_mem>>) src(%dma_wait3A_1045 : memref<40x128xf32, #tpu.memory_space<hbm>>) dst(%dma_wait3A_1042 : memref<40x128xf32, #tpu.memory_space<vmem>>)
        %dma_start3A_1046 = arith.constant 5 : i32
        %dma_start3A_1047 = arith.constant 5 : i32
        %dma_start3A_1048 = arith.constant 0 : i32
        %dma_start3A_1049 = arith.constant 0 : i32
        %dma_start3A_1050 = tpu.memref_slice %arg7[%dma_start3A_1046, %dma_start3A_1048, %dma_start3A_1049] : memref<6x40x128xf32, #tpu.memory_space<vmem>> -> memref<1x40x128xf32, #tpu.memory_space<vmem>>
        %dma_start3A_1051 = tpu.memref_squeeze %dma_start3A_1050 : memref<1x40x128xf32, #tpu.memory_space<vmem>> -> memref<40x128xf32, #tpu.memory_space<vmem>>
        %dma_start3A_1052 = arith.constant 0 : i32
        %dma_start3A_1053 = tpu.memref_slice %arg6[%add3A_1002, %dma_start3A_1052] : memref<50x40xi32, #tpu.memory_space<vmem>> -> memref<1x40xi32, #tpu.memory_space<vmem>>
        %dma_start3A_1054 = tpu.memref_squeeze %dma_start3A_1053 : memref<1x40xi32, #tpu.memory_space<vmem>> -> memref<40xi32, #tpu.memory_space<vmem>>
        %dma_start3A_1055 = arith.constant 0 : i32
        %dma_start3A_1056 = arith.constant 0 : i32
        %dma_start3A_1057 = tpu.memref_slice %arg9[%dma_start3A_1055, %dma_start3A_1056] : memref<10000x128xf32, #tpu.memory_space<vmem_shared>> -> memref<10000x128xf32, #tpu.memory_space<vmem_shared>>
        %dma_start3A_1058 = tpu.memref_slice %arg11[%dma_start3A_1047] : memref<6x!tpu.dma_semaphore, #tpu.memory_space<semaphore_mem>> -> memref<1x!tpu.dma_semaphore, #tpu.memory_space<semaphore_mem>>
        %dma_start3A_1059 = tpu.memref_squeeze %dma_start3A_1058 : memref<1x!tpu.dma_semaphore, #tpu.memory_space<semaphore_mem>> -> memref<!tpu.dma_semaphore, #tpu.memory_space<semaphore_mem>>
        tpu.enqueue_indirect_dma source(%dma_start3A_1051 : memref<40x128xf32, #tpu.memory_space<vmem>>) target(%dma_start3A_1057 : memref<10000x128xf32, #tpu.memory_space<vmem_shared>>) offsets(%dma_start3A_1054 : memref<40xi32, #tpu.memory_space<vmem>>) semaphore(%dma_start3A_1059 : memref<!tpu.dma_semaphore, #tpu.memory_space<semaphore_mem>>) {add = true}
      }
      %scan3A_587 = arith.constant 8 : i32
      %dma_wait3A = arith.constant 0 : i32
      %dma_wait3A_588 = arith.constant 0 : i32
      %dma_wait3A_589 = arith.constant 0 : i32
      %dma_wait3A_590 = arith.constant 0 : i32
      %dma_wait3A_591 = tpu.memref_slice %arg7[%dma_wait3A, %dma_wait3A_589, %dma_wait3A_590] : memref<6x40x128xf32, #tpu.memory_space<vmem>> -> memref<1x40x128xf32, #tpu.memory_space<vmem>>
      %dma_wait3A_592 = tpu.memref_squeeze %dma_wait3A_591 : memref<1x40x128xf32, #tpu.memory_space<vmem>> -> memref<40x128xf32, #tpu.memory_space<vmem>>
      %dma_wait3A_593 = arith.constant 0 : i32
      %dma_wait3A_594 = arith.constant 0 : i32
      %dma_wait3A_595 = tpu.memref_slice %arg2[%dma_wait3A_593, %dma_wait3A_594] : memref<10000x128xf32, #tpu.memory_space<hbm>> -> memref<40x128xf32, #tpu.memory_space<hbm>>
      %dma_wait3A_596 = tpu.memref_slice %arg10[%dma_wait3A_588] : memref<6x!tpu.dma_semaphore, #tpu.memory_space<semaphore_mem>> -> memref<1x!tpu.dma_semaphore, #tpu.memory_space<semaphore_mem>>
      %dma_wait3A_597 = tpu.memref_squeeze %dma_wait3A_596 : memref<1x!tpu.dma_semaphore, #tpu.memory_space<semaphore_mem>> -> memref<!tpu.dma_semaphore, #tpu.memory_space<semaphore_mem>>
      %dma_wait3A_598 = arith.constant 0 : i32
      %dma_wait3A_599 = arith.constant 0 : i32
      %dma_wait3A_600 = tpu.memref_slice %arg7[%dma_wait3A, %dma_wait3A_598, %dma_wait3A_599] : memref<6x40x128xf32, #tpu.memory_space<vmem>> -> memref<1x40x128xf32, #tpu.memory_space<vmem>>
      %dma_wait3A_601 = tpu.memref_squeeze %dma_wait3A_600 : memref<1x40x128xf32, #tpu.memory_space<vmem>> -> memref<40x128xf32, #tpu.memory_space<vmem>>
      %dma_wait3A_602 = arith.constant 0 : i32
      %dma_wait3A_603 = arith.constant 0 : i32
      %dma_wait3A_604 = tpu.memref_slice %arg2[%dma_wait3A_602, %dma_wait3A_603] : memref<10000x128xf32, #tpu.memory_space<hbm>> -> memref<40x128xf32, #tpu.memory_space<hbm>>
      tpu.wait_dma2 semaphore(%dma_wait3A_597 : memref<!tpu.dma_semaphore, #tpu.memory_space<semaphore_mem>>) src(%dma_wait3A_604 : memref<40x128xf32, #tpu.memory_space<hbm>>) dst(%dma_wait3A_601 : memref<40x128xf32, #tpu.memory_space<vmem>>)
      %dma_start3A_605 = arith.constant 0 : i32
      %dma_start3A_606 = arith.constant 48 : i32
      %dma_start3A_607 = arith.constant 0 : i32
      %dma_start3A_608 = arith.constant 0 : i32
      %dma_start3A_609 = arith.constant 0 : i32
      %dma_start3A_610 = tpu.memref_slice %arg7[%dma_start3A_605, %dma_start3A_608, %dma_start3A_609] : memref<6x40x128xf32, #tpu.memory_space<vmem>> -> memref<1x40x128xf32, #tpu.memory_space<vmem>>
      %dma_start3A_611 = tpu.memref_squeeze %dma_start3A_610 : memref<1x40x128xf32, #tpu.memory_space<vmem>> -> memref<40x128xf32, #tpu.memory_space<vmem>>
      %dma_start3A_612 = arith.constant 0 : i32
      %dma_start3A_613 = tpu.memref_slice %arg6[%dma_start3A_606, %dma_start3A_612] : memref<50x40xi32, #tpu.memory_space<vmem>> -> memref<1x40xi32, #tpu.memory_space<vmem>>
      %dma_start3A_614 = tpu.memref_squeeze %dma_start3A_613 : memref<1x40xi32, #tpu.memory_space<vmem>> -> memref<40xi32, #tpu.memory_space<vmem>>
      %dma_start3A_615 = arith.constant 0 : i32
      %dma_start3A_616 = arith.constant 0 : i32
      %dma_start3A_617 = tpu.memref_slice %arg9[%dma_start3A_615, %dma_start3A_616] : memref<10000x128xf32, #tpu.memory_space<vmem_shared>> -> memref<10000x128xf32, #tpu.memory_space<vmem_shared>>
      %dma_start3A_618 = tpu.memref_slice %arg11[%dma_start3A_607] : memref<6x!tpu.dma_semaphore, #tpu.memory_space<semaphore_mem>> -> memref<1x!tpu.dma_semaphore, #tpu.memory_space<semaphore_mem>>
      %dma_start3A_619 = tpu.memref_squeeze %dma_start3A_618 : memref<1x!tpu.dma_semaphore, #tpu.memory_space<semaphore_mem>> -> memref<!tpu.dma_semaphore, #tpu.memory_space<semaphore_mem>>
      tpu.enqueue_indirect_dma source(%dma_start3A_611 : memref<40x128xf32, #tpu.memory_space<vmem>>) target(%dma_start3A_617 : memref<10000x128xf32, #tpu.memory_space<vmem_shared>>) offsets(%dma_start3A_614 : memref<40xi32, #tpu.memory_space<vmem>>) semaphore(%dma_start3A_619 : memref<!tpu.dma_semaphore, #tpu.memory_space<semaphore_mem>>) {add = true}
      %dma_wait3A_620 = arith.constant 0 : i32
      %dma_wait3A_621 = arith.constant 1 : i32
      %dma_wait3A_622 = arith.constant 0 : i32
      %dma_wait3A_623 = arith.constant 0 : i32
      %dma_wait3A_624 = tpu.memref_slice %arg7[%dma_wait3A_620, %dma_wait3A_622, %dma_wait3A_623] : memref<6x40x128xf32, #tpu.memory_space<vmem>> -> memref<1x40x128xf32, #tpu.memory_space<vmem>>
      %dma_wait3A_625 = tpu.memref_squeeze %dma_wait3A_624 : memref<1x40x128xf32, #tpu.memory_space<vmem>> -> memref<40x128xf32, #tpu.memory_space<vmem>>
      %dma_wait3A_626 = arith.constant 0 : i32
      %dma_wait3A_627 = arith.constant 0 : i32
      %dma_wait3A_628 = tpu.memref_slice %arg2[%dma_wait3A_626, %dma_wait3A_627] : memref<10000x128xf32, #tpu.memory_space<hbm>> -> memref<40x128xf32, #tpu.memory_space<hbm>>
      %dma_wait3A_629 = tpu.memref_slice %arg10[%dma_wait3A_621] : memref<6x!tpu.dma_semaphore, #tpu.memory_space<semaphore_mem>> -> memref<1x!tpu.dma_semaphore, #tpu.memory_space<semaphore_mem>>
      %dma_wait3A_630 = tpu.memref_squeeze %dma_wait3A_629 : memref<1x!tpu.dma_semaphore, #tpu.memory_space<semaphore_mem>> -> memref<!tpu.dma_semaphore, #tpu.memory_space<semaphore_mem>>
      %dma_wait3A_631 = arith.constant 0 : i32
      %dma_wait3A_632 = arith.constant 0 : i32
      %dma_wait3A_633 = tpu.memref_slice %arg7[%dma_wait3A_620, %dma_wait3A_631, %dma_wait3A_632] : memref<6x40x128xf32, #tpu.memory_space<vmem>> -> memref<1x40x128xf32, #tpu.memory_space<vmem>>
      %dma_wait3A_634 = tpu.memref_squeeze %dma_wait3A_633 : memref<1x40x128xf32, #tpu.memory_space<vmem>> -> memref<40x128xf32, #tpu.memory_space<vmem>>
      %dma_wait3A_635 = arith.constant 0 : i32
      %dma_wait3A_636 = arith.constant 0 : i32
      %dma_wait3A_637 = tpu.memref_slice %arg2[%dma_wait3A_635, %dma_wait3A_636] : memref<10000x128xf32, #tpu.memory_space<hbm>> -> memref<40x128xf32, #tpu.memory_space<hbm>>
      tpu.wait_dma2 semaphore(%dma_wait3A_630 : memref<!tpu.dma_semaphore, #tpu.memory_space<semaphore_mem>>) src(%dma_wait3A_637 : memref<40x128xf32, #tpu.memory_space<hbm>>) dst(%dma_wait3A_634 : memref<40x128xf32, #tpu.memory_space<vmem>>)
      %dma_start3A_638 = arith.constant 1 : i32
      %dma_start3A_639 = arith.constant 49 : i32
      %dma_start3A_640 = arith.constant 1 : i32
      %dma_start3A_641 = arith.constant 0 : i32
      %dma_start3A_642 = arith.constant 0 : i32
      %dma_start3A_643 = tpu.memref_slice %arg7[%dma_start3A_638, %dma_start3A_641, %dma_start3A_642] : memref<6x40x128xf32, #tpu.memory_space<vmem>> -> memref<1x40x128xf32, #tpu.memory_space<vmem>>
      %dma_start3A_644 = tpu.memref_squeeze %dma_start3A_643 : memref<1x40x128xf32, #tpu.memory_space<vmem>> -> memref<40x128xf32, #tpu.memory_space<vmem>>
      %dma_start3A_645 = arith.constant 0 : i32
      %dma_start3A_646 = tpu.memref_slice %arg6[%dma_start3A_639, %dma_start3A_645] : memref<50x40xi32, #tpu.memory_space<vmem>> -> memref<1x40xi32, #tpu.memory_space<vmem>>
      %dma_start3A_647 = tpu.memref_squeeze %dma_start3A_646 : memref<1x40xi32, #tpu.memory_space<vmem>> -> memref<40xi32, #tpu.memory_space<vmem>>
      %dma_start3A_648 = arith.constant 0 : i32
      %dma_start3A_649 = arith.constant 0 : i32
      %dma_start3A_650 = tpu.memref_slice %arg9[%dma_start3A_648, %dma_start3A_649] : memref<10000x128xf32, #tpu.memory_space<vmem_shared>> -> memref<10000x128xf32, #tpu.memory_space<vmem_shared>>
      %dma_start3A_651 = tpu.memref_slice %arg11[%dma_start3A_640] : memref<6x!tpu.dma_semaphore, #tpu.memory_space<semaphore_mem>> -> memref<1x!tpu.dma_semaphore, #tpu.memory_space<semaphore_mem>>
      %dma_start3A_652 = tpu.memref_squeeze %dma_start3A_651 : memref<1x!tpu.dma_semaphore, #tpu.memory_space<semaphore_mem>> -> memref<!tpu.dma_semaphore, #tpu.memory_space<semaphore_mem>>
      tpu.enqueue_indirect_dma source(%dma_start3A_644 : memref<40x128xf32, #tpu.memory_space<vmem>>) target(%dma_start3A_650 : memref<10000x128xf32, #tpu.memory_space<vmem_shared>>) offsets(%dma_start3A_647 : memref<40xi32, #tpu.memory_space<vmem>>) semaphore(%dma_start3A_652 : memref<!tpu.dma_semaphore, #tpu.memory_space<semaphore_mem>>) {add = true}
      %dma_wait3A_653 = arith.constant 0 : i32
      %dma_wait3A_654 = arith.constant 3 : i32
      %dma_wait3A_655 = arith.constant 0 : i32
      %dma_wait3A_656 = arith.constant 0 : i32
      %dma_wait3A_657 = tpu.memref_slice %arg7[%dma_wait3A_653, %dma_wait3A_655, %dma_wait3A_656] : memref<6x40x128xf32, #tpu.memory_space<vmem>> -> memref<1x40x128xf32, #tpu.memory_space<vmem>>
      %dma_wait3A_658 = tpu.memref_squeeze %dma_wait3A_657 : memref<1x40x128xf32, #tpu.memory_space<vmem>> -> memref<40x128xf32, #tpu.memory_space<vmem>>
      %dma_wait3A_659 = arith.constant 0 : i32
      %dma_wait3A_660 = arith.constant 0 : i32
      %dma_wait3A_661 = tpu.memref_slice %arg2[%dma_wait3A_659, %dma_wait3A_660] : memref<10000x128xf32, #tpu.memory_space<hbm>> -> memref<40x128xf32, #tpu.memory_space<hbm>>
      %dma_wait3A_662 = tpu.memref_slice %arg11[%dma_wait3A_654] : memref<6x!tpu.dma_semaphore, #tpu.memory_space<semaphore_mem>> -> memref<1x!tpu.dma_semaphore, #tpu.memory_space<semaphore_mem>>
      %dma_wait3A_663 = tpu.memref_squeeze %dma_wait3A_662 : memref<1x!tpu.dma_semaphore, #tpu.memory_space<semaphore_mem>> -> memref<!tpu.dma_semaphore, #tpu.memory_space<semaphore_mem>>
      %dma_wait3A_664 = arith.constant 0 : i32
      %dma_wait3A_665 = arith.constant 0 : i32
      %dma_wait3A_666 = tpu.memref_slice %arg7[%dma_wait3A_653, %dma_wait3A_664, %dma_wait3A_665] : memref<6x40x128xf32, #tpu.memory_space<vmem>> -> memref<1x40x128xf32, #tpu.memory_space<vmem>>
      %dma_wait3A_667 = tpu.memref_squeeze %dma_wait3A_666 : memref<1x40x128xf32, #tpu.memory_space<vmem>> -> memref<40x128xf32, #tpu.memory_space<vmem>>
      %dma_wait3A_668 = arith.constant 0 : i32
      %dma_wait3A_669 = arith.constant 0 : i32
      %dma_wait3A_670 = tpu.memref_slice %arg2[%dma_wait3A_668, %dma_wait3A_669] : memref<10000x128xf32, #tpu.memory_space<hbm>> -> memref<40x128xf32, #tpu.memory_space<hbm>>
      tpu.wait_dma2 semaphore(%dma_wait3A_663 : memref<!tpu.dma_semaphore, #tpu.memory_space<semaphore_mem>>) src(%dma_wait3A_670 : memref<40x128xf32, #tpu.memory_space<hbm>>) dst(%dma_wait3A_667 : memref<40x128xf32, #tpu.memory_space<vmem>>)
      %dma_wait3A_671 = arith.constant 0 : i32
      %dma_wait3A_672 = arith.constant 4 : i32
      %dma_wait3A_673 = arith.constant 0 : i32
      %dma_wait3A_674 = arith.constant 0 : i32
      %dma_wait3A_675 = tpu.memref_slice %arg7[%dma_wait3A_671, %dma_wait3A_673, %dma_wait3A_674] : memref<6x40x128xf32, #tpu.memory_space<vmem>> -> memref<1x40x128xf32, #tpu.memory_space<vmem>>
      %dma_wait3A_676 = tpu.memref_squeeze %dma_wait3A_675 : memref<1x40x128xf32, #tpu.memory_space<vmem>> -> memref<40x128xf32, #tpu.memory_space<vmem>>
      %dma_wait3A_677 = arith.constant 0 : i32
      %dma_wait3A_678 = arith.constant 0 : i32
      %dma_wait3A_679 = tpu.memref_slice %arg2[%dma_wait3A_677, %dma_wait3A_678] : memref<10000x128xf32, #tpu.memory_space<hbm>> -> memref<40x128xf32, #tpu.memory_space<hbm>>
      %dma_wait3A_680 = tpu.memref_slice %arg11[%dma_wait3A_672] : memref<6x!tpu.dma_semaphore, #tpu.memory_space<semaphore_mem>> -> memref<1x!tpu.dma_semaphore, #tpu.memory_space<semaphore_mem>>
      %dma_wait3A_681 = tpu.memref_squeeze %dma_wait3A_680 : memref<1x!tpu.dma_semaphore, #tpu.memory_space<semaphore_mem>> -> memref<!tpu.dma_semaphore, #tpu.memory_space<semaphore_mem>>
      %dma_wait3A_682 = arith.constant 0 : i32
      %dma_wait3A_683 = arith.constant 0 : i32
      %dma_wait3A_684 = tpu.memref_slice %arg7[%dma_wait3A_671, %dma_wait3A_682, %dma_wait3A_683] : memref<6x40x128xf32, #tpu.memory_space<vmem>> -> memref<1x40x128xf32, #tpu.memory_space<vmem>>
      %dma_wait3A_685 = tpu.memref_squeeze %dma_wait3A_684 : memref<1x40x128xf32, #tpu.memory_space<vmem>> -> memref<40x128xf32, #tpu.memory_space<vmem>>
      %dma_wait3A_686 = arith.constant 0 : i32
      %dma_wait3A_687 = arith.constant 0 : i32
      %dma_wait3A_688 = tpu.memref_slice %arg2[%dma_wait3A_686, %dma_wait3A_687] : memref<10000x128xf32, #tpu.memory_space<hbm>> -> memref<40x128xf32, #tpu.memory_space<hbm>>
      tpu.wait_dma2 semaphore(%dma_wait3A_681 : memref<!tpu.dma_semaphore, #tpu.memory_space<semaphore_mem>>) src(%dma_wait3A_688 : memref<40x128xf32, #tpu.memory_space<hbm>>) dst(%dma_wait3A_685 : memref<40x128xf32, #tpu.memory_space<vmem>>)
      %dma_wait3A_689 = arith.constant 0 : i32
      %dma_wait3A_690 = arith.constant 5 : i32
      %dma_wait3A_691 = arith.constant 0 : i32
      %dma_wait3A_692 = arith.constant 0 : i32
      %dma_wait3A_693 = tpu.memref_slice %arg7[%dma_wait3A_689, %dma_wait3A_691, %dma_wait3A_692] : memref<6x40x128xf32, #tpu.memory_space<vmem>> -> memref<1x40x128xf32, #tpu.memory_space<vmem>>
      %dma_wait3A_694 = tpu.memref_squeeze %dma_wait3A_693 : memref<1x40x128xf32, #tpu.memory_space<vmem>> -> memref<40x128xf32, #tpu.memory_space<vmem>>
      %dma_wait3A_695 = arith.constant 0 : i32
      %dma_wait3A_696 = arith.constant 0 : i32
      %dma_wait3A_697 = tpu.memref_slice %arg2[%dma_wait3A_695, %dma_wait3A_696] : memref<10000x128xf32, #tpu.memory_space<hbm>> -> memref<40x128xf32, #tpu.memory_space<hbm>>
      %dma_wait3A_698 = tpu.memref_slice %arg11[%dma_wait3A_690] : memref<6x!tpu.dma_semaphore, #tpu.memory_space<semaphore_mem>> -> memref<1x!tpu.dma_semaphore, #tpu.memory_space<semaphore_mem>>
      %dma_wait3A_699 = tpu.memref_squeeze %dma_wait3A_698 : memref<1x!tpu.dma_semaphore, #tpu.memory_space<semaphore_mem>> -> memref<!tpu.dma_semaphore, #tpu.memory_space<semaphore_mem>>
      %dma_wait3A_700 = arith.constant 0 : i32
      %dma_wait3A_701 = arith.constant 0 : i32
      %dma_wait3A_702 = tpu.memref_slice %arg7[%dma_wait3A_689, %dma_wait3A_700, %dma_wait3A_701] : memref<6x40x128xf32, #tpu.memory_space<vmem>> -> memref<1x40x128xf32, #tpu.memory_space<vmem>>
      %dma_wait3A_703 = tpu.memref_squeeze %dma_wait3A_702 : memref<1x40x128xf32, #tpu.memory_space<vmem>> -> memref<40x128xf32, #tpu.memory_space<vmem>>
      %dma_wait3A_704 = arith.constant 0 : i32
      %dma_wait3A_705 = arith.constant 0 : i32
      %dma_wait3A_706 = tpu.memref_slice %arg2[%dma_wait3A_704, %dma_wait3A_705] : memref<10000x128xf32, #tpu.memory_space<hbm>> -> memref<40x128xf32, #tpu.memory_space<hbm>>
      tpu.wait_dma2 semaphore(%dma_wait3A_699 : memref<!tpu.dma_semaphore, #tpu.memory_space<semaphore_mem>>) src(%dma_wait3A_706 : memref<40x128xf32, #tpu.memory_space<hbm>>) dst(%dma_wait3A_703 : memref<40x128xf32, #tpu.memory_space<vmem>>)
      %dma_wait3A_707 = arith.constant 0 : i32
      %dma_wait3A_708 = arith.constant 0 : i32
      %dma_wait3A_709 = arith.constant 0 : i32
      %dma_wait3A_710 = arith.constant 0 : i32
      %dma_wait3A_711 = tpu.memref_slice %arg7[%dma_wait3A_707, %dma_wait3A_709, %dma_wait3A_710] : memref<6x40x128xf32, #tpu.memory_space<vmem>> -> memref<1x40x128xf32, #tpu.memory_space<vmem>>
      %dma_wait3A_712 = tpu.memref_squeeze %dma_wait3A_711 : memref<1x40x128xf32, #tpu.memory_space<vmem>> -> memref<40x128xf32, #tpu.memory_space<vmem>>
      %dma_wait3A_713 = arith.constant 0 : i32
      %dma_wait3A_714 = arith.constant 0 : i32
      %dma_wait3A_715 = tpu.memref_slice %arg2[%dma_wait3A_713, %dma_wait3A_714] : memref<10000x128xf32, #tpu.memory_space<hbm>> -> memref<40x128xf32, #tpu.memory_space<hbm>>
      %dma_wait3A_716 = tpu.memref_slice %arg11[%dma_wait3A_708] : memref<6x!tpu.dma_semaphore, #tpu.memory_space<semaphore_mem>> -> memref<1x!tpu.dma_semaphore, #tpu.memory_space<semaphore_mem>>
      %dma_wait3A_717 = tpu.memref_squeeze %dma_wait3A_716 : memref<1x!tpu.dma_semaphore, #tpu.memory_space<semaphore_mem>> -> memref<!tpu.dma_semaphore, #tpu.memory_space<semaphore_mem>>
      %dma_wait3A_718 = arith.constant 0 : i32
      %dma_wait3A_719 = arith.constant 0 : i32
      %dma_wait3A_720 = tpu.memref_slice %arg7[%dma_wait3A_707, %dma_wait3A_718, %dma_wait3A_719] : memref<6x40x128xf32, #tpu.memory_space<vmem>> -> memref<1x40x128xf32, #tpu.memory_space<vmem>>
      %dma_wait3A_721 = tpu.memref_squeeze %dma_wait3A_720 : memref<1x40x128xf32, #tpu.memory_space<vmem>> -> memref<40x128xf32, #tpu.memory_space<vmem>>
      %dma_wait3A_722 = arith.constant 0 : i32
      %dma_wait3A_723 = arith.constant 0 : i32
      %dma_wait3A_724 = tpu.memref_slice %arg2[%dma_wait3A_722, %dma_wait3A_723] : memref<10000x128xf32, #tpu.memory_space<hbm>> -> memref<40x128xf32, #tpu.memory_space<hbm>>
      tpu.wait_dma2 semaphore(%dma_wait3A_717 : memref<!tpu.dma_semaphore, #tpu.memory_space<semaphore_mem>>) src(%dma_wait3A_724 : memref<40x128xf32, #tpu.memory_space<hbm>>) dst(%dma_wait3A_721 : memref<40x128xf32, #tpu.memory_space<vmem>>)
      %dma_wait3A_725 = arith.constant 0 : i32
      %dma_wait3A_726 = arith.constant 1 : i32
      %dma_wait3A_727 = arith.constant 0 : i32
      %dma_wait3A_728 = arith.constant 0 : i32
      %dma_wait3A_729 = tpu.memref_slice %arg7[%dma_wait3A_725, %dma_wait3A_727, %dma_wait3A_728] : memref<6x40x128xf32, #tpu.memory_space<vmem>> -> memref<1x40x128xf32, #tpu.memory_space<vmem>>
      %dma_wait3A_730 = tpu.memref_squeeze %dma_wait3A_729 : memref<1x40x128xf32, #tpu.memory_space<vmem>> -> memref<40x128xf32, #tpu.memory_space<vmem>>
      %dma_wait3A_731 = arith.constant 0 : i32
      %dma_wait3A_732 = arith.constant 0 : i32
      %dma_wait3A_733 = tpu.memref_slice %arg2[%dma_wait3A_731, %dma_wait3A_732] : memref<10000x128xf32, #tpu.memory_space<hbm>> -> memref<40x128xf32, #tpu.memory_space<hbm>>
      %dma_wait3A_734 = tpu.memref_slice %arg11[%dma_wait3A_726] : memref<6x!tpu.dma_semaphore, #tpu.memory_space<semaphore_mem>> -> memref<1x!tpu.dma_semaphore, #tpu.memory_space<semaphore_mem>>
      %dma_wait3A_735 = tpu.memref_squeeze %dma_wait3A_734 : memref<1x!tpu.dma_semaphore, #tpu.memory_space<semaphore_mem>> -> memref<!tpu.dma_semaphore, #tpu.memory_space<semaphore_mem>>
      %dma_wait3A_736 = arith.constant 0 : i32
      %dma_wait3A_737 = arith.constant 0 : i32
      %dma_wait3A_738 = tpu.memref_slice %arg7[%dma_wait3A_725, %dma_wait3A_736, %dma_wait3A_737] : memref<6x40x128xf32, #tpu.memory_space<vmem>> -> memref<1x40x128xf32, #tpu.memory_space<vmem>>
      %dma_wait3A_739 = tpu.memref_squeeze %dma_wait3A_738 : memref<1x40x128xf32, #tpu.memory_space<vmem>> -> memref<40x128xf32, #tpu.memory_space<vmem>>
      %dma_wait3A_740 = arith.constant 0 : i32
      %dma_wait3A_741 = arith.constant 0 : i32
      %dma_wait3A_742 = tpu.memref_slice %arg2[%dma_wait3A_740, %dma_wait3A_741] : memref<10000x128xf32, #tpu.memory_space<hbm>> -> memref<40x128xf32, #tpu.memory_space<hbm>>
      tpu.wait_dma2 semaphore(%dma_wait3A_735 : memref<!tpu.dma_semaphore, #tpu.memory_space<semaphore_mem>>) src(%dma_wait3A_742 : memref<40x128xf32, #tpu.memory_space<hbm>>) dst(%dma_wait3A_739 : memref<40x128xf32, #tpu.memory_space<vmem>>)
    }
    %scan3A_527 = arith.constant 5 : i32
    %barrier3A_528 = arith.constant 0 : index
    tpu.barrier barrier_id(%barrier3A_528)
    %lt3A = arith.constant 15 : i32
    %lt3A_529 = arith.cmpi slt, %arg1, %lt3A : i32
    %convert_element_type3A = arith.extui %lt3A_529 : i1 to i32
    %cond3A = arith.constant 0 : i32
    %cond3A_530 = arith.cmpi ne, %convert_element_type3A, %cond3A : i32
    scf.if %cond3A_530 {
      %mul3A_536 = arith.constant 624 : i32
      %mul3A_537 = arith.muli %arg1, %mul3A_536 : i32
      "tpu.region"() ({
        %run_scoped3A = tpu.sem_alloc : memref<!tpu.dma_semaphore, #tpu.memory_space<semaphore_mem>>
        %dma_start3A = arith.constant 0 : i32
        %dma_start3A_538 = tpu.memref_slice %arg4[%arg0, %mul3A_537, %dma_start3A] : memref<2x10000x128xf32, #tpu.memory_space<hbm>> -> memref<1x624x128xf32, #tpu.memory_space<hbm>>
        %dma_start3A_539 = tpu.memref_squeeze %dma_start3A_538 : memref<1x624x128xf32, #tpu.memory_space<hbm>> -> memref<624x128xf32, #tpu.memory_space<hbm>>
        %dma_start3A_540 = arith.constant 0 : i32
        %dma_start3A_541 = tpu.memref_slice %arg9[%mul3A_537, %dma_start3A_540] : memref<10000x128xf32, #tpu.memory_space<vmem_shared>> -> memref<624x128xf32, #tpu.memory_space<vmem_shared>>
        tpu.enqueue_dma source(%dma_start3A_541 : memref<624x128xf32, #tpu.memory_space<vmem_shared>>) target(%dma_start3A_539 : memref<624x128xf32, #tpu.memory_space<hbm>>) target_semaphore(%run_scoped3A : memref<!tpu.dma_semaphore, #tpu.memory_space<semaphore_mem>>)
        %dma_wait3A = arith.constant 0 : i32
        %dma_wait3A_542 = tpu.memref_slice %arg4[%arg0, %mul3A_537, %dma_wait3A] : memref<2x10000x128xf32, #tpu.memory_space<hbm>> -> memref<1x624x128xf32, #tpu.memory_space<hbm>>
        %dma_wait3A_543 = tpu.memref_squeeze %dma_wait3A_542 : memref<1x624x128xf32, #tpu.memory_space<hbm>> -> memref<624x128xf32, #tpu.memory_space<hbm>>
        %dma_wait3A_544 = arith.constant 0 : i32
        %dma_wait3A_545 = tpu.memref_slice %arg9[%mul3A_537, %dma_wait3A_544] : memref<10000x128xf32, #tpu.memory_space<vmem_shared>> -> memref<624x128xf32, #tpu.memory_space<vmem_shared>>
        tpu.wait_dma2 semaphore(%run_scoped3A : memref<!tpu.dma_semaphore, #tpu.memory_space<semaphore_mem>>) src(%dma_wait3A_545 : memref<624x128xf32, #tpu.memory_space<vmem_shared>>) dst(%dma_wait3A_543 : memref<624x128xf32, #tpu.memory_space<hbm>>)
        tpu.yield
      }) : () -> ()
    } else {
    }
    %eq3A_531 = arith.constant 15 : i32
    %eq3A_532 = arith.cmpi eq, %arg1, %eq3A_531 : i32
    %convert_element_type3A_533 = arith.extui %eq3A_532 : i1 to i32
    %cond3A_534 = arith.constant 0 : i32
    %cond3A_535 = arith.cmpi ne, %convert_element_type3A_533, %cond3A_534 : i32
    scf.if %cond3A_535 {
      "tpu.region"() ({
        %run_scoped3A = tpu.sem_alloc : memref<!tpu.dma_semaphore, #tpu.memory_space<semaphore_mem>>
        %dma_start3A = arith.constant 9360 : i32
        %dma_start3A_536 = arith.constant 0 : i32
        %dma_start3A_537 = tpu.memref_slice %arg4[%arg0, %dma_start3A, %dma_start3A_536] : memref<2x10000x128xf32, #tpu.memory_space<hbm>> -> memref<1x640x128xf32, #tpu.memory_space<hbm>>
        %dma_start3A_538 = tpu.memref_squeeze %dma_start3A_537 : memref<1x640x128xf32, #tpu.memory_space<hbm>> -> memref<640x128xf32, #tpu.memory_space<hbm>>
        %dma_start3A_539 = arith.constant 9360 : i32
        %dma_start3A_540 = arith.constant 0 : i32
        %dma_start3A_541 = tpu.memref_slice %arg9[%dma_start3A_539, %dma_start3A_540] : memref<10000x128xf32, #tpu.memory_space<vmem_shared>> -> memref<640x128xf32, #tpu.memory_space<vmem_shared>>
        tpu.enqueue_dma source(%dma_start3A_541 : memref<640x128xf32, #tpu.memory_space<vmem_shared>>) target(%dma_start3A_538 : memref<640x128xf32, #tpu.memory_space<hbm>>) target_semaphore(%run_scoped3A : memref<!tpu.dma_semaphore, #tpu.memory_space<semaphore_mem>>)
        %dma_wait3A = arith.constant 9360 : i32
        %dma_wait3A_542 = arith.constant 0 : i32
        %dma_wait3A_543 = tpu.memref_slice %arg4[%arg0, %dma_wait3A, %dma_wait3A_542] : memref<2x10000x128xf32, #tpu.memory_space<hbm>> -> memref<1x640x128xf32, #tpu.memory_space<hbm>>
        %dma_wait3A_544 = tpu.memref_squeeze %dma_wait3A_543 : memref<1x640x128xf32, #tpu.memory_space<hbm>> -> memref<640x128xf32, #tpu.memory_space<hbm>>
        %dma_wait3A_545 = arith.constant 9360 : i32
        %dma_wait3A_546 = arith.constant 0 : i32
        %dma_wait3A_547 = tpu.memref_slice %arg9[%dma_wait3A_545, %dma_wait3A_546] : memref<10000x128xf32, #tpu.memory_space<vmem_shared>> -> memref<640x128xf32, #tpu.memory_space<vmem_shared>>
        tpu.wait_dma2 semaphore(%run_scoped3A : memref<!tpu.dma_semaphore, #tpu.memory_space<semaphore_mem>>) src(%dma_wait3A_547 : memref<640x128xf32, #tpu.memory_space<vmem_shared>>) dst(%dma_wait3A_544 : memref<640x128xf32, #tpu.memory_space<hbm>>)
        tpu.yield
      }) : () -> ()
    } else {
    }
    return
  }
}

#map = affine_map<(d0, d1) -> (0, 0, 0, 0)>
#map1 = affine_map<(d0, d1) -> (0)>
module attributes {stable_mosaic.version = 14 : i64} {
  func.func @hist(%arg0: i32, %arg1: i32, %arg2: memref<2x16x250x80xi32, #tpu.memory_space<hbm>>, %arg3: memref<20000xf32, #tpu.memory_space<hbm>>, %arg4: memref<250x80xi32, #tpu.memory_space<vmem>>, %arg5: memref<80xf32, #tpu.memory_space<vmem>>, %arg6: memref<10000xf32, #tpu.memory_space<vmem>>, %arg7: memref<10000xf32, #tpu.memory_space<vmem_shared>>, %arg8: memref<!tpu.dma_semaphore, #tpu.memory_space<semaphore_mem>>) attributes {dimension_semantics = [#tpu.dimension_semantics<core_parallel>, #tpu.dimension_semantics<subcore_parallel>], iteration_bounds = array<i64: 2, 16>, scalar_prefetch = 0 : i64, scratch_operands = 5 : i64, tpu.core_type = #tpu.core_type<sc_vector_subcore>, window_params = [{transform_indices = #map}, {transform_indices = #map1}]} {
    %broadcast_in_dim3A = arith.constant 1.000000e+00 : f32
    %broadcast_in_dim3A_0 = vector.broadcast %broadcast_in_dim3A : f32 to vector<16xf32>
    %swap3A = arith.constant 0 : index
    %swap3A_1 = tpu.vector_load %arg5[%swap3A] {strides = array<i32>} : memref<80xf32, #tpu.memory_space<vmem>>, vector<16xf32>,
    %swap3A_2 = vector.shape_cast %swap3A_1 : vector<16xf32> to vector<16xf32>
    %swap3A_3 = vector.shape_cast %broadcast_in_dim3A_0 : vector<16xf32> to vector<16xf32>
    tpu.vector_store %arg5[%swap3A], %swap3A_3 {strides = array<i32>} : memref<80xf32, #tpu.memory_space<vmem>>, vector<16xf32>,
    %broadcast_in_dim3A_4 = arith.constant 1.000000e+00 : f32
    %broadcast_in_dim3A_5 = vector.broadcast %broadcast_in_dim3A_4 : f32 to vector<16xf32>
    %swap3A_6 = arith.constant 16 : index
    %swap3A_7 = tpu.vector_load %arg5[%swap3A_6] {strides = array<i32>} : memref<80xf32, #tpu.memory_space<vmem>>, vector<16xf32>,
    %swap3A_8 = vector.shape_cast %swap3A_7 : vector<16xf32> to vector<16xf32>
    %swap3A_9 = vector.shape_cast %broadcast_in_dim3A_5 : vector<16xf32> to vector<16xf32>
    tpu.vector_store %arg5[%swap3A_6], %swap3A_9 {strides = array<i32>} : memref<80xf32, #tpu.memory_space<vmem>>, vector<16xf32>,
    %broadcast_in_dim3A_10 = arith.constant 1.000000e+00 : f32
    %broadcast_in_dim3A_11 = vector.broadcast %broadcast_in_dim3A_10 : f32 to vector<16xf32>
    %swap3A_12 = arith.constant 32 : index
    %swap3A_13 = tpu.vector_load %arg5[%swap3A_12] {strides = array<i32>} : memref<80xf32, #tpu.memory_space<vmem>>, vector<16xf32>,
    %swap3A_14 = vector.shape_cast %swap3A_13 : vector<16xf32> to vector<16xf32>
    %swap3A_15 = vector.shape_cast %broadcast_in_dim3A_11 : vector<16xf32> to vector<16xf32>
    tpu.vector_store %arg5[%swap3A_12], %swap3A_15 {strides = array<i32>} : memref<80xf32, #tpu.memory_space<vmem>>, vector<16xf32>,
    %broadcast_in_dim3A_16 = arith.constant 1.000000e+00 : f32
    %broadcast_in_dim3A_17 = vector.broadcast %broadcast_in_dim3A_16 : f32 to vector<16xf32>
    %swap3A_18 = arith.constant 48 : index
    %swap3A_19 = tpu.vector_load %arg5[%swap3A_18] {strides = array<i32>} : memref<80xf32, #tpu.memory_space<vmem>>, vector<16xf32>,
    %swap3A_20 = vector.shape_cast %swap3A_19 : vector<16xf32> to vector<16xf32>
    %swap3A_21 = vector.shape_cast %broadcast_in_dim3A_17 : vector<16xf32> to vector<16xf32>
    tpu.vector_store %arg5[%swap3A_18], %swap3A_21 {strides = array<i32>} : memref<80xf32, #tpu.memory_space<vmem>>, vector<16xf32>,
    %broadcast_in_dim3A_22 = arith.constant 1.000000e+00 : f32
    %broadcast_in_dim3A_23 = vector.broadcast %broadcast_in_dim3A_22 : f32 to vector<16xf32>
    %swap3A_24 = arith.constant 64 : index
    %swap3A_25 = tpu.vector_load %arg5[%swap3A_24] {strides = array<i32>} : memref<80xf32, #tpu.memory_space<vmem>>, vector<16xf32>,
    %swap3A_26 = vector.shape_cast %swap3A_25 : vector<16xf32> to vector<16xf32>
    %swap3A_27 = vector.shape_cast %broadcast_in_dim3A_23 : vector<16xf32> to vector<16xf32>
    tpu.vector_store %arg5[%swap3A_24], %swap3A_27 {strides = array<i32>} : memref<80xf32, #tpu.memory_space<vmem>>, vector<16xf32>,
    %eq3A = arith.constant 0 : i32
    %eq3A_28 = arith.cmpi eq, %arg1, %eq3A : i32
    %convert_element_type3A = arith.extui %eq3A_28 : i1 to i32
    %cond3A = arith.constant 0 : i32
    %cond3A_29 = arith.cmpi ne, %convert_element_type3A, %cond3A : i32
    scf.if %cond3A_29 {
      %scan3A_168 = arith.constant 0 : i32
      %scan3A_169 = arith.constant 0 : i32
      %scan3A_170 = arith.constant 625 : i32
      %scan3A_171 = arith.addi %scan3A_169, %scan3A_170 : i32
      %scan3A_172 = arith.constant 1 : i32
      scf.for %scan3A_174 = %scan3A_169 to %scan3A_171 step %scan3A_172  : i32 {
        %mul3A = arith.constant 16 : i32
        %mul3A_175 = arith.muli %scan3A_174, %mul3A : i32
        %multiple_of3A = tpu.assume_multiple %mul3A_175, 16 : i32
        %broadcast_in_dim3A_176 = arith.constant 0.000000e+00 : f32
        %broadcast_in_dim3A_177 = vector.broadcast %broadcast_in_dim3A_176 : f32 to vector<16xf32>
        %swap3A_178 = arith.index_cast %multiple_of3A : i32 to index
        %swap3A_179 = tpu.vector_load %arg6[%swap3A_178] {strides = array<i32>} : memref<10000xf32, #tpu.memory_space<vmem>>, vector<16xf32>,
        %swap3A_180 = vector.shape_cast %swap3A_179 : vector<16xf32> to vector<16xf32>
        %swap3A_181 = vector.shape_cast %broadcast_in_dim3A_177 : vector<16xf32> to vector<16xf32>
        tpu.vector_store %arg6[%swap3A_178], %swap3A_181 {strides = array<i32>} : memref<10000xf32, #tpu.memory_space<vmem>>, vector<16xf32>,
      }
      %scan3A_173 = arith.constant 625 : i32
      "tpu.region"() ({
        %run_scoped3A = tpu.sem_alloc : memref<!tpu.dma_semaphore, #tpu.memory_space<semaphore_mem>>
        tpu.enqueue_dma source(%arg6 : memref<10000xf32, #tpu.memory_space<vmem>>) target(%arg7 : memref<10000xf32, #tpu.memory_space<vmem_shared>>) target_semaphore(%run_scoped3A : memref<!tpu.dma_semaphore, #tpu.memory_space<semaphore_mem>>)
        tpu.wait_dma2 semaphore(%run_scoped3A : memref<!tpu.dma_semaphore, #tpu.memory_space<semaphore_mem>>) src(%arg6 : memref<10000xf32, #tpu.memory_space<vmem>>) dst(%arg7 : memref<10000xf32, #tpu.memory_space<vmem_shared>>)
        tpu.yield
      }) : () -> ()
    } else {
    }
    %barrier3A = arith.constant 0 : index
    tpu.barrier barrier_id(%barrier3A)
    "tpu.region"() ({
      %run_scoped3A = tpu.sem_alloc : memref<!tpu.dma_semaphore, #tpu.memory_space<semaphore_mem>>
      %dma_start3A = arith.constant 0 : i32
      %dma_start3A_168 = arith.constant 0 : i32
      %dma_start3A_169 = tpu.memref_slice %arg2[%arg0, %arg1, %dma_start3A, %dma_start3A_168] : memref<2x16x250x80xi32, #tpu.memory_space<hbm>> -> memref<1x1x250x80xi32, #tpu.memory_space<hbm>>
      %dma_start3A_170 = tpu.memref_squeeze %dma_start3A_169 : memref<1x1x250x80xi32, #tpu.memory_space<hbm>> -> memref<250x80xi32, #tpu.memory_space<hbm>>
      %dma_start3A_171 = arith.constant 0 : i32
      %dma_start3A_172 = arith.constant 0 : i32
      %dma_start3A_173 = tpu.memref_slice %arg2[%arg0, %arg1, %dma_start3A_171, %dma_start3A_172] : memref<2x16x250x80xi32, #tpu.memory_space<hbm>> -> memref<1x1x250x80xi32, #tpu.memory_space<hbm>>
      %dma_start3A_174 = tpu.memref_squeeze %dma_start3A_173 : memref<1x1x250x80xi32, #tpu.memory_space<hbm>> -> memref<250x80xi32, #tpu.memory_space<hbm>>
      tpu.enqueue_dma source(%dma_start3A_174 : memref<250x80xi32, #tpu.memory_space<hbm>>) target(%arg4 : memref<250x80xi32, #tpu.memory_space<vmem>>) target_semaphore(%run_scoped3A : memref<!tpu.dma_semaphore, #tpu.memory_space<semaphore_mem>>)
      %dma_wait3A_175 = arith.constant 0 : i32
      %dma_wait3A_176 = arith.constant 0 : i32
      %dma_wait3A_177 = tpu.memref_slice %arg2[%arg0, %arg1, %dma_wait3A_175, %dma_wait3A_176] : memref<2x16x250x80xi32, #tpu.memory_space<hbm>> -> memref<1x1x250x80xi32, #tpu.memory_space<hbm>>
      %dma_wait3A_178 = tpu.memref_squeeze %dma_wait3A_177 : memref<1x1x250x80xi32, #tpu.memory_space<hbm>> -> memref<250x80xi32, #tpu.memory_space<hbm>>
      %dma_wait3A_179 = arith.constant 0 : i32
      %dma_wait3A_180 = arith.constant 0 : i32
      %dma_wait3A_181 = tpu.memref_slice %arg2[%arg0, %arg1, %dma_wait3A_179, %dma_wait3A_180] : memref<2x16x250x80xi32, #tpu.memory_space<hbm>> -> memref<1x1x250x80xi32, #tpu.memory_space<hbm>>
      %dma_wait3A_182 = tpu.memref_squeeze %dma_wait3A_181 : memref<1x1x250x80xi32, #tpu.memory_space<hbm>> -> memref<250x80xi32, #tpu.memory_space<hbm>>
      tpu.wait_dma2 semaphore(%run_scoped3A : memref<!tpu.dma_semaphore, #tpu.memory_space<semaphore_mem>>) src(%dma_wait3A_182 : memref<250x80xi32, #tpu.memory_space<hbm>>) dst(%arg4 : memref<250x80xi32, #tpu.memory_space<vmem>>)
      tpu.yield
    }) : () -> ()
    %scan3A = arith.constant 0 : i32
    %scan3A_30 = arith.constant 0 : i32
    %scan3A_31 = arith.constant 250 : i32
    %scan3A_32 = arith.addi %scan3A_30, %scan3A_31 : i32
    %scan3A_33 = arith.constant 1 : i32
    scf.for %scan3A_168 = %scan3A_30 to %scan3A_32 step %scan3A_33  : i32 {
      %dma_start3A = arith.constant 0 : i32
      %dma_start3A_169 = tpu.memref_slice %arg4[%scan3A_168, %dma_start3A] : memref<250x80xi32, #tpu.memory_space<vmem>> -> memref<1x80xi32, #tpu.memory_space<vmem>>
      %dma_start3A_170 = tpu.memref_squeeze %dma_start3A_169 : memref<1x80xi32, #tpu.memory_space<vmem>> -> memref<80xi32, #tpu.memory_space<vmem>>
      %dma_start3A_171 = arith.constant 0 : i32
      %dma_start3A_172 = tpu.memref_slice %arg7[%dma_start3A_171] : memref<10000xf32, #tpu.memory_space<vmem_shared>> -> memref<10000xf32, #tpu.memory_space<vmem_shared>>
      tpu.enqueue_indirect_dma source(%arg5 : memref<80xf32, #tpu.memory_space<vmem>>) target(%dma_start3A_172 : memref<10000xf32, #tpu.memory_space<vmem_shared>>) offsets(%dma_start3A_170 : memref<80xi32, #tpu.memory_space<vmem>>) semaphore(%arg8 : memref<!tpu.dma_semaphore, #tpu.memory_space<semaphore_mem>>) {add = true}
      %ge3A = arith.constant 16 : i32
      %ge3A_173 = arith.cmpi sge, %scan3A_168, %ge3A : i32
      %convert_element_type3A_174 = arith.extui %ge3A_173 : i1 to i32
      %cond3A_175 = arith.constant 0 : i32
      %cond3A_176 = arith.cmpi ne, %convert_element_type3A_174, %cond3A_175 : i32
      scf.if %cond3A_176 {
        %dma_wait3A_177 = arith.constant 0 : i32
        %dma_wait3A_178 = tpu.memref_slice %arg6[%dma_wait3A_177] : memref<10000xf32, #tpu.memory_space<vmem>> -> memref<80xf32, #tpu.memory_space<vmem>>
        %dma_wait3A_179 = arith.constant 0 : i32
        %dma_wait3A_180 = tpu.memref_slice %arg3[%dma_wait3A_179] : memref<20000xf32, #tpu.memory_space<hbm>> -> memref<80xf32, #tpu.memory_space<hbm>>
        %dma_wait3A_181 = arith.constant 0 : i32
        %dma_wait3A_182 = tpu.memref_slice %arg6[%dma_wait3A_181] : memref<10000xf32, #tpu.memory_space<vmem>> -> memref<80xf32, #tpu.memory_space<vmem>>
        %dma_wait3A_183 = arith.constant 0 : i32
        %dma_wait3A_184 = tpu.memref_slice %arg3[%dma_wait3A_183] : memref<20000xf32, #tpu.memory_space<hbm>> -> memref<80xf32, #tpu.memory_space<hbm>>
        tpu.wait_dma2 semaphore(%arg8 : memref<!tpu.dma_semaphore, #tpu.memory_space<semaphore_mem>>) src(%dma_wait3A_184 : memref<80xf32, #tpu.memory_space<hbm>>) dst(%dma_wait3A_182 : memref<80xf32, #tpu.memory_space<vmem>>)
      } else {
      }
    }
    %scan3A_34 = arith.constant 250 : i32
    %dma_wait3A = arith.constant 0 : i32
    %dma_wait3A_35 = tpu.memref_slice %arg6[%dma_wait3A] : memref<10000xf32, #tpu.memory_space<vmem>> -> memref<80xf32, #tpu.memory_space<vmem>>
    %dma_wait3A_36 = arith.constant 0 : i32
    %dma_wait3A_37 = tpu.memref_slice %arg3[%dma_wait3A_36] : memref<20000xf32, #tpu.memory_space<hbm>> -> memref<80xf32, #tpu.memory_space<hbm>>
    %dma_wait3A_38 = arith.constant 0 : i32
    %dma_wait3A_39 = tpu.memref_slice %arg6[%dma_wait3A_38] : memref<10000xf32, #tpu.memory_space<vmem>> -> memref<80xf32, #tpu.memory_space<vmem>>
    %dma_wait3A_40 = arith.constant 0 : i32
    %dma_wait3A_41 = tpu.memref_slice %arg3[%dma_wait3A_40] : memref<20000xf32, #tpu.memory_space<hbm>> -> memref<80xf32, #tpu.memory_space<hbm>>
    tpu.wait_dma2 semaphore(%arg8 : memref<!tpu.dma_semaphore, #tpu.memory_space<semaphore_mem>>) src(%dma_wait3A_41 : memref<80xf32, #tpu.memory_space<hbm>>) dst(%dma_wait3A_39 : memref<80xf32, #tpu.memory_space<vmem>>)
    %dma_wait3A_42 = arith.constant 0 : i32
    %dma_wait3A_43 = tpu.memref_slice %arg6[%dma_wait3A_42] : memref<10000xf32, #tpu.memory_space<vmem>> -> memref<80xf32, #tpu.memory_space<vmem>>
    %dma_wait3A_44 = arith.constant 0 : i32
    %dma_wait3A_45 = tpu.memref_slice %arg3[%dma_wait3A_44] : memref<20000xf32, #tpu.memory_space<hbm>> -> memref<80xf32, #tpu.memory_space<hbm>>
    %dma_wait3A_46 = arith.constant 0 : i32
    %dma_wait3A_47 = tpu.memref_slice %arg6[%dma_wait3A_46] : memref<10000xf32, #tpu.memory_space<vmem>> -> memref<80xf32, #tpu.memory_space<vmem>>
    %dma_wait3A_48 = arith.constant 0 : i32
    %dma_wait3A_49 = tpu.memref_slice %arg3[%dma_wait3A_48] : memref<20000xf32, #tpu.memory_space<hbm>> -> memref<80xf32, #tpu.memory_space<hbm>>
    tpu.wait_dma2 semaphore(%arg8 : memref<!tpu.dma_semaphore, #tpu.memory_space<semaphore_mem>>) src(%dma_wait3A_49 : memref<80xf32, #tpu.memory_space<hbm>>) dst(%dma_wait3A_47 : memref<80xf32, #tpu.memory_space<vmem>>)
    %dma_wait3A_50 = arith.constant 0 : i32
    %dma_wait3A_51 = tpu.memref_slice %arg6[%dma_wait3A_50] : memref<10000xf32, #tpu.memory_space<vmem>> -> memref<80xf32, #tpu.memory_space<vmem>>
    %dma_wait3A_52 = arith.constant 0 : i32
    %dma_wait3A_53 = tpu.memref_slice %arg3[%dma_wait3A_52] : memref<20000xf32, #tpu.memory_space<hbm>> -> memref<80xf32, #tpu.memory_space<hbm>>
    %dma_wait3A_54 = arith.constant 0 : i32
    %dma_wait3A_55 = tpu.memref_slice %arg6[%dma_wait3A_54] : memref<10000xf32, #tpu.memory_space<vmem>> -> memref<80xf32, #tpu.memory_space<vmem>>
    %dma_wait3A_56 = arith.constant 0 : i32
    %dma_wait3A_57 = tpu.memref_slice %arg3[%dma_wait3A_56] : memref<20000xf32, #tpu.memory_space<hbm>> -> memref<80xf32, #tpu.memory_space<hbm>>
    tpu.wait_dma2 semaphore(%arg8 : memref<!tpu.dma_semaphore, #tpu.memory_space<semaphore_mem>>) src(%dma_wait3A_57 : memref<80xf32, #tpu.memory_space<hbm>>) dst(%dma_wait3A_55 : memref<80xf32, #tpu.memory_space<vmem>>)
    %dma_wait3A_58 = arith.constant 0 : i32
    %dma_wait3A_59 = tpu.memref_slice %arg6[%dma_wait3A_58] : memref<10000xf32, #tpu.memory_space<vmem>> -> memref<80xf32, #tpu.memory_space<vmem>>
    %dma_wait3A_60 = arith.constant 0 : i32
    %dma_wait3A_61 = tpu.memref_slice %arg3[%dma_wait3A_60] : memref<20000xf32, #tpu.memory_space<hbm>> -> memref<80xf32, #tpu.memory_space<hbm>>
    %dma_wait3A_62 = arith.constant 0 : i32
    %dma_wait3A_63 = tpu.memref_slice %arg6[%dma_wait3A_62] : memref<10000xf32, #tpu.memory_space<vmem>> -> memref<80xf32, #tpu.memory_space<vmem>>
    %dma_wait3A_64 = arith.constant 0 : i32
    %dma_wait3A_65 = tpu.memref_slice %arg3[%dma_wait3A_64] : memref<20000xf32, #tpu.memory_space<hbm>> -> memref<80xf32, #tpu.memory_space<hbm>>
    tpu.wait_dma2 semaphore(%arg8 : memref<!tpu.dma_semaphore, #tpu.memory_space<semaphore_mem>>) src(%dma_wait3A_65 : memref<80xf32, #tpu.memory_space<hbm>>) dst(%dma_wait3A_63 : memref<80xf32, #tpu.memory_space<vmem>>)
    %dma_wait3A_66 = arith.constant 0 : i32
    %dma_wait3A_67 = tpu.memref_slice %arg6[%dma_wait3A_66] : memref<10000xf32, #tpu.memory_space<vmem>> -> memref<80xf32, #tpu.memory_space<vmem>>
    %dma_wait3A_68 = arith.constant 0 : i32
    %dma_wait3A_69 = tpu.memref_slice %arg3[%dma_wait3A_68] : memref<20000xf32, #tpu.memory_space<hbm>> -> memref<80xf32, #tpu.memory_space<hbm>>
    %dma_wait3A_70 = arith.constant 0 : i32
    %dma_wait3A_71 = tpu.memref_slice %arg6[%dma_wait3A_70] : memref<10000xf32, #tpu.memory_space<vmem>> -> memref<80xf32, #tpu.memory_space<vmem>>
    %dma_wait3A_72 = arith.constant 0 : i32
    %dma_wait3A_73 = tpu.memref_slice %arg3[%dma_wait3A_72] : memref<20000xf32, #tpu.memory_space<hbm>> -> memref<80xf32, #tpu.memory_space<hbm>>
    tpu.wait_dma2 semaphore(%arg8 : memref<!tpu.dma_semaphore, #tpu.memory_space<semaphore_mem>>) src(%dma_wait3A_73 : memref<80xf32, #tpu.memory_space<hbm>>) dst(%dma_wait3A_71 : memref<80xf32, #tpu.memory_space<vmem>>)
    %dma_wait3A_74 = arith.constant 0 : i32
    %dma_wait3A_75 = tpu.memref_slice %arg6[%dma_wait3A_74] : memref<10000xf32, #tpu.memory_space<vmem>> -> memref<80xf32, #tpu.memory_space<vmem>>
    %dma_wait3A_76 = arith.constant 0 : i32
    %dma_wait3A_77 = tpu.memref_slice %arg3[%dma_wait3A_76] : memref<20000xf32, #tpu.memory_space<hbm>> -> memref<80xf32, #tpu.memory_space<hbm>>
    %dma_wait3A_78 = arith.constant 0 : i32
    %dma_wait3A_79 = tpu.memref_slice %arg6[%dma_wait3A_78] : memref<10000xf32, #tpu.memory_space<vmem>> -> memref<80xf32, #tpu.memory_space<vmem>>
    %dma_wait3A_80 = arith.constant 0 : i32
    %dma_wait3A_81 = tpu.memref_slice %arg3[%dma_wait3A_80] : memref<20000xf32, #tpu.memory_space<hbm>> -> memref<80xf32, #tpu.memory_space<hbm>>
    tpu.wait_dma2 semaphore(%arg8 : memref<!tpu.dma_semaphore, #tpu.memory_space<semaphore_mem>>) src(%dma_wait3A_81 : memref<80xf32, #tpu.memory_space<hbm>>) dst(%dma_wait3A_79 : memref<80xf32, #tpu.memory_space<vmem>>)
    %dma_wait3A_82 = arith.constant 0 : i32
    %dma_wait3A_83 = tpu.memref_slice %arg6[%dma_wait3A_82] : memref<10000xf32, #tpu.memory_space<vmem>> -> memref<80xf32, #tpu.memory_space<vmem>>
    %dma_wait3A_84 = arith.constant 0 : i32
    %dma_wait3A_85 = tpu.memref_slice %arg3[%dma_wait3A_84] : memref<20000xf32, #tpu.memory_space<hbm>> -> memref<80xf32, #tpu.memory_space<hbm>>
    %dma_wait3A_86 = arith.constant 0 : i32
    %dma_wait3A_87 = tpu.memref_slice %arg6[%dma_wait3A_86] : memref<10000xf32, #tpu.memory_space<vmem>> -> memref<80xf32, #tpu.memory_space<vmem>>
    %dma_wait3A_88 = arith.constant 0 : i32
    %dma_wait3A_89 = tpu.memref_slice %arg3[%dma_wait3A_88] : memref<20000xf32, #tpu.memory_space<hbm>> -> memref<80xf32, #tpu.memory_space<hbm>>
    tpu.wait_dma2 semaphore(%arg8 : memref<!tpu.dma_semaphore, #tpu.memory_space<semaphore_mem>>) src(%dma_wait3A_89 : memref<80xf32, #tpu.memory_space<hbm>>) dst(%dma_wait3A_87 : memref<80xf32, #tpu.memory_space<vmem>>)
    %dma_wait3A_90 = arith.constant 0 : i32
    %dma_wait3A_91 = tpu.memref_slice %arg6[%dma_wait3A_90] : memref<10000xf32, #tpu.memory_space<vmem>> -> memref<80xf32, #tpu.memory_space<vmem>>
    %dma_wait3A_92 = arith.constant 0 : i32
    %dma_wait3A_93 = tpu.memref_slice %arg3[%dma_wait3A_92] : memref<20000xf32, #tpu.memory_space<hbm>> -> memref<80xf32, #tpu.memory_space<hbm>>
    %dma_wait3A_94 = arith.constant 0 : i32
    %dma_wait3A_95 = tpu.memref_slice %arg6[%dma_wait3A_94] : memref<10000xf32, #tpu.memory_space<vmem>> -> memref<80xf32, #tpu.memory_space<vmem>>
    %dma_wait3A_96 = arith.constant 0 : i32
    %dma_wait3A_97 = tpu.memref_slice %arg3[%dma_wait3A_96] : memref<20000xf32, #tpu.memory_space<hbm>> -> memref<80xf32, #tpu.memory_space<hbm>>
    tpu.wait_dma2 semaphore(%arg8 : memref<!tpu.dma_semaphore, #tpu.memory_space<semaphore_mem>>) src(%dma_wait3A_97 : memref<80xf32, #tpu.memory_space<hbm>>) dst(%dma_wait3A_95 : memref<80xf32, #tpu.memory_space<vmem>>)
    %dma_wait3A_98 = arith.constant 0 : i32
    %dma_wait3A_99 = tpu.memref_slice %arg6[%dma_wait3A_98] : memref<10000xf32, #tpu.memory_space<vmem>> -> memref<80xf32, #tpu.memory_space<vmem>>
    %dma_wait3A_100 = arith.constant 0 : i32
    %dma_wait3A_101 = tpu.memref_slice %arg3[%dma_wait3A_100] : memref<20000xf32, #tpu.memory_space<hbm>> -> memref<80xf32, #tpu.memory_space<hbm>>
    %dma_wait3A_102 = arith.constant 0 : i32
    %dma_wait3A_103 = tpu.memref_slice %arg6[%dma_wait3A_102] : memref<10000xf32, #tpu.memory_space<vmem>> -> memref<80xf32, #tpu.memory_space<vmem>>
    %dma_wait3A_104 = arith.constant 0 : i32
    %dma_wait3A_105 = tpu.memref_slice %arg3[%dma_wait3A_104] : memref<20000xf32, #tpu.memory_space<hbm>> -> memref<80xf32, #tpu.memory_space<hbm>>
    tpu.wait_dma2 semaphore(%arg8 : memref<!tpu.dma_semaphore, #tpu.memory_space<semaphore_mem>>) src(%dma_wait3A_105 : memref<80xf32, #tpu.memory_space<hbm>>) dst(%dma_wait3A_103 : memref<80xf32, #tpu.memory_space<vmem>>)
    %dma_wait3A_106 = arith.constant 0 : i32
    %dma_wait3A_107 = tpu.memref_slice %arg6[%dma_wait3A_106] : memref<10000xf32, #tpu.memory_space<vmem>> -> memref<80xf32, #tpu.memory_space<vmem>>
    %dma_wait3A_108 = arith.constant 0 : i32
    %dma_wait3A_109 = tpu.memref_slice %arg3[%dma_wait3A_108] : memref<20000xf32, #tpu.memory_space<hbm>> -> memref<80xf32, #tpu.memory_space<hbm>>
    %dma_wait3A_110 = arith.constant 0 : i32
    %dma_wait3A_111 = tpu.memref_slice %arg6[%dma_wait3A_110] : memref<10000xf32, #tpu.memory_space<vmem>> -> memref<80xf32, #tpu.memory_space<vmem>>
    %dma_wait3A_112 = arith.constant 0 : i32
    %dma_wait3A_113 = tpu.memref_slice %arg3[%dma_wait3A_112] : memref<20000xf32, #tpu.memory_space<hbm>> -> memref<80xf32, #tpu.memory_space<hbm>>
    tpu.wait_dma2 semaphore(%arg8 : memref<!tpu.dma_semaphore, #tpu.memory_space<semaphore_mem>>) src(%dma_wait3A_113 : memref<80xf32, #tpu.memory_space<hbm>>) dst(%dma_wait3A_111 : memref<80xf32, #tpu.memory_space<vmem>>)
    %dma_wait3A_114 = arith.constant 0 : i32
    %dma_wait3A_115 = tpu.memref_slice %arg6[%dma_wait3A_114] : memref<10000xf32, #tpu.memory_space<vmem>> -> memref<80xf32, #tpu.memory_space<vmem>>
    %dma_wait3A_116 = arith.constant 0 : i32
    %dma_wait3A_117 = tpu.memref_slice %arg3[%dma_wait3A_116] : memref<20000xf32, #tpu.memory_space<hbm>> -> memref<80xf32, #tpu.memory_space<hbm>>
    %dma_wait3A_118 = arith.constant 0 : i32
    %dma_wait3A_119 = tpu.memref_slice %arg6[%dma_wait3A_118] : memref<10000xf32, #tpu.memory_space<vmem>> -> memref<80xf32, #tpu.memory_space<vmem>>
    %dma_wait3A_120 = arith.constant 0 : i32
    %dma_wait3A_121 = tpu.memref_slice %arg3[%dma_wait3A_120] : memref<20000xf32, #tpu.memory_space<hbm>> -> memref<80xf32, #tpu.memory_space<hbm>>
    tpu.wait_dma2 semaphore(%arg8 : memref<!tpu.dma_semaphore, #tpu.memory_space<semaphore_mem>>) src(%dma_wait3A_121 : memref<80xf32, #tpu.memory_space<hbm>>) dst(%dma_wait3A_119 : memref<80xf32, #tpu.memory_space<vmem>>)
    %dma_wait3A_122 = arith.constant 0 : i32
    %dma_wait3A_123 = tpu.memref_slice %arg6[%dma_wait3A_122] : memref<10000xf32, #tpu.memory_space<vmem>> -> memref<80xf32, #tpu.memory_space<vmem>>
    %dma_wait3A_124 = arith.constant 0 : i32
    %dma_wait3A_125 = tpu.memref_slice %arg3[%dma_wait3A_124] : memref<20000xf32, #tpu.memory_space<hbm>> -> memref<80xf32, #tpu.memory_space<hbm>>
    %dma_wait3A_126 = arith.constant 0 : i32
    %dma_wait3A_127 = tpu.memref_slice %arg6[%dma_wait3A_126] : memref<10000xf32, #tpu.memory_space<vmem>> -> memref<80xf32, #tpu.memory_space<vmem>>
    %dma_wait3A_128 = arith.constant 0 : i32
    %dma_wait3A_129 = tpu.memref_slice %arg3[%dma_wait3A_128] : memref<20000xf32, #tpu.memory_space<hbm>> -> memref<80xf32, #tpu.memory_space<hbm>>
    tpu.wait_dma2 semaphore(%arg8 : memref<!tpu.dma_semaphore, #tpu.memory_space<semaphore_mem>>) src(%dma_wait3A_129 : memref<80xf32, #tpu.memory_space<hbm>>) dst(%dma_wait3A_127 : memref<80xf32, #tpu.memory_space<vmem>>)
    %dma_wait3A_130 = arith.constant 0 : i32
    %dma_wait3A_131 = tpu.memref_slice %arg6[%dma_wait3A_130] : memref<10000xf32, #tpu.memory_space<vmem>> -> memref<80xf32, #tpu.memory_space<vmem>>
    %dma_wait3A_132 = arith.constant 0 : i32
    %dma_wait3A_133 = tpu.memref_slice %arg3[%dma_wait3A_132] : memref<20000xf32, #tpu.memory_space<hbm>> -> memref<80xf32, #tpu.memory_space<hbm>>
    %dma_wait3A_134 = arith.constant 0 : i32
    %dma_wait3A_135 = tpu.memref_slice %arg6[%dma_wait3A_134] : memref<10000xf32, #tpu.memory_space<vmem>> -> memref<80xf32, #tpu.memory_space<vmem>>
    %dma_wait3A_136 = arith.constant 0 : i32
    %dma_wait3A_137 = tpu.memref_slice %arg3[%dma_wait3A_136] : memref<20000xf32, #tpu.memory_space<hbm>> -> memref<80xf32, #tpu.memory_space<hbm>>
    tpu.wait_dma2 semaphore(%arg8 : memref<!tpu.dma_semaphore, #tpu.memory_space<semaphore_mem>>) src(%dma_wait3A_137 : memref<80xf32, #tpu.memory_space<hbm>>) dst(%dma_wait3A_135 : memref<80xf32, #tpu.memory_space<vmem>>)
    %dma_wait3A_138 = arith.constant 0 : i32
    %dma_wait3A_139 = tpu.memref_slice %arg6[%dma_wait3A_138] : memref<10000xf32, #tpu.memory_space<vmem>> -> memref<80xf32, #tpu.memory_space<vmem>>
    %dma_wait3A_140 = arith.constant 0 : i32
    %dma_wait3A_141 = tpu.memref_slice %arg3[%dma_wait3A_140] : memref<20000xf32, #tpu.memory_space<hbm>> -> memref<80xf32, #tpu.memory_space<hbm>>
    %dma_wait3A_142 = arith.constant 0 : i32
    %dma_wait3A_143 = tpu.memref_slice %arg6[%dma_wait3A_142] : memref<10000xf32, #tpu.memory_space<vmem>> -> memref<80xf32, #tpu.memory_space<vmem>>
    %dma_wait3A_144 = arith.constant 0 : i32
    %dma_wait3A_145 = tpu.memref_slice %arg3[%dma_wait3A_144] : memref<20000xf32, #tpu.memory_space<hbm>> -> memref<80xf32, #tpu.memory_space<hbm>>
    tpu.wait_dma2 semaphore(%arg8 : memref<!tpu.dma_semaphore, #tpu.memory_space<semaphore_mem>>) src(%dma_wait3A_145 : memref<80xf32, #tpu.memory_space<hbm>>) dst(%dma_wait3A_143 : memref<80xf32, #tpu.memory_space<vmem>>)
    %dma_wait3A_146 = arith.constant 0 : i32
    %dma_wait3A_147 = tpu.memref_slice %arg6[%dma_wait3A_146] : memref<10000xf32, #tpu.memory_space<vmem>> -> memref<80xf32, #tpu.memory_space<vmem>>
    %dma_wait3A_148 = arith.constant 0 : i32
    %dma_wait3A_149 = tpu.memref_slice %arg3[%dma_wait3A_148] : memref<20000xf32, #tpu.memory_space<hbm>> -> memref<80xf32, #tpu.memory_space<hbm>>
    %dma_wait3A_150 = arith.constant 0 : i32
    %dma_wait3A_151 = tpu.memref_slice %arg6[%dma_wait3A_150] : memref<10000xf32, #tpu.memory_space<vmem>> -> memref<80xf32, #tpu.memory_space<vmem>>
    %dma_wait3A_152 = arith.constant 0 : i32
    %dma_wait3A_153 = tpu.memref_slice %arg3[%dma_wait3A_152] : memref<20000xf32, #tpu.memory_space<hbm>> -> memref<80xf32, #tpu.memory_space<hbm>>
    tpu.wait_dma2 semaphore(%arg8 : memref<!tpu.dma_semaphore, #tpu.memory_space<semaphore_mem>>) src(%dma_wait3A_153 : memref<80xf32, #tpu.memory_space<hbm>>) dst(%dma_wait3A_151 : memref<80xf32, #tpu.memory_space<vmem>>)
    %dma_wait3A_154 = arith.constant 0 : i32
    %dma_wait3A_155 = tpu.memref_slice %arg6[%dma_wait3A_154] : memref<10000xf32, #tpu.memory_space<vmem>> -> memref<80xf32, #tpu.memory_space<vmem>>
    %dma_wait3A_156 = arith.constant 0 : i32
    %dma_wait3A_157 = tpu.memref_slice %arg3[%dma_wait3A_156] : memref<20000xf32, #tpu.memory_space<hbm>> -> memref<80xf32, #tpu.memory_space<hbm>>
    %dma_wait3A_158 = arith.constant 0 : i32
    %dma_wait3A_159 = tpu.memref_slice %arg6[%dma_wait3A_158] : memref<10000xf32, #tpu.memory_space<vmem>> -> memref<80xf32, #tpu.memory_space<vmem>>
    %dma_wait3A_160 = arith.constant 0 : i32
    %dma_wait3A_161 = tpu.memref_slice %arg3[%dma_wait3A_160] : memref<20000xf32, #tpu.memory_space<hbm>> -> memref<80xf32, #tpu.memory_space<hbm>>
    tpu.wait_dma2 semaphore(%arg8 : memref<!tpu.dma_semaphore, #tpu.memory_space<semaphore_mem>>) src(%dma_wait3A_161 : memref<80xf32, #tpu.memory_space<hbm>>) dst(%dma_wait3A_159 : memref<80xf32, #tpu.memory_space<vmem>>)
    %barrier3A_162 = arith.constant 0 : index
    tpu.barrier barrier_id(%barrier3A_162)
    %eq3A_163 = arith.constant 0 : i32
    %eq3A_164 = arith.cmpi eq, %arg1, %eq3A_163 : i32
    %convert_element_type3A_165 = arith.extui %eq3A_164 : i1 to i32
    %cond3A_166 = arith.constant 0 : i32
    %cond3A_167 = arith.cmpi ne, %convert_element_type3A_165, %cond3A_166 : i32
    scf.if %cond3A_167 {
      "tpu.region"() ({
        %run_scoped3A = tpu.sem_alloc : memref<!tpu.dma_semaphore, #tpu.memory_space<semaphore_mem>>
        tpu.enqueue_dma source(%arg7 : memref<10000xf32, #tpu.memory_space<vmem_shared>>) target(%arg6 : memref<10000xf32, #tpu.memory_space<vmem>>) target_semaphore(%run_scoped3A : memref<!tpu.dma_semaphore, #tpu.memory_space<semaphore_mem>>)
        tpu.wait_dma2 semaphore(%run_scoped3A : memref<!tpu.dma_semaphore, #tpu.memory_space<semaphore_mem>>) src(%arg7 : memref<10000xf32, #tpu.memory_space<vmem_shared>>) dst(%arg6 : memref<10000xf32, #tpu.memory_space<vmem>>)
        tpu.yield
      }) : () -> ()
      %mul3A = arith.constant 10000 : i32
      %mul3A_168 = arith.muli %arg0, %mul3A : i32
      "tpu.region"() ({
        %run_scoped3A = tpu.sem_alloc : memref<!tpu.dma_semaphore, #tpu.memory_space<semaphore_mem>>
        %dma_start3A = tpu.memref_slice %arg3[%mul3A_168] : memref<20000xf32, #tpu.memory_space<hbm>> -> memref<10000xf32, #tpu.memory_space<hbm>>
        %dma_start3A_169 = tpu.memref_slice %arg3[%mul3A_168] : memref<20000xf32, #tpu.memory_space<hbm>> -> memref<10000xf32, #tpu.memory_space<hbm>>
        tpu.enqueue_dma source(%arg6 : memref<10000xf32, #tpu.memory_space<vmem>>) target(%dma_start3A_169 : memref<10000xf32, #tpu.memory_space<hbm>>) target_semaphore(%run_scoped3A : memref<!tpu.dma_semaphore, #tpu.memory_space<semaphore_mem>>)
        %dma_wait3A_170 = tpu.memref_slice %arg3[%mul3A_168] : memref<20000xf32, #tpu.memory_space<hbm>> -> memref<10000xf32, #tpu.memory_space<hbm>>
        %dma_wait3A_171 = tpu.memref_slice %arg3[%mul3A_168] : memref<20000xf32, #tpu.memory_space<hbm>> -> memref<10000xf32, #tpu.memory_space<hbm>>
        tpu.wait_dma2 semaphore(%run_scoped3A : memref<!tpu.dma_semaphore, #tpu.memory_space<semaphore_mem>>) src(%arg6 : memref<10000xf32, #tpu.memory_space<vmem>>) dst(%dma_wait3A_171 : memref<10000xf32, #tpu.memory_space<hbm>>)
        tpu.yield
      }) : () -> ()
    } else {
    }
    return
  }
}

module attributes {stable_mosaic.version = 14 : i64} {
  func.func @body(%arg0: i32, %arg1: memref<1000x128xf32, #tpu.memory_space<vmem>>, %arg2: memref<1000x1xf32, #tpu.memory_space<vmem>>, %arg3: memref<1000x128xf32, #tpu.memory_space<vmem>>) attributes {dimension_semantics = [#tpu.dimension_semantics<arbitrary>], iteration_bounds = array<i64: 10>, scalar_prefetch = 0 : i64, scratch_operands = 0 : i64, tpu.core_type = #tpu.core_type<tc>, window_params = [{transform_indices = @transform_0, window_bounds = array<i64: 1000, 128>}, {transform_indices = @transform_1, window_bounds = array<i64: 1000, 1>}, {transform_indices = @transform_2, window_bounds = array<i64: 1000, 128>}]} {
    %get3A = arith.constant 0 : index
    %get3A_0 = arith.constant 0 : index
    %get3A_1 = vector.load %arg2[%get3A, %get3A_0] : memref<1000x1xf32, #tpu.memory_space<vmem>>, vector<1000x1xf32>
    %max3A = arith.constant 1.000000e+00 : f32
    %max3A_2 = vector.broadcast %max3A : f32 to vector<1000x1xf32>
    %max3A_3 = arith.maximumf %get3A_1, %max3A_2 : vector<1000x1xf32>
    %get3A_4 = arith.constant 0 : index
    %get3A_5 = arith.constant 0 : index
    %get3A_6 = vector.load %arg1[%get3A_4, %get3A_5] : memref<1000x128xf32, #tpu.memory_space<vmem>>, vector<1000x128xf32>
    %rsqrt3A = math.rsqrt %max3A_3 : vector<1000x1xf32>
    %mul3A = vector.broadcast %rsqrt3A : vector<1000x1xf32> to vector<1000x128xf32>
    %mul3A_7 = arith.mulf %get3A_6, %mul3A : vector<1000x128xf32>
    %swap3A = arith.constant 0 : index
    %swap3A_8 = arith.constant 0 : index
    %swap3A_9 = vector.load %arg3[%swap3A, %swap3A_8] : memref<1000x128xf32, #tpu.memory_space<vmem>>, vector<1000x128xf32>
    tpu.vector_store %arg3[%swap3A, %swap3A_8], %mul3A_7 {strides = array<i32>} : memref<1000x128xf32, #tpu.memory_space<vmem>>, vector<1000x128xf32>,
    return
  }
  func.func @transform_0(%arg0: i32) -> (i32, i32) {
    %c0_i32 = arith.constant 0 : i32
    %c0_i32_0 = arith.constant 0 : i32
    return %arg0, %c0_i32 : i32, i32
  }
  func.func @transform_1(%arg0: i32) -> (i32, i32) {
    %c0_i32 = arith.constant 0 : i32
    %c0_i32_0 = arith.constant 0 : i32
    return %arg0, %c0_i32 : i32, i32
  }
  func.func @transform_2(%arg0: i32) -> (i32, i32) {
    %c0_i32 = arith.constant 0 : i32
    %c0_i32_0 = arith.constant 0 : i32
    return %arg0, %c0_i32 : i32, i32
  }
}

module attributes {stable_mosaic.version = 14 : i64} {
  func.func @body(%arg0: i32, %arg1: memref<1000x128xf32, #tpu.memory_space<vmem>>, %arg2: memref<1000x128xf32, #tpu.memory_space<vmem>>, %arg3: memref<1000x1xf32, #tpu.memory_space<vmem>>, %arg4: memref<128x128xf32, #tpu.memory_space<vmem>>, %arg5: memref<1x128xf32, #tpu.memory_space<vmem>>, %arg6: memref<1000x128xf32, #tpu.memory_space<vmem>>) attributes {dimension_semantics = [#tpu.dimension_semantics<arbitrary>], iteration_bounds = array<i64: 10>, scalar_prefetch = 0 : i64, scratch_operands = 0 : i64, tpu.core_type = #tpu.core_type<tc>, window_params = [{transform_indices = @transform_0, window_bounds = array<i64: 1000, 128>}, {transform_indices = @transform_1, window_bounds = array<i64: 1000, 128>}, {transform_indices = @transform_2, window_bounds = array<i64: 1000, 1>}, {pipeline_mode = #tpu.pipeline_mode<synchronous>, transform_indices = @transform_3, window_bounds = array<i64: 128, 128>}, {pipeline_mode = #tpu.pipeline_mode<synchronous>, transform_indices = @transform_4, window_bounds = array<i64: 1, 128>}, {transform_indices = @transform_5, window_bounds = array<i64: 1000, 128>}]} {
    %get3A = arith.constant 0 : index
    %get3A_0 = arith.constant 0 : index
    %get3A_1 = vector.load %arg1[%get3A, %get3A_0] : memref<1000x128xf32, #tpu.memory_space<vmem>>, vector<1000x128xf32>
    %get3A_2 = arith.constant 0 : index
    %get3A_3 = arith.constant 0 : index
    %get3A_4 = vector.load %arg2[%get3A_2, %get3A_3] : memref<1000x128xf32, #tpu.memory_space<vmem>>, vector<1000x128xf32>
    %add3A = arith.addf %get3A_1, %get3A_4 : vector<1000x128xf32>
    %get3A_5 = arith.constant 0 : index
    %get3A_6 = arith.constant 0 : index
    %get3A_7 = vector.load %arg3[%get3A_5, %get3A_6] : memref<1000x1xf32, #tpu.memory_space<vmem>>, vector<1000x1xf32>
    %max3A = arith.constant 1.000000e+00 : f32
    %max3A_8 = vector.broadcast %max3A : f32 to vector<1000x1xf32>
    %max3A_9 = arith.maximumf %get3A_7, %max3A_8 : vector<1000x1xf32>
    %rsqrt3A = math.rsqrt %max3A_9 : vector<1000x1xf32>
    %mul3A = vector.broadcast %rsqrt3A : vector<1000x1xf32> to vector<1000x128xf32>
    %mul3A_10 = arith.mulf %add3A, %mul3A : vector<1000x128xf32>
    %get3A_11 = arith.constant 0 : index
    %get3A_12 = arith.constant 0 : index
    %get3A_13 = vector.load %arg4[%get3A_11, %get3A_12] : memref<128x128xf32, #tpu.memory_space<vmem>>, vector<128x128xf32>
    %dot_general3A = arith.constant dense<0.000000e+00> : vector<1000x128xf32>
    %dot_general3A_14 = tpu.matmul %mul3A_10, %get3A_13, %dot_general3A {dimension_numbers = #tpu.dot_dimension_numbers<[1], [0], [0], [1], [0, 0, 1, 1], [], []>, transpose_lhs_hint = false} : vector<1000x128xf32>, vector<128x128xf32>, vector<1000x128xf32> -> vector<1000x128xf32>
    %get3A_15 = arith.constant 0 : index
    %get3A_16 = arith.constant 0 : index
    %get3A_17 = vector.load %arg5[%get3A_15, %get3A_16] : memref<1x128xf32, #tpu.memory_space<vmem>>, vector<1x128xf32>
    %add3A_18 = vector.broadcast %get3A_17 : vector<1x128xf32> to vector<1000x128xf32>
    %add3A_19 = arith.addf %dot_general3A_14, %add3A_18 : vector<1000x128xf32>
    %max3A_20 = arith.constant 0.000000e+00 : f32
    %max3A_21 = vector.broadcast %max3A_20 : f32 to vector<1000x128xf32>
    %max3A_22 = arith.maximumf %add3A_19, %max3A_21 : vector<1000x128xf32>
    %swap3A = arith.constant 0 : index
    %swap3A_23 = arith.constant 0 : index
    %swap3A_24 = vector.load %arg6[%swap3A, %swap3A_23] : memref<1000x128xf32, #tpu.memory_space<vmem>>, vector<1000x128xf32>
    tpu.vector_store %arg6[%swap3A, %swap3A_23], %max3A_22 {strides = array<i32>} : memref<1000x128xf32, #tpu.memory_space<vmem>>, vector<1000x128xf32>,
    return
  }
  func.func @transform_0(%arg0: i32) -> (i32, i32) {
    %c0_i32 = arith.constant 0 : i32
    %c0_i32_0 = arith.constant 0 : i32
    return %arg0, %c0_i32 : i32, i32
  }
  func.func @transform_1(%arg0: i32) -> (i32, i32) {
    %c0_i32 = arith.constant 0 : i32
    %c0_i32_0 = arith.constant 0 : i32
    return %arg0, %c0_i32 : i32, i32
  }
  func.func @transform_2(%arg0: i32) -> (i32, i32) {
    %c0_i32 = arith.constant 0 : i32
    %c0_i32_0 = arith.constant 0 : i32
    return %arg0, %c0_i32 : i32, i32
  }
  func.func @transform_3(%arg0: i32) -> (i32, i32) {
    %c0_i32 = arith.constant 0 : i32
    %c0_i32_0 = arith.constant 0 : i32
    %c0_i32_1 = arith.constant 0 : i32
    return %c0_i32, %c0_i32_0 : i32, i32
  }
  func.func @transform_4(%arg0: i32) -> (i32, i32) {
    %c0_i32 = arith.constant 0 : i32
    %c0_i32_0 = arith.constant 0 : i32
    %c0_i32_1 = arith.constant 0 : i32
    return %c0_i32, %c0_i32_0 : i32, i32
  }
  func.func @transform_5(%arg0: i32) -> (i32, i32) {
    %c0_i32 = arith.constant 0 : i32
    %c0_i32_0 = arith.constant 0 : i32
    return %arg0, %c0_i32 : i32, i32
  }
}

</mosaic_0001>

<sc_bundles>
// kernel: kernel.6.cloned.1.call-start
scs
__scs_entry_jumppad:
0x0: {  	(pc) =	sbr.rel $0x88, $3  }
0x1: {  	(tag) =	ssettag $0x0;
	lr =	simm.s32 $0x1  }
0x2: {  	[smem:$0x3F9D] =	sst lr;
	_ =	strace $0xD0000000  }
0x3: {  	_ = 	snop  }
0x4: {  	_ = 	snop  }
0x5: {  	_ = 	snop  }
0x6: {  	_ = 	snop  }
0x7: {  	_ = 	snop  }
__scs_overlays_trampoline_lowered:
0x8: {  	[smem:$0x3FAC] =	sst s0  }
0x9: {  	[smem:$0x3FAD] =	sst s1  }
0xa: {  	[smem:$0x3FAE] =	sst s2  }
0xb: {  	[smem:$0x3FAF] =	sst s3  }
0xc: {  	[smem:$0x3FB0] =	sst s4  }
0xd: {  	[smem:$0x3FB1] =	sst s5  }
0xe: {  	[smem:$0x3FB2] =	sst s6  }
0xf: {  	[smem:$0x3FB3] =	sst s7  }
0x10: {  	[smem:$0x3FB4] =	sst s8  }
0x11: {  	[smem:$0x3FB5] =	sst s9;
	s0 =	simm.s32 @!p0 $0x0  }
0x12: {  	s1 =	sld [smem:$0x3F9B];
	s0 =	simm.s32 @p0 $0x1  }
0x13: {  	[smem:$0x3FB6] =	sst s0;
	s0 =	simm.s32 @!p1 $0x0  }
0x14: {  	s2 =	sld [smem:$0x3F9A];
	s0 =	simm.s32 @p1 $0x1  }
0x15: {  	[smem:$0x3FB7] =	sst s0;
	s0 =	simm.s32 @!p2 $0x0  }
0x16: {  	s3 =	sld [smem:$0x3FDB];
	s0 =	simm.s32 @p2 $0x1  }
0x17: {  	s4 =	simm.s32 $0x1BF5;
	[smem:$0x3FB9] =	sst s0  }
0x18: {  	s0 =	sld [smem:$0x3F9C];
	_ =	swait.ge [sflag:s4], $0x0  }
0x19: {  	s7 =	sld [smem:$0x3F9D]  }
0x1a: {  	s8 =	sadd.s32 $0xFFFFE003, lr  }
0x1b: {  	s9 =	sadd.s32 $0xFFFFFEF7, lr;
	s5 =	simm.s32 $0xFFFFFFFF;
	p2 =	slt.u32 s8, $0xFFFFF086  }
0x1c: {  	p1 =	slt.u32 s9, $0xF7A;
	s5 =	simm.s32 @!p2 $0x0  }
0x1d: {  	s5 =	simm.s32 @p1 $0x1;
	p0 =	seq.s32 s7, s2  }
0x1e: {  	s7 =	smul.u32 @!p0 $0xF7A, s2;
	p2 =	seq.s32 @!p0 s5, $0x0  }
0x1f: {  	s9 =	smul.u32 $0xF7A, s1;
	s8 =	simm.s32 @!p0 $0x1BF5;
	p2 =	por !p2, p0  }
0x20: {  	[sflag:s8] =	ssyncset.s32 @!p0 $0xFFFFF086;
	s6 =	sadd.s32 @!p0 s3, s7;
	s7 =	simm.s32 @!p0 $0x108  }
0x21: {  	s3 =	sadd.s32 s3, s9;
	s6 =	sadd.s32 @!p0 $0x88, s6;
	s7 =	simm.s32 @p2 $0x1082  }
0x22: {  	[simem:s7], [sflag:s8] =	dma.local @!p0 [hbm:s6], $0xF7A  }
0x23: {  	s9 =	sor.u32 $0xD0000000, s2;
	s6 =	simm.s32 $0x108;
	_ =	swait.ge @!p0 [sflag:s8], $0x0  }
0x24: {  	s3 =	sadd.s32 $0x88, s3;
	s6 =	simm.s32 @!p1 $0x1082;
	[sflag:s4] =	ssyncset.s32 $0xFFFFF086  }
0x25: {  	[simem:s6], [sflag:s4] =	dma.local [hbm:s3], $0xF7A  }
0x26: {  	[smem:$0x3F9D] =	sst s1;
	(tag) =	ssettag s2;
	_ =	strace s9  }
0x27: {  	s1 =	sld [smem:$0x3FAD]  }
0x28: {  	s2 =	sld [smem:$0x3FAE]  }
0x29: {  	s4 =	sld [smem:$0x3FB0]  }
0x2a: {  	p0 =	seq.s32 s5, $0x0;
	s5 =	sld [smem:$0x3FB1]  }
0x2b: {  	s6 =	sld [smem:$0x3FB2]  }
0x2c: {  	s7 =	sld [smem:$0x3FB3]  }
0x2d: {  	s3 =	simm.s32 $0x108;
	s8 =	sld [smem:$0x3FB4]  }
0x2e: {  	s3 =	simm.s32 @!p0 $0x1082;
	s9 =	sld [smem:$0x3FB5]  }
0x2f: {  	lr =	sadd.s32 s0, s3;
	s0 =	sld [smem:$0x3FAC]  }
0x30: {  	s3 =	sld [smem:$0x3FAF]  }
0x31: {  	[smem:$0x3FB8] =	sst s10  }
0x32: {  	s10 =	sld [smem:$0x3FB6];
	_ =	sdelay $0x3  }
0x33: {  	p0 =	seq.s32 s10, $0x1;
	s10 =	sld [smem:$0x3FB8];
	_ =	sdelay $0x3  }
0x34: {  	[smem:$0x3FB8] =	sst s10  }
0x35: {  	s10 =	sld [smem:$0x3FB7];
	_ =	sdelay $0x3  }
0x36: {  	p1 =	seq.s32 s10, $0x1;
	s10 =	sld [smem:$0x3FB8];
	_ =	sdelay $0x3  }
0x37: {  	[smem:$0x3FB8] =	sst s10  }
0x38: {  	s10 =	sld [smem:$0x3FB9]  }
0x39: {  	_ = 	snop;
	(pc) =	sbr.ind lr, $3  }
0x3a: {  	_ = 	snop  }
0x3b: {  	_ = 	snop  }
0x3c: {  	p2 =	seq.s32 s10, $0x1;
	s10 =	sld [smem:$0x3FB8]  }
0x3d: {  	_ =	shalt  }
0x3e: {  	_ =	shalt  }
0x3f: {  	_ =	shalt  }
0x40: {  	_ =	shalt  }
0x41: {  	_ =	shalt  }
0x42: {  	_ =	shalt  }
0x43: {  	_ =	shalt  }
0x44: {  	_ =	shalt  }
0x45: {  	_ =	shalt  }
0x46: {  	_ =	shalt  }
0x47: {  	_ =	shalt  }
0x48: {  	_ =	shalt  }
0x49: {  	_ =	shalt  }
0x4a: {  	_ =	shalt  }
0x4b: {  	_ =	shalt  }
0x4c: {  	_ =	shalt  }
0x4d: {  	_ =	shalt  }
0x4e: {  	_ =	shalt  }
0x4f: {  	_ =	shalt  }
0x50: {  	_ =	shalt  }
0x51: {  	_ =	shalt  }
0x52: {  	_ =	shalt  }
0x53: {  	_ =	shalt  }
0x54: {  	_ =	shalt  }
0x55: {  	_ =	shalt  }
0x56: {  	_ =	shalt  }
0x57: {  	_ =	shalt  }
0x58: {  	_ =	shalt  }
0x59: {  	_ =	shalt  }
0x5a: {  	_ =	shalt  }
0x5b: {  	_ =	shalt  }
0x5c: {  	_ =	shalt  }
0x5d: {  	_ =	shalt  }
0x5e: {  	_ =	shalt  }
0x5f: {  	_ =	shalt  }
0x60: {  	_ =	shalt  }
0x61: {  	_ =	shalt  }
0x62: {  	_ =	shalt  }
0x63: {  	_ =	shalt  }
0x64: {  	_ =	shalt  }
0x65: {  	_ =	shalt  }
0x66: {  	_ =	shalt  }
0x67: {  	_ =	shalt  }
0x68: {  	_ =	shalt  }
0x69: {  	_ =	shalt  }
0x6a: {  	_ =	shalt  }
0x6b: {  	_ =	shalt  }
0x6c: {  	_ =	shalt  }
0x6d: {  	_ =	shalt  }
0x6e: {  	_ =	shalt  }
0x6f: {  	_ =	shalt  }
0x70: {  	_ =	shalt  }
0x71: {  	_ =	shalt  }
0x72: {  	_ =	shalt  }
0x73: {  	_ =	shalt  }
0x74: {  	_ =	shalt  }
0x75: {  	_ =	shalt  }
0x76: {  	_ =	shalt  }
0x77: {  	_ =	shalt  }
0x78: {  	_ =	shalt  }
0x79: {  	_ =	shalt  }
0x7a: {  	_ =	shalt  }
0x7b: {  	_ =	shalt  }
0x7c: {  	_ =	shalt  }
0x7d: {  	_ =	shalt  }
0x7e: {  	_ =	shalt  }
0x7f: {  	_ =	shalt  }
0x80: {  	_ =	shalt  }
0x81: {  	_ =	shalt  }
0x82: {  	_ =	shalt  }
0x83: {  	_ =	shalt  }
0x84: {  	_ =	shalt  }
0x85: {  	_ =	shalt  }
0x86: {  	_ =	shalt  }
0x87: {  	_ =	shalt  }
.Lfunc_end0:
.L_simem_size_0:
called_computation_lowered:
.L_overlay_start_0:
0x88: {  	s2 =	sld [smem:$0x3FD9]  }
0x89: {  	s3 =	sld [smem:$0x3FFE];
	_ =	sdelay $0x1  }
0x8a: {  	s1 =	srdreg.scid  }
0x8b: {  	s0 =	sand.u32 $0x1, s1  }
0x8c: {  	s17 =	sshll.u32 s0, $0xA;
	s2 =	sadd.s32 s3, s2  }
0x8d: {  	s2 =	sadd.s32 s2, s17  }
0x8e: {  	[smem:$0x3FC4] =	sst s2  }
0x8f: {  	_ = 	snop  }
0x90: {  	s2 =	sld [smem:$0x3FD0];
	(tm) =	ssettm $0x1  }
0x91: {  	s18 =	sld [smem:$0x3FFB];
	_ =	sdelay $0x3  }
0x92: {  	_ =	strace s18  }
0x93: {  	s3 =	sld [smem:$0x3FFC];
	_ =	sdelay $0x3  }
0x94: {  	_ =	strace s3  }
0x95: {  	s3 =	sld [smem:$0x3FFD];
	_ =	sdelay $0x3  }
0x96: {  	_ =	strace s3  }
0x97: {  	_ =	strace $0x8FFFFFFF  }
0x98: {  	s19 =	sld [smem:$0x3FDB];
	_ =	sdelay $0x1  }
0x99: {  	s4 =	simm.s32 $_scs_section_size  }
0x9a: {  	s5 =	simm.s32 $_size__tile_overlayer_lowered;
	s6 =	simm.s32 $_tile_overlayer_lowered  }
0x9b: {  	s22 =	simm.s32 $0x1BFF;
	s21 =	sshll.u32 s6, $0x1;
	s3 =	sadd.s32 s4, s19  }
0x9c: {  	s7 =	simm.s32 $0x0;
	s20 =	sshll.u32 s5, $0x1;
	s5 =	sadd.s32 s21, s3  }
0x9d: {  	[timem:s7], [sflag:s22] =	dma.local [hbm:s5], s20  }
0x9e: {  	_ =	swait.ge [sflag:s22], s20  }
0x9f: {  	s4 =	ssub.s32 $0x0, s20;
	[sflag:s22] =	ssyncset.done $0x0  }
0xa0: {  	[sflag:s22] =	ssyncadd.s32 s4;
	_ =	sdelay $0x1  }
0xa1: {  	s23 =	simm.s32 $0x1B8B  }
0xa2: {  	_ =	swait.ge [sflag:s23], $0x1  }
0xa3: {  	[sflag:s23] =	ssyncset.done $0x0  }
0xa4: {  	s25 =	simm.s32 $0x1B8E;
	s24 =	sld [smem:$0x3FFE];
	[sflag:s23] =	ssyncadd.s32 $0xFFFFFFFF  }
0xa5: {  	s26 =	simm.s32 $execute0_lowered;
	[smem:$0x3FD2] =	sst s25  }
0xa6: {  	s5 =	sshll.u32 s26, $0x1;
	_ =	strace $0x80000046;
	[dreg:$0x1] =	wrdreg $0xFFFFFFFF  }
0xa7: {  	s28 =	simm.s32 $_size_execute0_lowered;
	s3 =	sadd.s32 s3, s5;
	[dreg:$0x0] =	wrdreg $0x0  }
0xa8: {  	s5 =	sshll.u32 s28, $0x1;
	[dreg:$0x2] =	wrdreg s3  }
0xa9: {  	[dreg:$0x3] =	wrdreg s5  }
0xaa: {  	[dreg:$0x4] =	wrdreg $0xC0  }
0xab: {  	_ =	task [dreg:s7], $0x5FFFF  }
0xac: {  	[dreg:$0x1] =	wrdreg $0xFFFFFFFF  }
0xad: {  	[dreg:$0x0] =	wrdreg $0x60  }
0xae: {  	[dreg:$0x2] =	wrdreg s2  }
0xaf: {  	[dreg:$0x3] =	wrdreg s24  }
0xb0: {  	[dreg:$0x4] =	wrdreg $0xA8000  }
0xb1: {  	[dreg:$0x5] =	wrdreg $0x9  }
0xb2: {  	_ =	task.clear_ibuf [dreg:s7], $0x6FFFF;
	_ =	strace $0x90000046  }
0xb3: {  	s29 =	simm.s32 $0x9;
	_ =	strace $0x80000048  }
0xb4: {  	_ =	swait.ge [sflag:s29], $0x1  }
0xb5: {  	[sflag:s29] =	ssyncadd.s32 $0xFFFFFFFF  }
0xb6: {  	_ =	strace $0x90000048  }
0xb7: {  	_ =	sfence  }
0xb8: {  	s30 =	sld [smem:$0x0];
	_ =	sdelay $0x2  }
0xb9: {  	s31 =	sshll.u32 s1, $0xD;
	s1 =	sshrl.u32 s1, $0x2  }
0xba: {  	s3 =	sand.u32 $0x4000, s31;
	s1 =	sadd.s32 s1, s30  }
0xbb: {  	s0 =	sor.u32 s3, s0;
	s1 =	sshll.u32 s1, $0x11  }
0xbc: {  	s0 =	sor.u32 s1, s0  }
0xbd: {  	s0 =	sadd.s32 $0x8F2B, s0  }
0xbe: {  	[sflag:s0] =	ssyncadd.remote.s32 $0x1  }
0xbf: {  	_ =	sfence.sel $0xFFFF  }
0xc0: {  	[dreg:$0x0] =	wrdreg $0xFFFFFFFF;
	(pc) =	sbr.abs _section_cstart, $3  }
0xc1: {  	[dreg:$0x1] =	wrdreg $0xFFFFFFFF  }
0xc2: {  	_ =	task.clear_ibuf [dreg:s7], $0x2FFFF;
	_ =	strace $0x9FFFFFFF  }
0xc3: {  	(tm) =	ssettm $0x7FFFFFFF  }
tec
execute0_lowered:
.L_overlay_start_1:
0x0: {  	(tag) =	ssettag $0x1  }
0x1: {  	s3 =	rddreg [dreg:$0x0]  }
0x2: {  	s4 =	rddreg [dreg:$0x1]  }
0x3: {  	s1 =	rddreg [dreg:$0x2]  }
0x4: {  	s5 =	srdreg.scid;
	s0 =	rddreg [dreg:$0x3];
	s2 =	simm.s32 $0x0  }
0x5: {  	s7 =	stileid.u32;
	s10 =	simm.s32 $0x1;
	s5 =	sand.u32 $0x1, s5  }
0x6: {  	[smem:$0x7FF] =	sst s2;
	s9 =	sshll.u32 s7, $0xC;
	p0 =	sne.s32 s7, $0x0  }
0x7: {  	s7 =	simm.s32 $0x2;
	s6 =	smul.u32 $0x4E2, s5;
	_ =	strace $0x80000047  }
0x8: {  	s8 =	ssub.s32 $0x2, s5;
	s5 =	sshll.u32 s5, $0x10;
	s3 =	sadd.s32 s3, s9  }
0x9: {  	s9 =	simm.s32 $0x8000;
	s31 =	sshrl.u32 s8, $0x1;
	s3 =	sadd.s32 s5, s3  }
0xa: {  	s4 =	sadd.s32 s6, s4;
	s6 =	ssub.s32 s8, s31;
	s8 =	simm.s32 $0x50  }
0xb: {  	v0 =	vimm.f32 $1.000000000e+00;
	v1 =	vimm.f32 $0.0e+00;
	s4 =	sadd.s32 $0x1C00, s4;
	s5 =	smax.u32 s6, $0x1;
	s6 =	simm.s32 $0x8080  }
.LBB2_1:
.Ltmp0:
0xc: {  	[tilespmem:$0x8000] =	vst v0;
	(pc) =	sbr.rel @p0 .LBB2_5-.Ltmp0, $4  }
0xd: {  	[tilespmem:$0x8010] =	vst v0  }
0xe: {  	[tilespmem:$0x8020] =	vst v0  }
0xf: {  	[tilespmem:$0x8030] =	vst v0  }
0x10: {  	[tilespmem:$0x8040] =	vst v0  }
0x11: {  	s11 =	simm.s32 $0x40;
	s12 =	simm.s32 $0x0  }
.LBB2_3:
0x12: {  	p1 =	sne.s32 s11, $0x9C00;
	[tilespmem:s12+$0x8080] =	vst v1;
	s12 =	smov.u32 s11;
	s11 =	sadd.s32 $0x40, s11  }
.Ltmp1:
0x13: {  	(pc) =	sbr.rel @p1 .LBB2_3-.Ltmp1, $2  }
0x14: {  	_ =	sdelay $0x2  }
0x15: {  	s12 =	sshra.s32 s12, $0x2  }
0x16: {  	[tilespmem:s12+$0x8080] =	vst v1  }
0x17: {  	[spmem:s1] =	stream.linear.scatter [tilespmem:s6], [sflag:$0x2], $0x2780, $0x38;
	[tilespmem:$0xAA78] =	vst v63  }
0x18: {  	_ =	swait.ge [sflag:s7], $0x2780  }
0x19: {  	[sflag:s7] =	ssyncset.done $0x0  }
0x1a: {  	[sflag:s7] =	ssyncadd.s32 $0xFFFFD880  }
.LBB2_5:
0x1b: {  	[bflag:$0x0] =	sbarrier.arrive $0xFFFF;
	s11 =	simm.s32 $0x0  }
0x1c: {  	[tilespmem:s11], [sflag:$0x2] =	stream.linear.gather [hbm4b:s3+s11], $0x7D00, $0x38;
	[tilespmem:$0xAA78] =	vst v63  }
0x1d: {  	_ =	swait.ge [sflag:s7], $0x7D00  }
0x1e: {  	p1 =	por $0x1, $0x1;
	[sflag:s7] =	ssyncset.done $0x0  }
0x1f: {  	s13 =	simm.s32 @!p1 $0x1;
	[sflag:s7] =	ssyncadd.s32 $0xFFFF8300  }
0x20: {  	[spmem:s1] =	stream.indirect.scatter.add.f32 [tilespmem:s9], [sflag:$0x1], $0x1, s11, s8, $0xb8;
	[tilespmem:$0xAA78] =	vst v63  }
0x21: {  	_ =	swait.ge @!p1 [sflag:s13], $0x50  }
0x22: {  	s12 =	simm.s32 $0x1;
	[sflag:s13] =	ssyncset.done @!p1 $0x0  }
.LBB2_6:
0x23: {  	[sflag:s13] =	ssyncadd.s32 @!p1 $0xFFFFFFB0  }
0x24: {  	s11 =	sadd.s32 $0x80, s11;
	s13 =	smov.u32 s12;
	s12 =	sadd.s32 $0x1, s12  }
0x25: {  	p2 =	sne.s32 s12, $0xFA  }
0x26: {  	[spmem:s1] =	stream.indirect.scatter.add.f32 [tilespmem:s9], [sflag:$0x1], $0x1, s11, s8, $0xb8;
	[tilespmem:$0xAA78] =	vst v63  }
.Ltmp2:
0x27: {  	_ = 	snop;
	(pc) =	sbr.rel @p2 .LBB2_6-.Ltmp2, $4  }
0x28: {  	p1 =	slt.u32 s13, $0x10  }
0x29: {  	s13 =	simm.s32 @!p1 $0x1  }
0x2a: {  	_ =	swait.ge @!p1 [sflag:s13], $0x50  }
0x2b: {  	[sflag:s13] =	ssyncset.done @!p1 $0x0  }
0x2c: {  	[sflag:s13] =	ssyncadd.s32 @!p1 $0xFFFFFFB0  }
0x2d: {  	_ =	swait.ge [sflag:s10], $0x50  }
0x2e: {  	[sflag:s10] =	ssyncset.done $0x0  }
0x2f: {  	[sflag:s10] =	ssyncadd.s32 $0xFFFFFFB0  }
0x30: {  	_ =	swait.ge [sflag:s10], $0x50  }
0x31: {  	[sflag:s10] =	ssyncset.done $0x0  }
0x32: {  	[sflag:s10] =	ssyncadd.s32 $0xFFFFFFB0  }
0x33: {  	_ =	swait.ge [sflag:s10], $0x50  }
0x34: {  	[sflag:s10] =	ssyncset.done $0x0  }
0x35: {  	[sflag:s10] =	ssyncadd.s32 $0xFFFFFFB0  }
0x36: {  	_ =	swait.ge [sflag:s10], $0x50  }
0x37: {  	[sflag:s10] =	ssyncset.done $0x0  }
0x38: {  	[sflag:s10] =	ssyncadd.s32 $0xFFFFFFB0  }
0x39: {  	_ =	swait.ge [sflag:s10], $0x50  }
0x3a: {  	[sflag:s10] =	ssyncset.done $0x0  }
0x3b: {  	[sflag:s10] =	ssyncadd.s32 $0xFFFFFFB0  }
0x3c: {  	_ =	swait.ge [sflag:s10], $0x50  }
0x3d: {  	[sflag:s10] =	ssyncset.done $0x0  }
0x3e: {  	[sflag:s10] =	ssyncadd.s32 $0xFFFFFFB0  }
0x3f: {  	_ =	swait.ge [sflag:s10], $0x50  }
0x40: {  	[sflag:s10] =	ssyncset.done $0x0  }
0x41: {  	[sflag:s10] =	ssyncadd.s32 $0xFFFFFFB0  }
0x42: {  	_ =	swait.ge [sflag:s10], $0x50  }
0x43: {  	[sflag:s10] =	ssyncset.done $0x0  }
0x44: {  	[sflag:s10] =	ssyncadd.s32 $0xFFFFFFB0  }
0x45: {  	_ =	swait.ge [sflag:s10], $0x50  }
0x46: {  	[sflag:s10] =	ssyncset.done $0x0  }
0x47: {  	[sflag:s10] =	ssyncadd.s32 $0xFFFFFFB0  }
0x48: {  	_ =	swait.ge [sflag:s10], $0x50  }
0x49: {  	[sflag:s10] =	ssyncset.done $0x0  }
0x4a: {  	[sflag:s10] =	ssyncadd.s32 $0xFFFFFFB0  }
0x4b: {  	_ =	swait.ge [sflag:s10], $0x50  }
0x4c: {  	[sflag:s10] =	ssyncset.done $0x0  }
0x4d: {  	[sflag:s10] =	ssyncadd.s32 $0xFFFFFFB0  }
0x4e: {  	_ =	swait.ge [sflag:s10], $0x50  }
0x4f: {  	[sflag:s10] =	ssyncset.done $0x0  }
0x50: {  	[sflag:s10] =	ssyncadd.s32 $0xFFFFFFB0  }
0x51: {  	_ =	swait.ge [sflag:s10], $0x50  }
0x52: {  	[sflag:s10] =	ssyncset.done $0x0  }
0x53: {  	[sflag:s10] =	ssyncadd.s32 $0xFFFFFFB0  }
0x54: {  	_ =	swait.ge [sflag:s10], $0x50  }
0x55: {  	[sflag:s10] =	ssyncset.done $0x0  }
0x56: {  	[sflag:s10] =	ssyncadd.s32 $0xFFFFFFB0  }
0x57: {  	_ =	swait.ge [sflag:s10], $0x50  }
0x58: {  	[sflag:s10] =	ssyncset.done $0x0  }
0x59: {  	[sflag:s10] =	ssyncadd.s32 $0xFFFFFFB0  }
0x5a: {  	_ =	swait.ge [sflag:s10], $0x50  }
0x5b: {  	[sflag:s10] =	ssyncset.done $0x0  }
0x5c: {  	[sflag:s10] =	ssyncadd.s32 $0xFFFFFFB0  }
0x5d: {  	s11 =	simm.s32 @!p0 $0x8080;
	s12 =	simm.s32 @!p0 $0x2;
	[bflag:$0x0] =	sbarrier.arrive $0xFFFF  }
0x5e: {  	[tilespmem:s11], [sflag:$0x2] =	stream.linear.gather @!p0 [spmem:s1], $0x2780, $0x38;
	[tilespmem:$0xAA78] =	vst v63  }
0x5f: {  	s2 =	sadd.s32 $0x1, s2;
	_ =	swait.ge @!p0 [sflag:s12], $0x2780  }
0x60: {  	p1 =	sne.s32 s2, s5;
	[sflag:s12] =	ssyncset.done @!p0 $0x0  }
.Ltmp3:
0x61: {  	s13 =	simm.s32 @!p0 $0x0;
	[sflag:s12] =	ssyncadd.s32 @!p0 $0xFFFFD880;
	(pc) =	sbr.rel @p1 .LBB2_1-.Ltmp3, $4  }
0x62: {  	[hbm4b:s4+s13] =	stream.linear.scatter @!p0 [tilespmem:s11], [sflag:$0x2], $0x2710, $0x38;
	[tilespmem:$0xAA78] =	vst v63  }
0x63: {  	_ =	swait.ge @!p0 [sflag:s12], $0x2710  }
0x64: {  	[sflag:s12] =	ssyncset.done @!p0 $0x0  }
0x65: {  	[sflag:s12] =	ssyncadd.s32 @!p0 $0xFFFFD8F0  }
0x66: {  	_ =	sfence.sel $0x180000  }
0x67: {  	[bflag:$0x0] =	sbarrier.arrive $0xFFFF  }
0x68: {  	_ =	strace $0x90000047  }
0x69: {  	s0 =	sadd.s32 @!p0 $0x100000, s0;
	[bflag:$0x2] =	sbarrier.arrive $0xFFFF  }
0x6a: {  	[sflag:s0] =	ssyncadd.tile.s32 @!p0 $0x1;
	_ =	shalt  }
.Lfunc_end2:
_tile_overlayer_lowered:
.L_overlay_start_2:
0x6b: {  	(tag) =	ssettag $0x2  }
0x6c: {  	s0 =	rddreg [dreg:$0x0];
	s2 =	stileid.u32  }
0x6d: {  	s1 =	rddreg [dreg:$0x1];
	p0 =	sne.s32 s2, $0x0  }
0x6e: {  	s3 =	rddreg [dreg:$0x2];
	[bflag:$0x3] =	sbarrier.arrive $0xFFFF;
	s2 =	simm.s32 @!p0 $0x1C02  }
0x6f: {  	[timem:s3], [sflag:s2] =	dma.local @!p0 [hbm:s0], s1  }
0x70: {  	s0 =	simm.s32 @!p0 $0x2  }
0x71: {  	_ =	swait.ge @!p0 [sflag:s0], s1  }
0x72: {  	s1 =	ssub.s32 @!p0 $0x0, s1;
	[sflag:s0] =	ssyncset.done @!p0 $0x0  }
0x73: {  	[sflag:s0] =	ssyncadd.s32 @!p0 s1  }
0x74: {  	[bflag:$0x3] =	sbarrier.arrive $0xFFFF  }
0x75: {  	_ =	shalt  }

// kernel: kernel.9.cloned.1.call-start
scs
__scs_entry_jumppad:
0x0: {  	(pc) =	sbr.rel $0x88, $3  }
0x1: {  	(tag) =	ssettag $0x0;
	lr =	simm.s32 $0x1  }
0x2: {  	[smem:$0x3F9D] =	sst lr;
	_ =	strace $0xD0000000  }
0x3: {  	_ = 	snop  }
0x4: {  	_ = 	snop  }
0x5: {  	_ = 	snop  }
0x6: {  	_ = 	snop  }
0x7: {  	_ = 	snop  }
__scs_overlays_trampoline_lowered:
0x8: {  	[smem:$0x3FAC] =	sst s0  }
0x9: {  	[smem:$0x3FAD] =	sst s1  }
0xa: {  	[smem:$0x3FAE] =	sst s2  }
0xb: {  	[smem:$0x3FAF] =	sst s3  }
0xc: {  	[smem:$0x3FB0] =	sst s4  }
0xd: {  	[smem:$0x3FB1] =	sst s5  }
0xe: {  	[smem:$0x3FB2] =	sst s6  }
0xf: {  	[smem:$0x3FB3] =	sst s7  }
0x10: {  	[smem:$0x3FB4] =	sst s8  }
0x11: {  	[smem:$0x3FB5] =	sst s9;
	s0 =	simm.s32 @!p0 $0x0  }
0x12: {  	s1 =	sld [smem:$0x3F9B];
	s0 =	simm.s32 @p0 $0x1  }
0x13: {  	[smem:$0x3FB6] =	sst s0;
	s0 =	simm.s32 @!p1 $0x0  }
0x14: {  	s2 =	sld [smem:$0x3F9A];
	s0 =	simm.s32 @p1 $0x1  }
0x15: {  	[smem:$0x3FB7] =	sst s0;
	s0 =	simm.s32 @!p2 $0x0  }
0x16: {  	s3 =	sld [smem:$0x3FDB];
	s0 =	simm.s32 @p2 $0x1  }
0x17: {  	s4 =	simm.s32 $0x1BF5;
	[smem:$0x3FB9] =	sst s0  }
0x18: {  	s0 =	sld [smem:$0x3F9C];
	_ =	swait.ge [sflag:s4], $0x0  }
0x19: {  	s7 =	sld [smem:$0x3F9D]  }
0x1a: {  	s8 =	sadd.s32 $0xFFFFE003, lr  }
0x1b: {  	s9 =	sadd.s32 $0xFFFFFEF7, lr;
	s5 =	simm.s32 $0xFFFFFFFF;
	p2 =	slt.u32 s8, $0xFFFFF086  }
0x1c: {  	p1 =	slt.u32 s9, $0xF7A;
	s5 =	simm.s32 @!p2 $0x0  }
0x1d: {  	s5 =	simm.s32 @p1 $0x1;
	p0 =	seq.s32 s7, s2  }
0x1e: {  	s7 =	smul.u32 @!p0 $0xF7A, s2;
	p2 =	seq.s32 @!p0 s5, $0x0  }
0x1f: {  	s9 =	smul.u32 $0xF7A, s1;
	s8 =	simm.s32 @!p0 $0x1BF5;
	p2 =	por !p2, p0  }
0x20: {  	[sflag:s8] =	ssyncset.s32 @!p0 $0xFFFFF086;
	s6 =	sadd.s32 @!p0 s3, s7;
	s7 =	simm.s32 @!p0 $0x108  }
0x21: {  	s3 =	sadd.s32 s3, s9;
	s6 =	sadd.s32 @!p0 $0x88, s6;
	s7 =	simm.s32 @p2 $0x1082  }
0x22: {  	[simem:s7], [sflag:s8] =	dma.local @!p0 [hbm:s6], $0xF7A  }
0x23: {  	s9 =	sor.u32 $0xD0000000, s2;
	s6 =	simm.s32 $0x108;
	_ =	swait.ge @!p0 [sflag:s8], $0x0  }
0x24: {  	s3 =	sadd.s32 $0x88, s3;
	s6 =	simm.s32 @!p1 $0x1082;
	[sflag:s4] =	ssyncset.s32 $0xFFFFF086  }
0x25: {  	[simem:s6], [sflag:s4] =	dma.local [hbm:s3], $0xF7A  }
0x26: {  	[smem:$0x3F9D] =	sst s1;
	(tag) =	ssettag s2;
	_ =	strace s9  }
0x27: {  	s1 =	sld [smem:$0x3FAD]  }
0x28: {  	s2 =	sld [smem:$0x3FAE]  }
0x29: {  	s4 =	sld [smem:$0x3FB0]  }
0x2a: {  	p0 =	seq.s32 s5, $0x0;
	s5 =	sld [smem:$0x3FB1]  }
0x2b: {  	s6 =	sld [smem:$0x3FB2]  }
0x2c: {  	s7 =	sld [smem:$0x3FB3]  }
0x2d: {  	s3 =	simm.s32 $0x108;
	s8 =	sld [smem:$0x3FB4]  }
0x2e: {  	s3 =	simm.s32 @!p0 $0x1082;
	s9 =	sld [smem:$0x3FB5]  }
0x2f: {  	lr =	sadd.s32 s0, s3;
	s0 =	sld [smem:$0x3FAC]  }
0x30: {  	s3 =	sld [smem:$0x3FAF]  }
0x31: {  	[smem:$0x3FB8] =	sst s10  }
0x32: {  	s10 =	sld [smem:$0x3FB6];
	_ =	sdelay $0x3  }
0x33: {  	p0 =	seq.s32 s10, $0x1;
	s10 =	sld [smem:$0x3FB8];
	_ =	sdelay $0x3  }
0x34: {  	[smem:$0x3FB8] =	sst s10  }
0x35: {  	s10 =	sld [smem:$0x3FB7];
	_ =	sdelay $0x3  }
0x36: {  	p1 =	seq.s32 s10, $0x1;
	s10 =	sld [smem:$0x3FB8];
	_ =	sdelay $0x3  }
0x37: {  	[smem:$0x3FB8] =	sst s10  }
0x38: {  	s10 =	sld [smem:$0x3FB9]  }
0x39: {  	_ = 	snop;
	(pc) =	sbr.ind lr, $3  }
0x3a: {  	_ = 	snop  }
0x3b: {  	_ = 	snop  }
0x3c: {  	p2 =	seq.s32 s10, $0x1;
	s10 =	sld [smem:$0x3FB8]  }
0x3d: {  	_ =	shalt  }
0x3e: {  	_ =	shalt  }
0x3f: {  	_ =	shalt  }
0x40: {  	_ =	shalt  }
0x41: {  	_ =	shalt  }
0x42: {  	_ =	shalt  }
0x43: {  	_ =	shalt  }
0x44: {  	_ =	shalt  }
0x45: {  	_ =	shalt  }
0x46: {  	_ =	shalt  }
0x47: {  	_ =	shalt  }
0x48: {  	_ =	shalt  }
0x49: {  	_ =	shalt  }
0x4a: {  	_ =	shalt  }
0x4b: {  	_ =	shalt  }
0x4c: {  	_ =	shalt  }
0x4d: {  	_ =	shalt  }
0x4e: {  	_ =	shalt  }
0x4f: {  	_ =	shalt  }
0x50: {  	_ =	shalt  }
0x51: {  	_ =	shalt  }
0x52: {  	_ =	shalt  }
0x53: {  	_ =	shalt  }
0x54: {  	_ =	shalt  }
0x55: {  	_ =	shalt  }
0x56: {  	_ =	shalt  }
0x57: {  	_ =	shalt  }
0x58: {  	_ =	shalt  }
0x59: {  	_ =	shalt  }
0x5a: {  	_ =	shalt  }
0x5b: {  	_ =	shalt  }
0x5c: {  	_ =	shalt  }
0x5d: {  	_ =	shalt  }
0x5e: {  	_ =	shalt  }
0x5f: {  	_ =	shalt  }
0x60: {  	_ =	shalt  }
0x61: {  	_ =	shalt  }
0x62: {  	_ =	shalt  }
0x63: {  	_ =	shalt  }
0x64: {  	_ =	shalt  }
0x65: {  	_ =	shalt  }
0x66: {  	_ =	shalt  }
0x67: {  	_ =	shalt  }
0x68: {  	_ =	shalt  }
0x69: {  	_ =	shalt  }
0x6a: {  	_ =	shalt  }
0x6b: {  	_ =	shalt  }
0x6c: {  	_ =	shalt  }
0x6d: {  	_ =	shalt  }
0x6e: {  	_ =	shalt  }
0x6f: {  	_ =	shalt  }
0x70: {  	_ =	shalt  }
0x71: {  	_ =	shalt  }
0x72: {  	_ =	shalt  }
0x73: {  	_ =	shalt  }
0x74: {  	_ =	shalt  }
0x75: {  	_ =	shalt  }
0x76: {  	_ =	shalt  }
0x77: {  	_ =	shalt  }
0x78: {  	_ =	shalt  }
0x79: {  	_ =	shalt  }
0x7a: {  	_ =	shalt  }
0x7b: {  	_ =	shalt  }
0x7c: {  	_ =	shalt  }
0x7d: {  	_ =	shalt  }
0x7e: {  	_ =	shalt  }
0x7f: {  	_ =	shalt  }
0x80: {  	_ =	shalt  }
0x81: {  	_ =	shalt  }
0x82: {  	_ =	shalt  }
0x83: {  	_ =	shalt  }
0x84: {  	_ =	shalt  }
0x85: {  	_ =	shalt  }
0x86: {  	_ =	shalt  }
0x87: {  	_ =	shalt  }
.Lfunc_end0:
.L_simem_size_0:
called_computation.1_lowered:
.L_overlay_start_0:
0x88: {  	s2 =	sld [smem:$0x3FD9]  }
0x89: {  	s3 =	sld [smem:$0x3FFE];
	_ =	sdelay $0x1  }
0x8a: {  	s1 =	srdreg.scid  }
0x8b: {  	s0 =	sand.u32 $0x1, s1  }
0x8c: {  	s17 =	sshll.u32 s0, $0xA;
	s2 =	sadd.s32 s3, s2  }
0x8d: {  	s2 =	sadd.s32 s2, s17  }
0x8e: {  	[smem:$0x3FC4] =	sst s2  }
0x8f: {  	_ = 	snop  }
0x90: {  	s2 =	sld [smem:$0x3FD0];
	(tm) =	ssettm $0x1  }
0x91: {  	s18 =	sld [smem:$0x3FFB];
	_ =	sdelay $0x3  }
0x92: {  	_ =	strace s18  }
0x93: {  	s3 =	sld [smem:$0x3FFC];
	_ =	sdelay $0x3  }
0x94: {  	_ =	strace s3  }
0x95: {  	s3 =	sld [smem:$0x3FFD];
	_ =	sdelay $0x3  }
0x96: {  	_ =	strace s3  }
0x97: {  	_ =	strace $0x8FFFFFFF  }
0x98: {  	s19 =	sld [smem:$0x3FDB];
	_ =	sdelay $0x1  }
0x99: {  	s4 =	simm.s32 $_scs_section_size  }
0x9a: {  	s5 =	simm.s32 $_size__tile_overlayer_lowered;
	s6 =	simm.s32 $_tile_overlayer_lowered  }
0x9b: {  	s22 =	simm.s32 $0x1BFF;
	s21 =	sshll.u32 s6, $0x1;
	s3 =	sadd.s32 s4, s19  }
0x9c: {  	s7 =	simm.s32 $0x0;
	s20 =	sshll.u32 s5, $0x1;
	s5 =	sadd.s32 s21, s3  }
0x9d: {  	[timem:s7], [sflag:s22] =	dma.local [hbm:s5], s20  }
0x9e: {  	_ =	swait.ge [sflag:s22], s20  }
0x9f: {  	s4 =	ssub.s32 $0x0, s20;
	[sflag:s22] =	ssyncset.done $0x0  }
0xa0: {  	[sflag:s22] =	ssyncadd.s32 s4;
	_ =	sdelay $0x1  }
0xa1: {  	s23 =	simm.s32 $0x1B8B  }
0xa2: {  	_ =	swait.ge [sflag:s23], $0x1  }
0xa3: {  	[sflag:s23] =	ssyncset.done $0x0  }
0xa4: {  	s25 =	simm.s32 $0x1B8E;
	s24 =	sld [smem:$0x3FFE];
	[sflag:s23] =	ssyncadd.s32 $0xFFFFFFFF  }
0xa5: {  	s26 =	simm.s32 $execute0_lowered;
	[smem:$0x3FD2] =	sst s25  }
0xa6: {  	s5 =	sshll.u32 s26, $0x1;
	_ =	strace $0x80000049;
	[dreg:$0x1] =	wrdreg $0xFFFFFFFF  }
0xa7: {  	s28 =	simm.s32 $_size_execute0_lowered;
	s3 =	sadd.s32 s3, s5;
	[dreg:$0x0] =	wrdreg $0x0  }
0xa8: {  	s5 =	sshll.u32 s28, $0x1;
	[dreg:$0x2] =	wrdreg s3  }
0xa9: {  	[dreg:$0x3] =	wrdreg s5  }
0xaa: {  	[dreg:$0x4] =	wrdreg $0xC0  }
0xab: {  	_ =	task [dreg:s7], $0x5FFFF  }
0xac: {  	[dreg:$0x1] =	wrdreg $0xFFFFFFFF  }
0xad: {  	[dreg:$0x0] =	wrdreg $0x60  }
0xae: {  	[dreg:$0x2] =	wrdreg s2  }
0xaf: {  	[dreg:$0x3] =	wrdreg s24  }
0xb0: {  	[dreg:$0x4] =	wrdreg $0xB4000  }
0xb1: {  	[dreg:$0x5] =	wrdreg $0x9  }
0xb2: {  	_ =	task.clear_ibuf [dreg:s7], $0x6FFFF;
	_ =	strace $0x90000049  }
0xb3: {  	s29 =	simm.s32 $0x9;
	_ =	strace $0x8000004B  }
0xb4: {  	_ =	swait.ge [sflag:s29], $0x1  }
0xb5: {  	[sflag:s29] =	ssyncadd.s32 $0xFFFFFFFF  }
0xb6: {  	_ =	strace $0x9000004B  }
0xb7: {  	_ =	sfence  }
0xb8: {  	s30 =	sld [smem:$0x0];
	_ =	sdelay $0x2  }
0xb9: {  	s31 =	sshll.u32 s1, $0xD;
	s1 =	sshrl.u32 s1, $0x2  }
0xba: {  	s3 =	sand.u32 $0x4000, s31;
	s1 =	sadd.s32 s1, s30  }
0xbb: {  	s0 =	sor.u32 s3, s0;
	s1 =	sshll.u32 s1, $0x11  }
0xbc: {  	s0 =	sor.u32 s1, s0  }
0xbd: {  	s0 =	sadd.s32 $0x8F2B, s0  }
0xbe: {  	[sflag:s0] =	ssyncadd.remote.s32 $0x1  }
0xbf: {  	_ =	sfence.sel $0xFFFF  }
0xc0: {  	[dreg:$0x0] =	wrdreg $0xFFFFFFFF;
	(pc) =	sbr.abs _section_cstart, $3  }
0xc1: {  	[dreg:$0x1] =	wrdreg $0xFFFFFFFF  }
0xc2: {  	_ =	task.clear_ibuf [dreg:s7], $0x2FFFF;
	_ =	strace $0x9FFFFFFF  }
0xc3: {  	(tm) =	ssettm $0x7FFFFFFF  }
tec
execute0_lowered:
.L_overlay_start_1:
0x0: {  	(tag) =	ssettag $0x1  }
0x1: {  	s1 =	rddreg [dreg:$0x0]  }
0x2: {  	s0 =	rddreg [dreg:$0x1]  }
0x3: {  	s2 =	rddreg [dreg:$0x2];
	s17 =	simm.s32 $0x0;
	s3 =	srdreg.scid  }
0x4: {  	s9 =	stileid.u32;
	s12 =	simm.s32 $0xB000;
	s13 =	simm.s32 $0xD  }
0x5: {  	s14 =	simm.s32 $0x1C00;
	s15 =	simm.s32 $0x28;
	s16 =	simm.s32 $0x3800  }
0x6: {  	s18 =	simm.s32 $0x4C00;
	s20 =	simm.s32 $0x6000;
	s22 =	simm.s32 $0x7400  }
0x7: {  	s28 =	simm.s32 $0x2;
	s31 =	simm.s32 $0x9C00;
	s11 =	simm.s32 $0x4  }
0x8: {  	s19 =	simm.s32 $0x9;
	s30 =	simm.s32 $0xA;
	s10 =	simm.s32 $0xC  }
0x9: {  	[smem:$0x7FF] =	sst s17;
	s3 =	sand.u32 $0x1, s3;
	s6 =	smul.u32 $0x4E000, s9  }
0xa: {  	s5 =	sadd.s32 $0x2600, s0;
	s0 =	sadd.s32 $0x48600, s0;
	s23 =	smul.u32 $0x13800, s9  }
0xb: {  	p0 =	seq.s32 s9, $0xF;
	_ =	strace $0x8000004A;
	s4 =	ssub.s32 $0x2, s3  }
0xc: {  	s8 =	smul.u32 $0x138800, s3;
	s3 =	sshll.u32 s3, $0x4;
	s7 =	sshrl.u32 s4, $0x1  }
0xd: {  	s3 =	sor.u32 s9, s3;
	s9 =	simm.s32 $0x50;
	s6 =	sshrl.u32 s6, $0x2  }
0xe: {  	s4 =	ssub.s32 s4, s7;
	s9 =	simm.s32 @!p0 $0x4E;
	s7 =	sadd.s32 s23, s8  }
0xf: {  	s21 =	sadd.s32 s6, s2;
	s25 =	sshrl.u32 s8, $0x3;
	s8 =	smul.u32 $0x8C00, s3  }
0x10: {  	s23 =	simm.s32 $0x1;
	s6 =	simm.s32 $0x8;
	s3 =	simm.s32 $0xB  }
0x11: {  	[dreg:$0x5] =	wrdreg s9;
	s24 =	sshrl.u32 s7, $0x3;
	s29 =	smax.u32 s4, $0x1  }
0x12: {  	[dreg:$0x6] =	wrdreg s21;
	s26 =	sadd.s32 s0, s24;
	s0 =	sadd.s32 s0, s25  }
0x13: {  	s9 =	simm.s32 $0x7;
	[dreg:$0x9] =	wrdreg s29;
	s0 =	sadd.s32 $0x24900, s0  }
0x14: {  	s4 =	simm.s32 $0x5;
	[dreg:$0x8] =	wrdreg s0;
	s0 =	sadd.s32 $0x124800, s2  }
0x15: {  	s24 =	simm.s32 $0x6;
	[dreg:$0x7] =	wrdreg s26;
	s0 =	sshrl.u32 @p0 s0, $0x3  }
0x16: {  	v0 =	vimm.f32 $0.0e+00;
	s26 =	simm.s32 $0x8800;
	[dreg:$0xa] =	wrdreg s0;
	s0 =	simm.s32 $0x3  }
.LBB2_1:
0x17: {  	[tilespmem:$0xB000] =	vst v0  }
0x18: {  	[tilespmem:$0xB010] =	vst v0  }
0x19: {  	[tilespmem:$0xB020] =	vst v0  }
0x1a: {  	[tilespmem:$0xB030] =	vst v0  }
0x1b: {  	[tilespmem:$0xB040] =	vst v0  }
0x1c: {  	[tilespmem:$0xB050] =	vst v0  }
0x1d: {  	[tilespmem:$0xB060] =	vst v0  }
0x1e: {  	[tilespmem:$0xB070] =	vst v0  }
0x1f: {  	[tilespmem:$0xB080] =	vst v0  }
0x20: {  	[tilespmem:$0xB090] =	vst v0  }
0x21: {  	[tilespmem:$0xB0A0] =	vst v0  }
0x22: {  	[tilespmem:$0xB0B0] =	vst v0  }
0x23: {  	[tilespmem:$0xB0C0] =	vst v0  }
0x24: {  	[tilespmem:$0xB0D0] =	vst v0  }
0x25: {  	[tilespmem:$0xB0E0] =	vst v0  }
0x26: {  	[tilespmem:$0xB0F0] =	vst v0  }
0x27: {  	[tilespmem:$0xB100] =	vst v0  }
0x28: {  	[tilespmem:$0xB110] =	vst v0  }
0x29: {  	[tilespmem:$0xB120] =	vst v0  }
0x2a: {  	[tilespmem:$0xB130] =	vst v0  }
0x2b: {  	[tilespmem:$0xB140] =	vst v0  }
0x2c: {  	[tilespmem:$0xB150] =	vst v0  }
0x2d: {  	[tilespmem:$0xB160] =	vst v0  }
0x2e: {  	[tilespmem:$0xB170] =	vst v0  }
0x2f: {  	[tilespmem:$0xB180] =	vst v0  }
0x30: {  	[tilespmem:$0xB190] =	vst v0  }
0x31: {  	[tilespmem:$0xB1A0] =	vst v0  }
0x32: {  	[tilespmem:$0xB1B0] =	vst v0  }
0x33: {  	[tilespmem:$0xB1C0] =	vst v0  }
0x34: {  	[tilespmem:$0xB1D0] =	vst v0  }
0x35: {  	[tilespmem:$0xB1E0] =	vst v0  }
0x36: {  	[tilespmem:$0xB1F0] =	vst v0  }
0x37: {  	[tilespmem:$0xB200] =	vst v0  }
0x38: {  	[tilespmem:$0xB210] =	vst v0  }
0x39: {  	[tilespmem:$0xB220] =	vst v0  }
0x3a: {  	[tilespmem:$0xB230] =	vst v0  }
0x3b: {  	[tilespmem:$0xB240] =	vst v0  }
0x3c: {  	[tilespmem:$0xB250] =	vst v0  }
0x3d: {  	[tilespmem:$0xB260] =	vst v0  }
0x3e: {  	[tilespmem:$0xB270] =	vst v0  }
0x3f: {  	[tilespmem:$0xB280] =	vst v0  }
0x40: {  	[tilespmem:$0xB290] =	vst v0  }
0x41: {  	[tilespmem:$0xB2A0] =	vst v0  }
0x42: {  	[tilespmem:$0xB2B0] =	vst v0  }
0x43: {  	[tilespmem:$0xB2C0] =	vst v0  }
0x44: {  	[tilespmem:$0xB2D0] =	vst v0  }
0x45: {  	[tilespmem:$0xB2E0] =	vst v0  }
0x46: {  	[tilespmem:$0xB2F0] =	vst v0  }
0x47: {  	[tilespmem:$0xB300] =	vst v0  }
0x48: {  	[tilespmem:$0xB310] =	vst v0  }
0x49: {  	[tilespmem:$0xB320] =	vst v0  }
0x4a: {  	[tilespmem:$0xB330] =	vst v0  }
0x4b: {  	[tilespmem:$0xB340] =	vst v0  }
0x4c: {  	[tilespmem:$0xB350] =	vst v0  }
0x4d: {  	[tilespmem:$0xB360] =	vst v0  }
0x4e: {  	[tilespmem:$0xB370] =	vst v0  }
0x4f: {  	[tilespmem:$0xB380] =	vst v0  }
0x50: {  	[tilespmem:$0xB390] =	vst v0  }
0x51: {  	[tilespmem:$0xB3A0] =	vst v0  }
0x52: {  	[tilespmem:$0xB3B0] =	vst v0  }
0x53: {  	[tilespmem:$0xB3C0] =	vst v0;
	s7 =	rddreg [dreg:$0x5]  }
0x54: {  	[tilespmem:$0xB3D0] =	vst v0;
	p1 =	sne.s32 s7, $0x1  }
.Ltmp0:
0x55: {  	[tilespmem:$0xB3E0] =	vst v0;
	(pc) =	sbr.rel @!p1 .LBB2_3-.Ltmp0, $4  }
0x56: {  	[dreg:$0x4] =	wrdreg s17;
	[tilespmem:$0xB3F0] =	vst v0  }
0x57: {  	[spmem:s21] =	stream.linear.scatter [tilespmem:s12], [sflag:$0xD], $0x400, $0x38;
	[tilespmem:$0x1EC80] =	vst v63  }
0x58: {  	_ =	swait.ge [sflag:s13], $0x400  }
0x59: {  	s17 =	smov.u32 s21;
	s7 =	sadd.s32 $0xFFFFFFFF, s7;
	[sflag:s13] =	ssyncset.done $0x0  }
.LBB2_2:
0x5a: {  	p1 =	sne.s32 s7, $0x1;
	[sflag:s13] =	ssyncadd.s32 $0xFFFFFC00;
	s17 =	sadd.s32 $0x400, s17  }
.Ltmp1:
0x5b: {  	s7 =	sadd.s32 $0xFFFFFFFF, s7;
	(pc) =	sbr.rel @p1 .LBB2_2-.Ltmp1, $4  }
0x5c: {  	_ = 	snop  }
0x5d: {  	[spmem:s17] =	stream.linear.scatter [tilespmem:s12], [sflag:$0xD], $0x400, $0x38;
	[tilespmem:$0x1EC80] =	vst v63  }
0x5e: {  	_ =	swait.ge [sflag:s13], $0x400  }
0x5f: {  	[sflag:s13] =	ssyncset.done $0x0  }
.LBB2_3:
0x60: {  	[sflag:s13] =	ssyncadd.s32 $0xFFFFFC00  }
0x61: {  	s7 =	simm.s32 $0x0;
	s17 =	simm.s32 $0x0;
	[bflag:$0x0] =	sbarrier.arrive $0xFFFF  }
.LBB2_4:
0x62: {  	s21 =	smul.u32 $0x1C00, s17;
	_ =	sdelay $0x1  }
0x63: {  	s21 =	sadd.s32 s8, s21  }
0x64: {  	s21 =	sshrl.u32 s21, $0x3  }
0x65: {  	s21 =	sadd.s32 s5, s21  }
0x66: {  	[tilespmem:s7], [sflag:$0xD] =	stream.linear.gather [hbm4b:s21+s7], $0x1900, $0x38;
	[tilespmem:$0x1EC80] =	vst v63  }
0x67: {  	_ =	swait.ge [sflag:s13], $0x1900  }
0x68: {  	[sflag:s13] =	ssyncset.done $0x0  }
0x69: {  	s21 =	sadd.s32 $0x23000, s21;
	[sflag:s13] =	ssyncadd.s32 $0xFFFFE700  }
0x6a: {  	[tilespmem:s14], [sflag:$0xD] =	stream.linear.gather [hbm4b:s21+s7], $0x1900, $0x38;
	[tilespmem:$0x1EC80] =	vst v63  }
0x6b: {  	_ =	swait.ge [sflag:s13], $0x1900  }
0x6c: {  	[sflag:s13] =	ssyncset.done $0x0  }
0x6d: {  	[sflag:s13] =	ssyncadd.s32 $0xFFFFE700  }
0x6e: {  	[tilespmem:s16], [sflag:$0x1] =	stream.indirect.gather [hbm4b:s1+s15], $0x80, s7, s15, $0xb8;
	[tilespmem:$0x1EC80] =	vst v63  }
0x6f: {  	s25 =	simm.s32 $0x80  }
0x70: {  	[tilespmem:s18], [sflag:$0x2] =	stream.indirect.gather [hbm4b:s1+s15], $0x80, s25, s15, $0xb8;
	[tilespmem:$0x1EC80] =	vst v63  }
0x71: {  	s25 =	simm.s32 $0x100  }
0x72: {  	[tilespmem:s20], [sflag:$0x3] =	stream.indirect.gather [hbm4b:s1+s15], $0x80, s25, s15, $0xb8;
	[tilespmem:$0x1EC80] =	vst v63  }
0x73: {  	s25 =	simm.s32 $0x180  }
0x74: {  	[tilespmem:s22], [sflag:$0x4] =	stream.indirect.gather [hbm4b:s1+s15], $0x80, s25, s15, $0xb8;
	[tilespmem:$0x1EC80] =	vst v63  }
0x75: {  	_ =	swait.ge [sflag:s23], $0x1400  }
0x76: {  	[sflag:s23] =	ssyncset.done $0x0  }
0x77: {  	[sflag:s23] =	ssyncadd.s32 $0xFFFFEC00  }
0x78: {  	[spmem:s2] =	stream.indirect.scatter.add.f32 [tilespmem:s16], [sflag:$0x7], $0x80, s14, s15, $0xb8;
	[tilespmem:$0x1EC80] =	vst v63  }
0x79: {  	s25 =	simm.s32 $0x200  }
0x7a: {  	[tilespmem:s26], [sflag:$0x5] =	stream.indirect.gather [hbm4b:s1+s15], $0x80, s25, s15, $0xb8;
	[tilespmem:$0x1EC80] =	vst v63  }
0x7b: {  	_ =	swait.ge [sflag:s28], $0x1400  }
0x7c: {  	[sflag:s28] =	ssyncset.done $0x0  }
0x7d: {  	s25 =	simm.s32 $0x1C80;
	[sflag:s28] =	ssyncadd.s32 $0xFFFFEC00  }
0x7e: {  	[spmem:s2] =	stream.indirect.scatter.add.f32 [tilespmem:s18], [sflag:$0x8], $0x80, s25, s15, $0xb8;
	[tilespmem:$0x1EC80] =	vst v63  }
0x7f: {  	s25 =	simm.s32 $0x280  }
0x80: {  	[tilespmem:s31], [sflag:$0x6] =	stream.indirect.gather [hbm4b:s1+s15], $0x80, s25, s15, $0xb8;
	[tilespmem:$0x1EC80] =	vst v63  }
0x81: {  	_ =	swait.ge [sflag:s0], $0x1400  }
0x82: {  	[sflag:s0] =	ssyncset.done $0x0  }
0x83: {  	s25 =	simm.s32 $0x1D00;
	[sflag:s0] =	ssyncadd.s32 $0xFFFFEC00  }
0x84: {  	[spmem:s2] =	stream.indirect.scatter.add.f32 [tilespmem:s20], [sflag:$0x9], $0x80, s25, s15, $0xb8;
	[tilespmem:$0x1EC80] =	vst v63  }
0x85: {  	_ =	swait.ge [sflag:s9], $0x1400  }
0x86: {  	[sflag:s9] =	ssyncset.done $0x0  }
0x87: {  	s25 =	simm.s32 $0x300;
	[sflag:s9] =	ssyncadd.s32 $0xFFFFEC00  }
0x88: {  	[tilespmem:s16], [sflag:$0x1] =	stream.indirect.gather [hbm4b:s1+s15], $0x80, s25, s15, $0xb8;
	[tilespmem:$0x1EC80] =	vst v63  }
0x89: {  	_ =	swait.ge [sflag:s11], $0x1400  }
0x8a: {  	[sflag:s11] =	ssyncset.done $0x0  }
0x8b: {  	s25 =	simm.s32 $0x1D80;
	[sflag:s11] =	ssyncadd.s32 $0xFFFFEC00  }
0x8c: {  	[spmem:s2] =	stream.indirect.scatter.add.f32 [tilespmem:s22], [sflag:$0xA], $0x80, s25, s15, $0xb8;
	[tilespmem:$0x1EC80] =	vst v63  }
0x8d: {  	_ =	swait.ge [sflag:s6], $0x1400  }
0x8e: {  	[sflag:s6] =	ssyncset.done $0x0  }
0x8f: {  	s25 =	simm.s32 $0x380;
	[sflag:s6] =	ssyncadd.s32 $0xFFFFEC00  }
0x90: {  	[tilespmem:s18], [sflag:$0x2] =	stream.indirect.gather [hbm4b:s1+s15], $0x80, s25, s15, $0xb8;
	[tilespmem:$0x1EC80] =	vst v63  }
0x91: {  	_ =	swait.ge [sflag:s4], $0x1400  }
0x92: {  	[sflag:s4] =	ssyncset.done $0x0  }
0x93: {  	s25 =	simm.s32 $0x1E00;
	[sflag:s4] =	ssyncadd.s32 $0xFFFFEC00  }
0x94: {  	[spmem:s2] =	stream.indirect.scatter.add.f32 [tilespmem:s26], [sflag:$0xB], $0x80, s25, s15, $0xb8;
	[tilespmem:$0x1EC80] =	vst v63  }
0x95: {  	_ =	swait.ge [sflag:s19], $0x1400  }
0x96: {  	[sflag:s19] =	ssyncset.done $0x0  }
0x97: {  	s25 =	simm.s32 $0x400;
	[sflag:s19] =	ssyncadd.s32 $0xFFFFEC00  }
0x98: {  	[tilespmem:s20], [sflag:$0x3] =	stream.indirect.gather [hbm4b:s1+s15], $0x80, s25, s15, $0xb8;
	[tilespmem:$0x1EC80] =	vst v63  }
0x99: {  	_ =	swait.ge [sflag:s24], $0x1400  }
0x9a: {  	[sflag:s24] =	ssyncset.done $0x0  }
0x9b: {  	s25 =	simm.s32 $0x1E80;
	[sflag:s24] =	ssyncadd.s32 $0xFFFFEC00  }
0x9c: {  	[spmem:s2] =	stream.indirect.scatter.add.f32 [tilespmem:s31], [sflag:$0xC], $0x80, s25, s15, $0xb8;
	[tilespmem:$0x1EC80] =	vst v63  }
0x9d: {  	_ =	swait.ge [sflag:s30], $0x1400  }
0x9e: {  	[sflag:s30] =	ssyncset.done $0x0  }
0x9f: {  	s25 =	simm.s32 $0x480;
	[sflag:s30] =	ssyncadd.s32 $0xFFFFEC00  }
0xa0: {  	[tilespmem:s22], [sflag:$0x4] =	stream.indirect.gather [hbm4b:s1+s15], $0x80, s25, s15, $0xb8;
	[tilespmem:$0x1EC80] =	vst v63  }
0xa1: {  	_ =	swait.ge [sflag:s23], $0x1400  }
0xa2: {  	[sflag:s23] =	ssyncset.done $0x0  }
0xa3: {  	s25 =	simm.s32 $0x1F00;
	[sflag:s23] =	ssyncadd.s32 $0xFFFFEC00  }
0xa4: {  	[spmem:s2] =	stream.indirect.scatter.add.f32 [tilespmem:s16], [sflag:$0x7], $0x80, s25, s15, $0xb8;
	[tilespmem:$0x1EC80] =	vst v63  }
0xa5: {  	_ =	swait.ge [sflag:s3], $0x1400  }
0xa6: {  	[sflag:s3] =	ssyncset.done $0x0  }
0xa7: {  	s25 =	simm.s32 $0x500;
	[sflag:s3] =	ssyncadd.s32 $0xFFFFEC00  }
0xa8: {  	[tilespmem:s26], [sflag:$0x5] =	stream.indirect.gather [hbm4b:s1+s15], $0x80, s25, s15, $0xb8;
	[tilespmem:$0x1EC80] =	vst v63  }
0xa9: {  	_ =	swait.ge [sflag:s28], $0x1400  }
0xaa: {  	[sflag:s28] =	ssyncset.done $0x0  }
0xab: {  	s25 =	simm.s32 $0x1F80;
	[sflag:s28] =	ssyncadd.s32 $0xFFFFEC00  }
0xac: {  	[spmem:s2] =	stream.indirect.scatter.add.f32 [tilespmem:s18], [sflag:$0x8], $0x80, s25, s15, $0xb8;
	[tilespmem:$0x1EC80] =	vst v63  }
0xad: {  	_ =	swait.ge [sflag:s10], $0x1400  }
0xae: {  	[sflag:s10] =	ssyncset.done $0x0  }
0xaf: {  	s25 =	simm.s32 $0x580;
	[sflag:s10] =	ssyncadd.s32 $0xFFFFEC00  }
0xb0: {  	[tilespmem:s31], [sflag:$0x6] =	stream.indirect.gather [hbm4b:s1+s15], $0x80, s25, s15, $0xb8;
	[tilespmem:$0x1EC80] =	vst v63  }
0xb1: {  	_ =	swait.ge [sflag:s0], $0x1400  }
0xb2: {  	[sflag:s0] =	ssyncset.done $0x0  }
0xb3: {  	s25 =	simm.s32 $0x2000;
	[sflag:s0] =	ssyncadd.s32 $0xFFFFEC00  }
0xb4: {  	[spmem:s2] =	stream.indirect.scatter.add.f32 [tilespmem:s20], [sflag:$0x9], $0x80, s25, s15, $0xb8;
	[tilespmem:$0x1EC80] =	vst v63  }
0xb5: {  	_ =	swait.ge [sflag:s9], $0x1400  }
0xb6: {  	[sflag:s9] =	ssyncset.done $0x0  }
0xb7: {  	s25 =	simm.s32 $0x600;
	[sflag:s9] =	ssyncadd.s32 $0xFFFFEC00  }
0xb8: {  	[tilespmem:s16], [sflag:$0x1] =	stream.indirect.gather [hbm4b:s1+s15], $0x80, s25, s15, $0xb8;
	[tilespmem:$0x1EC80] =	vst v63  }
0xb9: {  	_ =	swait.ge [sflag:s11], $0x1400  }
0xba: {  	[sflag:s11] =	ssyncset.done $0x0  }
0xbb: {  	s25 =	simm.s32 $0x2080;
	[sflag:s11] =	ssyncadd.s32 $0xFFFFEC00  }
0xbc: {  	[spmem:s2] =	stream.indirect.scatter.add.f32 [tilespmem:s22], [sflag:$0xA], $0x80, s25, s15, $0xb8;
	[tilespmem:$0x1EC80] =	vst v63  }
0xbd: {  	_ =	swait.ge [sflag:s6], $0x1400  }
0xbe: {  	[sflag:s6] =	ssyncset.done $0x0  }
0xbf: {  	s25 =	simm.s32 $0x680;
	[sflag:s6] =	ssyncadd.s32 $0xFFFFEC00  }
0xc0: {  	[tilespmem:s18], [sflag:$0x2] =	stream.indirect.gather [hbm4b:s1+s15], $0x80, s25, s15, $0xb8;
	[tilespmem:$0x1EC80] =	vst v63  }
0xc1: {  	_ =	swait.ge [sflag:s4], $0x1400  }
0xc2: {  	[sflag:s4] =	ssyncset.done $0x0  }
0xc3: {  	s25 =	simm.s32 $0x2100;
	[sflag:s4] =	ssyncadd.s32 $0xFFFFEC00  }
0xc4: {  	[spmem:s2] =	stream.indirect.scatter.add.f32 [tilespmem:s26], [sflag:$0xB], $0x80, s25, s15, $0xb8;
	[tilespmem:$0x1EC80] =	vst v63  }
0xc5: {  	_ =	swait.ge [sflag:s19], $0x1400  }
0xc6: {  	[sflag:s19] =	ssyncset.done $0x0  }
0xc7: {  	s25 =	simm.s32 $0x700;
	[sflag:s19] =	ssyncadd.s32 $0xFFFFEC00  }
0xc8: {  	[tilespmem:s20], [sflag:$0x3] =	stream.indirect.gather [hbm4b:s1+s15], $0x80, s25, s15, $0xb8;
	[tilespmem:$0x1EC80] =	vst v63  }
0xc9: {  	_ =	swait.ge [sflag:s24], $0x1400  }
0xca: {  	[sflag:s24] =	ssyncset.done $0x0  }
0xcb: {  	s29 =	simm.s32 $0x2180;
	s21 =	simm.s32 $0xC00;
	[sflag:s24] =	ssyncadd.s32 $0xFFFFEC00  }
.LBB2_5:
0xcc: {  	[spmem:s2] =	stream.indirect.scatter.add.f32 [tilespmem:s31], [sflag:$0xC], $0x80, s29, s15, $0xb8;
	[tilespmem:$0x1EC80] =	vst v63  }
0xcd: {  	s29 =	smov.u32 s21;
	s21 =	sadd.s32 $0xC00, s21;
	_ =	swait.ge [sflag:s30], $0x1400  }
0xce: {  	s29 =	sshra.s32 s29, $0x2;
	p1 =	sne.s32 s21, $0x4800;
	[sflag:s30] =	ssyncset.done $0x0  }
0xcf: {  	s25 =	sadd.s32 $0x480, s29;
	[sflag:s30] =	ssyncadd.s32 $0xFFFFEC00  }
0xd0: {  	[tilespmem:s22], [sflag:$0x4] =	stream.indirect.gather [hbm4b:s1+s15], $0x80, s25, s15, $0xb8;
	[tilespmem:$0x1EC80] =	vst v63  }
0xd1: {  	_ =	swait.ge [sflag:s23], $0x1400  }
0xd2: {  	[sflag:s23] =	ssyncset.done $0x0  }
0xd3: {  	s25 =	sadd.s32 $0x1F00, s29;
	[sflag:s23] =	ssyncadd.s32 $0xFFFFEC00  }
0xd4: {  	[spmem:s2] =	stream.indirect.scatter.add.f32 [tilespmem:s16], [sflag:$0x7], $0x80, s25, s15, $0xb8;
	[tilespmem:$0x1EC80] =	vst v63  }
0xd5: {  	_ =	swait.ge [sflag:s3], $0x1400  }
0xd6: {  	[sflag:s3] =	ssyncset.done $0x0  }
0xd7: {  	s25 =	sadd.s32 $0x500, s29;
	[sflag:s3] =	ssyncadd.s32 $0xFFFFEC00  }
0xd8: {  	[tilespmem:s26], [sflag:$0x5] =	stream.indirect.gather [hbm4b:s1+s15], $0x80, s25, s15, $0xb8;
	[tilespmem:$0x1EC80] =	vst v63  }
0xd9: {  	_ =	swait.ge [sflag:s28], $0x1400  }
0xda: {  	[sflag:s28] =	ssyncset.done $0x0  }
0xdb: {  	s25 =	sadd.s32 $0x1F80, s29;
	[sflag:s28] =	ssyncadd.s32 $0xFFFFEC00  }
0xdc: {  	[spmem:s2] =	stream.indirect.scatter.add.f32 [tilespmem:s18], [sflag:$0x8], $0x80, s25, s15, $0xb8;
	[tilespmem:$0x1EC80] =	vst v63  }
0xdd: {  	_ =	swait.ge [sflag:s10], $0x1400  }
0xde: {  	[sflag:s10] =	ssyncset.done $0x0  }
0xdf: {  	s25 =	sadd.s32 $0x580, s29;
	[sflag:s10] =	ssyncadd.s32 $0xFFFFEC00  }
0xe0: {  	[tilespmem:s31], [sflag:$0x6] =	stream.indirect.gather [hbm4b:s1+s15], $0x80, s25, s15, $0xb8;
	[tilespmem:$0x1EC80] =	vst v63  }
0xe1: {  	_ =	swait.ge [sflag:s0], $0x1400  }
0xe2: {  	[sflag:s0] =	ssyncset.done $0x0  }
0xe3: {  	s25 =	sadd.s32 $0x2000, s29;
	[sflag:s0] =	ssyncadd.s32 $0xFFFFEC00  }
0xe4: {  	[spmem:s2] =	stream.indirect.scatter.add.f32 [tilespmem:s20], [sflag:$0x9], $0x80, s25, s15, $0xb8;
	[tilespmem:$0x1EC80] =	vst v63  }
0xe5: {  	_ =	swait.ge [sflag:s9], $0x1400  }
0xe6: {  	[sflag:s9] =	ssyncset.done $0x0  }
0xe7: {  	s25 =	sadd.s32 $0x600, s29;
	[sflag:s9] =	ssyncadd.s32 $0xFFFFEC00  }
0xe8: {  	[tilespmem:s16], [sflag:$0x1] =	stream.indirect.gather [hbm4b:s1+s15], $0x80, s25, s15, $0xb8;
	[tilespmem:$0x1EC80] =	vst v63  }
0xe9: {  	_ =	swait.ge [sflag:s11], $0x1400  }
0xea: {  	[sflag:s11] =	ssyncset.done $0x0  }
0xeb: {  	s25 =	sadd.s32 $0x2080, s29;
	[sflag:s11] =	ssyncadd.s32 $0xFFFFEC00  }
0xec: {  	[spmem:s2] =	stream.indirect.scatter.add.f32 [tilespmem:s22], [sflag:$0xA], $0x80, s25, s15, $0xb8;
	[tilespmem:$0x1EC80] =	vst v63  }
0xed: {  	_ =	swait.ge [sflag:s6], $0x1400  }
0xee: {  	[sflag:s6] =	ssyncset.done $0x0  }
0xef: {  	s25 =	sadd.s32 $0x680, s29;
	[sflag:s6] =	ssyncadd.s32 $0xFFFFEC00  }
0xf0: {  	[tilespmem:s18], [sflag:$0x2] =	stream.indirect.gather [hbm4b:s1+s15], $0x80, s25, s15, $0xb8;
	[tilespmem:$0x1EC80] =	vst v63  }
0xf1: {  	_ =	swait.ge [sflag:s4], $0x1400  }
0xf2: {  	[sflag:s4] =	ssyncset.done $0x0  }
0xf3: {  	s25 =	sadd.s32 $0x2100, s29;
	[sflag:s4] =	ssyncadd.s32 $0xFFFFEC00  }
0xf4: {  	[spmem:s2] =	stream.indirect.scatter.add.f32 [tilespmem:s26], [sflag:$0xB], $0x80, s25, s15, $0xb8;
	[tilespmem:$0x1EC80] =	vst v63  }
0xf5: {  	_ =	swait.ge [sflag:s19], $0x1400  }
0xf6: {  	[sflag:s19] =	ssyncset.done $0x0  }
.Ltmp2:
0xf7: {  	s25 =	sadd.s32 $0x700, s29;
	[sflag:s19] =	ssyncadd.s32 $0xFFFFEC00;
	(pc) =	sbr.rel @p1 .LBB2_5-.Ltmp2, $4  }
0xf8: {  	[tilespmem:s20], [sflag:$0x3] =	stream.indirect.gather [hbm4b:s1+s15], $0x80, s25, s15, $0xb8;
	[tilespmem:$0x1EC80] =	vst v63  }
0xf9: {  	_ =	swait.ge [sflag:s24], $0x1400  }
0xfa: {  	[sflag:s24] =	ssyncset.done $0x0  }
0xfb: {  	s29 =	sadd.s32 $0x2180, s29;
	[sflag:s24] =	ssyncadd.s32 $0xFFFFEC00  }
0xfc: {  	[spmem:s2] =	stream.indirect.scatter.add.f32 [tilespmem:s31], [sflag:$0xC], $0x80, s29, s15, $0xb8;
	[tilespmem:$0x1EC80] =	vst v63  }
0xfd: {  	_ =	swait.ge [sflag:s30], $0x1400  }
0xfe: {  	s21 =	sshra.s32 s21, $0x2;
	[sflag:s30] =	ssyncset.done $0x0  }
0xff: {  	s25 =	sadd.s32 $0x480, s21;
	[sflag:s30] =	ssyncadd.s32 $0xFFFFEC00  }
0x100: {  	[tilespmem:s22], [sflag:$0x4] =	stream.indirect.gather [hbm4b:s1+s15], $0x80, s25, s15, $0xb8;
	[tilespmem:$0x1EC80] =	vst v63  }
0x101: {  	_ =	swait.ge [sflag:s23], $0x1400  }
0x102: {  	[sflag:s23] =	ssyncset.done $0x0  }
0x103: {  	s29 =	sadd.s32 $0x1F00, s21;
	[sflag:s23] =	ssyncadd.s32 $0xFFFFEC00  }
0x104: {  	[spmem:s2] =	stream.indirect.scatter.add.f32 [tilespmem:s16], [sflag:$0x7], $0x80, s29, s15, $0xb8;
	[tilespmem:$0x1EC80] =	vst v63  }
0x105: {  	_ =	swait.ge [sflag:s3], $0x1400  }
0x106: {  	[sflag:s3] =	ssyncset.done $0x0  }
0x107: {  	s29 =	simm.s32 $0x1700;
	[sflag:s3] =	ssyncadd.s32 $0xFFFFEC00  }
0x108: {  	[tilespmem:s26], [sflag:$0x5] =	stream.indirect.gather [hbm4b:s1+s15], $0x80, s29, s15, $0xb8;
	[tilespmem:$0x1EC80] =	vst v63  }
0x109: {  	_ =	swait.ge [sflag:s28], $0x1400  }
0x10a: {  	[sflag:s28] =	ssyncset.done $0x0  }
0x10b: {  	s29 =	sadd.s32 $0x1F80, s21;
	[sflag:s28] =	ssyncadd.s32 $0xFFFFEC00  }
0x10c: {  	[spmem:s2] =	stream.indirect.scatter.add.f32 [tilespmem:s18], [sflag:$0x8], $0x80, s29, s15, $0xb8;
	[tilespmem:$0x1EC80] =	vst v63  }
0x10d: {  	_ =	swait.ge [sflag:s10], $0x1400  }
0x10e: {  	[sflag:s10] =	ssyncset.done $0x0  }
0x10f: {  	s29 =	simm.s32 $0x1780;
	[sflag:s10] =	ssyncadd.s32 $0xFFFFEC00  }
0x110: {  	[tilespmem:s31], [sflag:$0x6] =	stream.indirect.gather [hbm4b:s1+s15], $0x80, s29, s15, $0xb8;
	[tilespmem:$0x1EC80] =	vst v63  }
0x111: {  	_ =	swait.ge [sflag:s0], $0x1400  }
0x112: {  	[sflag:s0] =	ssyncset.done $0x0  }
0x113: {  	s29 =	sadd.s32 $0x2000, s21;
	[sflag:s0] =	ssyncadd.s32 $0xFFFFEC00  }
0x114: {  	[spmem:s2] =	stream.indirect.scatter.add.f32 [tilespmem:s20], [sflag:$0x9], $0x80, s29, s15, $0xb8;
	[tilespmem:$0x1EC80] =	vst v63  }
0x115: {  	_ =	swait.ge [sflag:s9], $0x1400  }
0x116: {  	[sflag:s9] =	ssyncset.done $0x0  }
0x117: {  	s29 =	sadd.s32 $0x600, s21;
	[sflag:s9] =	ssyncadd.s32 $0xFFFFEC00  }
0x118: {  	[tilespmem:s16], [sflag:$0x1] =	stream.indirect.gather [hbm4b:s1+s15], $0x80, s29, s15, $0xb8;
	[tilespmem:$0x1EC80] =	vst v63  }
0x119: {  	_ =	swait.ge [sflag:s11], $0x1400  }
0x11a: {  	[sflag:s11] =	ssyncset.done $0x0  }
0x11b: {  	s29 =	sadd.s32 $0x2080, s21;
	[sflag:s11] =	ssyncadd.s32 $0xFFFFEC00  }
0x11c: {  	[spmem:s2] =	stream.indirect.scatter.add.f32 [tilespmem:s22], [sflag:$0xA], $0x80, s29, s15, $0xb8;
	[tilespmem:$0x1EC80] =	vst v63  }
0x11d: {  	_ =	swait.ge [sflag:s6], $0x1400  }
0x11e: {  	[sflag:s6] =	ssyncset.done $0x0  }
0x11f: {  	s21 =	sadd.s32 $0x680, s21;
	[sflag:s6] =	ssyncadd.s32 $0xFFFFEC00  }
0x120: {  	[tilespmem:s18], [sflag:$0x2] =	stream.indirect.gather [hbm4b:s1+s15], $0x80, s21, s15, $0xb8;
	[tilespmem:$0x1EC80] =	vst v63  }
0x121: {  	_ =	swait.ge [sflag:s4], $0x1400  }
0x122: {  	[sflag:s4] =	ssyncset.done $0x0  }
0x123: {  	s25 =	simm.s32 $0x3300;
	[sflag:s4] =	ssyncadd.s32 $0xFFFFEC00  }
0x124: {  	[spmem:s2] =	stream.indirect.scatter.add.f32 [tilespmem:s26], [sflag:$0xB], $0x80, s25, s15, $0xb8;
	[tilespmem:$0x1EC80] =	vst v63  }
0x125: {  	_ =	swait.ge [sflag:s19], $0x1400  }
0x126: {  	[sflag:s19] =	ssyncset.done $0x0  }
0x127: {  	[sflag:s19] =	ssyncadd.s32 $0xFFFFEC00  }
0x128: {  	_ =	swait.ge [sflag:s24], $0x1400  }
0x129: {  	[sflag:s24] =	ssyncset.done $0x0  }
0x12a: {  	s29 =	simm.s32 $0x3380;
	[sflag:s24] =	ssyncadd.s32 $0xFFFFEC00  }
0x12b: {  	[spmem:s2] =	stream.indirect.scatter.add.f32 [tilespmem:s31], [sflag:$0xC], $0x80, s29, s15, $0xb8;
	[tilespmem:$0x1EC80] =	vst v63  }
0x12c: {  	_ =	swait.ge [sflag:s23], $0x1400  }
0x12d: {  	[sflag:s23] =	ssyncset.done $0x0  }
0x12e: {  	s25 =	simm.s32 $0x3400;
	[sflag:s23] =	ssyncadd.s32 $0xFFFFEC00  }
0x12f: {  	[spmem:s2] =	stream.indirect.scatter.add.f32 [tilespmem:s16], [sflag:$0x7], $0x80, s25, s15, $0xb8;
	[tilespmem:$0x1EC80] =	vst v63  }
0x130: {  	_ =	swait.ge [sflag:s28], $0x1400  }
0x131: {  	[sflag:s28] =	ssyncset.done $0x0  }
0x132: {  	s29 =	simm.s32 $0x3480;
	[sflag:s28] =	ssyncadd.s32 $0xFFFFEC00  }
0x133: {  	[spmem:s2] =	stream.indirect.scatter.add.f32 [tilespmem:s18], [sflag:$0x8], $0x80, s29, s15, $0xb8;
	[tilespmem:$0x1EC80] =	vst v63  }
0x134: {  	_ =	swait.ge [sflag:s30], $0x1400  }
0x135: {  	[sflag:s30] =	ssyncset.done $0x0  }
0x136: {  	[sflag:s30] =	ssyncadd.s32 $0xFFFFEC00  }
0x137: {  	_ =	swait.ge [sflag:s3], $0x1400  }
0x138: {  	[sflag:s3] =	ssyncset.done $0x0  }
0x139: {  	[sflag:s3] =	ssyncadd.s32 $0xFFFFEC00  }
0x13a: {  	_ =	swait.ge [sflag:s10], $0x1400  }
0x13b: {  	[sflag:s10] =	ssyncset.done $0x0  }
0x13c: {  	s17 =	sadd.s32 $0x1, s17;
	[sflag:s10] =	ssyncadd.s32 $0xFFFFEC00  }
0x13d: {  	p1 =	sne.s32 s17, $0x5;
	_ =	swait.ge [sflag:s9], $0x1400  }
.Ltmp3:
0x13e: {  	[sflag:s9] =	ssyncset.done $0x0;
	(pc) =	sbr.rel @p1 .LBB2_4-.Ltmp3, $4  }
0x13f: {  	[sflag:s9] =	ssyncadd.s32 $0xFFFFEC00  }
0x140: {  	_ =	swait.ge [sflag:s6], $0x1400  }
0x141: {  	[sflag:s6] =	ssyncset.done $0x0  }
0x142: {  	[sflag:s6] =	ssyncadd.s32 $0xFFFFEC00  }
0x143: {  	[bflag:$0x0] =	sbarrier.arrive $0xFFFF  }
0x144: {  	s17 =	rddreg [dreg:$0x8]  }
0x145: {  	s7 =	simm.s32 @p0 $0x1FCD;
	s21 =	rddreg [dreg:$0xa]  }
0x146: {  	[hbm:s17], [sflag:s7] =	dma.local @p0 [spmem:s21], $0x2800  }
0x147: {  	s7 =	simm.s32 @p0 $0xD  }
0x148: {  	_ =	swait.ge @p0 [sflag:s7], $0x2800  }
0x149: {  	s17 =	stileid.u32;
	s21 =	rddreg [dreg:$0x6]  }
0x14a: {  	s17 =	sshll.u32 @!p0 s17, $0x6;
	[sflag:s7] =	ssyncset.done @p0 $0x0;
	s25 =	rddreg [dreg:$0x7]  }
0x14b: {  	[sflag:s7] =	ssyncadd.s32 @p0 $0xFFFFD800;
	s7 =	sor.u32 @!p0 $0x1C0D, s17;
	s17 =	sshrl.u32 @!p0 s21, $0x3  }
0x14c: {  	[hbm:s25], [sflag:s7] =	dma.local @!p0 [spmem:s17], $0x2700  }
0x14d: {  	s7 =	simm.s32 @!p0 $0xD  }
0x14e: {  	_ =	swait.ge @!p0 [sflag:s7], $0x2700  }
0x14f: {  	s25 =	rddreg [dreg:$0x4]  }
0x150: {  	s29 =	rddreg [dreg:$0x9];
	s17 =	sadd.s32 $0x1, s25  }
0x151: {  	p1 =	sne.s32 s17, s29  }
.Ltmp4:
0x152: {  	_ = 	snop;
	(pc) =	sbr.rel @p1 .LBB2_1-.Ltmp4, $3  }
0x153: {  	_ =	sdelay $0x1  }
0x154: {  	[sflag:s7] =	ssyncset.done @!p0 $0x0  }
0x155: {  	[sflag:s7] =	ssyncadd.s32 @!p0 $0xFFFFD900  }
0x156: {  	_ =	sfence.sel $0x180000  }
0x157: {  	[bflag:$0x0] =	sbarrier.arrive $0xFFFF  }
0x158: {  	_ =	strace $0x9000004A  }
0x159: {  	s0 =	stileid.u32;
	[bflag:$0x2] =	sbarrier.arrive $0xFFFF  }
0x15a: {  	p0 =	sne.s32 s0, $0x0;
	s0 =	rddreg [dreg:$0x3]  }
0x15b: {  	s0 =	sadd.s32 @!p0 $0x100000, s0  }
0x15c: {  	[sflag:s0] =	ssyncadd.tile.s32 @!p0 $0x1;
	_ =	shalt  }
.Lfunc_end2:
_tile_overlayer_lowered:
.L_overlay_start_2:
0x15d: {  	(tag) =	ssettag $0x2  }
0x15e: {  	s0 =	rddreg [dreg:$0x0];
	s2 =	stileid.u32  }
0x15f: {  	s1 =	rddreg [dreg:$0x1];
	p0 =	sne.s32 s2, $0x0  }
0x160: {  	s3 =	rddreg [dreg:$0x2];
	[bflag:$0x3] =	sbarrier.arrive $0xFFFF;
	s2 =	simm.s32 @!p0 $0x1C0D  }
0x161: {  	[timem:s3], [sflag:s2] =	dma.local @!p0 [hbm:s0], s1  }
0x162: {  	s0 =	simm.s32 @!p0 $0xD  }
0x163: {  	_ =	swait.ge @!p0 [sflag:s0], s1  }
0x164: {  	s1 =	ssub.s32 @!p0 $0x0, s1;
	[sflag:s0] =	ssyncset.done @!p0 $0x0  }
0x165: {  	[sflag:s0] =	ssyncadd.s32 @!p0 s1  }
0x166: {  	[bflag:$0x3] =	sbarrier.arrive $0xFFFF  }
0x167: {  	_ =	shalt  }

</sc_bundles>
